<compile_context>
chip_gen: v7x
topology: tpu7x:2x2x1
jax: 0.10.2.dev20260603
libtpu: 0.0.44.dev20260713+nightly
codegen_flags: <defaults>
</compile_context>

<pallas_src>
import jax
import jax.numpy as jnp
from jax import lax
from jax.experimental import pallas as pl
from jax.experimental.pallas import tpu as pltpu
from jax.experimental.pallas import tpu_sc as plsc

_B, _C, _T, _D = 8, 64, 1024, 128
_Q = _T // _C
_NW = 32
_PAIRS = _C * _Q
_PPW = _PAIRS // _NW
_ROWS = _C
_CR = 2 * _ROWS
_L = 16


def _chunk_base(p0, k):
    j = 2 * (k // _B)
    bi = k % _B
    p = p0 + j
    ch = p // _Q
    q = p % _Q
    return j, bi * (_C * _T) + ch * _T + q * _ROWS


def _sc_body(x_hbm, tt_hbm, ct_hbm, o_hbm, ct_v, tt_v,
             in0, in1, out0, out1, isem0, isem1, osem0, osem1):
    cid = lax.axis_index("c")
    sid = lax.axis_index("s")
    wid = sid * 2 + cid
    p0 = wid * _PPW
    pltpu.sync_copy(ct_hbm, ct_v)
    pltpu.sync_copy(tt_hbm.at[pl.ds(p0, _PPW)], tt_v)

    ins = (in0, in1)
    outs = (out0, out1)
    isems = (isem0, isem1)
    osems = (osem0, osem1)
    n_chunks = _PPW * _B // 2

    for s in range(2):
        _, base = _chunk_base(p0, s)
        pltpu.async_copy(x_hbm.at[pl.ds(base, _CR)], ins[s], isems[s])

    def step(k0, carry):
        for s in range(2):
            k = k0 * 2 + s
            j, base = _chunk_base(p0, k)
            inb, outb = ins[s], outs[s]
            pltpu.make_async_copy(x_hbm.at[pl.ds(base, _CR)], inb,
                                  isems[s]).wait()

            @pl.when(k >= 2)
            def _():
                pltpu.make_async_copy(outb, o_hbm.at[pl.ds(base, _CR)],
                                      osems[s]).wait()

            for h in range(2):
                tts = tuple(tt_v[j + h, pl.ds(g * _L, _L)]
                            for g in range(_D // _L))

                @plsc.parallel_loop(0, _ROWS, step=1, unroll=4)
                def _(r):
                    for g in range(_D // _L):
                        sl = pl.ds(g * _L, _L)
                        outb[h * _ROWS + r, sl] = (
                            inb[h * _ROWS + r, sl] + ct_v[r, sl] + tts[g])

            @pl.when(k + 2 < n_chunks)
            def _():
                _, nbase = _chunk_base(p0, k + 2)
                pltpu.async_copy(x_hbm.at[pl.ds(nbase, _CR)], inb, isems[s])

            pltpu.async_copy(outb, o_hbm.at[pl.ds(base, _CR)], osems[s])
        return carry

    lax.fori_loop(0, n_chunks // 2, step, 0)
    for s in range(2):
        pltpu.make_async_copy(outs[s], o_hbm.at[pl.ds(0, _CR)],
                              osems[s]).wait()


def kernel(x, time_table, channel_table):
    b, c, T, D = x.shape
    assert (b, c, T, D) == (_B, _C, _T, _D)
    mesh = plsc.VectorSubcoreMesh(
        core_axis_name="c", subcore_axis_name="s", num_cores=2, num_subcores=16
    )
    f = pl.kernel(
        _sc_body,
        out_type=jax.ShapeDtypeStruct((b * c * T, D), x.dtype),
        mesh=mesh,
        scratch_types=[
            pltpu.VMEM((_ROWS, _D), jnp.float32),
            pltpu.VMEM((_PPW, _D), jnp.float32),
            pltpu.VMEM((_CR, _D), jnp.float32),
            pltpu.VMEM((_CR, _D), jnp.float32),
            pltpu.VMEM((_CR, _D), jnp.float32),
            pltpu.VMEM((_CR, _D), jnp.float32),
            pltpu.SemaphoreType.DMA,
            pltpu.SemaphoreType.DMA,
            pltpu.SemaphoreType.DMA,
            pltpu.SemaphoreType.DMA,
        ],
    )
    out = f(x.reshape(b * c * T, D), time_table, channel_table)
    return out.reshape(b, c * T, D)

# --- scband reference (transcript-rebuilt; emitter-appended) ---
"""Pipeline reference for scband-auxiliary-eegencoder-34600256536758 (READ-ONLY COPY).

The authoritative reference and input builder live on the scoring server;
editing this copy changes nothing except your own understanding.
"""

import jax, jax.numpy as jnp
import numpy as np


def setup_inputs(seed: int = 0) -> dict:
    key = jax.random.key(seed)
    k1, k2, k3 = jax.random.split(key, 3)
    b, c, T, D = 8, 64, 1024, 128
    max_time, max_chan = 2048, 64
    x = jax.random.normal(k1, (b, c, T, D), dtype=jnp.float32)
    time_table = jax.random.normal(k2, (max_time, D), dtype=jnp.float32) * 0.02
    channel_table = jax.random.normal(k3, (max_chan, D), dtype=jnp.float32) * 0.02
    return {"x": x, "time_table": time_table, "channel_table": channel_table}


def reference(x, time_table, channel_table):
    b, c, T, D = x.shape
    # rearrange 'b c T D -> b (c T) D'
    x = x.reshape(b, c * T, D)
    # time_ids = arange(T).repeat_interleave(c)
    time_ids = jnp.repeat(jnp.arange(T), c)
    # channel_ids = arange(c).repeat(T)  (torch repeat == tile)
    channel_ids = jnp.tile(jnp.arange(c), T)
    return x + jnp.take(time_table, time_ids, axis=0) + jnp.take(channel_table, channel_ids, axis=0)

if __name__ == "__main__":
    import jax
    _d = setup_inputs()
    print(jax.jit(kernel)(*tuple(_d.values())))

</pallas_src>

<mosaic_0001>
#map = affine_map<(d0, d1) -> (0, 0)>
module attributes {stable_mosaic.version = 14 : i64} {
  func.func @_sc_body(%arg0: i32, %arg1: i32, %arg2: memref<524288x128xf32, #tpu.memory_space<hbm>>, %arg3: memref<2048x128xf32, #tpu.memory_space<hbm>>, %arg4: memref<64x128xf32, #tpu.memory_space<hbm>>, %arg5: memref<524288x128xf32, #tpu.memory_space<hbm>>, %arg6: memref<64x128xf32, #tpu.memory_space<vmem>>, %arg7: memref<32x128xf32, #tpu.memory_space<vmem>>, %arg8: memref<128x128xf32, #tpu.memory_space<vmem>>, %arg9: memref<128x128xf32, #tpu.memory_space<vmem>>, %arg10: memref<128x128xf32, #tpu.memory_space<vmem>>, %arg11: memref<128x128xf32, #tpu.memory_space<vmem>>, %arg12: memref<!tpu.dma_semaphore, #tpu.memory_space<semaphore_mem>>, %arg13: memref<!tpu.dma_semaphore, #tpu.memory_space<semaphore_mem>>, %arg14: memref<!tpu.dma_semaphore, #tpu.memory_space<semaphore_mem>>, %arg15: memref<!tpu.dma_semaphore, #tpu.memory_space<semaphore_mem>>) attributes {dimension_semantics = [#tpu.dimension_semantics<core_parallel>, #tpu.dimension_semantics<subcore_parallel>], iteration_bounds = array<i64: 2, 16>, scalar_prefetch = 0 : i64, scratch_operands = 10 : i64, tpu.core_type = #tpu.core_type<sc_vector_subcore>, window_params = [{transform_indices = #map}, {transform_indices = #map}, {transform_indices = #map}, {transform_indices = #map}]} {
    %mul3A = arith.constant 2 : i32
    %mul3A_0 = arith.muli %arg1, %mul3A : i32
    %add3A = arith.addi %mul3A_0, %arg0 : i32
    %mul3A_1 = arith.constant 32 : i32
    %mul3A_2 = arith.muli %add3A, %mul3A_1 : i32
    "tpu.region"() ({
      %run_scoped3A = tpu.sem_alloc : memref<!tpu.dma_semaphore, #tpu.memory_space<semaphore_mem>>
      tpu.enqueue_dma source(%arg4 : memref<64x128xf32, #tpu.memory_space<hbm>>) target(%arg6 : memref<64x128xf32, #tpu.memory_space<vmem>>) target_semaphore(%run_scoped3A : memref<!tpu.dma_semaphore, #tpu.memory_space<semaphore_mem>>)
      tpu.wait_dma2 semaphore(%run_scoped3A : memref<!tpu.dma_semaphore, #tpu.memory_space<semaphore_mem>>) src(%arg4 : memref<64x128xf32, #tpu.memory_space<hbm>>) dst(%arg6 : memref<64x128xf32, #tpu.memory_space<vmem>>)
      tpu.yield
    }) : () -> ()
    "tpu.region"() ({
      %run_scoped3A = tpu.sem_alloc : memref<!tpu.dma_semaphore, #tpu.memory_space<semaphore_mem>>
      %dma_start3A_114 = arith.constant 0 : i32
      %dma_start3A_115 = tpu.memref_slice %arg3[%mul3A_2, %dma_start3A_114] : memref<2048x128xf32, #tpu.memory_space<hbm>> -> memref<32x128xf32, #tpu.memory_space<hbm>>
      %dma_start3A_116 = arith.constant 0 : i32
      %dma_start3A_117 = tpu.memref_slice %arg3[%mul3A_2, %dma_start3A_116] : memref<2048x128xf32, #tpu.memory_space<hbm>> -> memref<32x128xf32, #tpu.memory_space<hbm>>
      tpu.enqueue_dma source(%dma_start3A_117 : memref<32x128xf32, #tpu.memory_space<hbm>>) target(%arg7 : memref<32x128xf32, #tpu.memory_space<vmem>>) target_semaphore(%run_scoped3A : memref<!tpu.dma_semaphore, #tpu.memory_space<semaphore_mem>>)
      %dma_wait3A_118 = arith.constant 0 : i32
      %dma_wait3A_119 = tpu.memref_slice %arg3[%mul3A_2, %dma_wait3A_118] : memref<2048x128xf32, #tpu.memory_space<hbm>> -> memref<32x128xf32, #tpu.memory_space<hbm>>
      %dma_wait3A_120 = arith.constant 0 : i32
      %dma_wait3A_121 = tpu.memref_slice %arg3[%mul3A_2, %dma_wait3A_120] : memref<2048x128xf32, #tpu.memory_space<hbm>> -> memref<32x128xf32, #tpu.memory_space<hbm>>
      tpu.wait_dma2 semaphore(%run_scoped3A : memref<!tpu.dma_semaphore, #tpu.memory_space<semaphore_mem>>) src(%dma_wait3A_121 : memref<32x128xf32, #tpu.memory_space<hbm>>) dst(%arg7 : memref<32x128xf32, #tpu.memory_space<vmem>>)
      tpu.yield
    }) : () -> ()
    %add3A_3 = arith.constant 0 : i32
    %add3A_4 = arith.addi %mul3A_2, %add3A_3 : i32
    %jit3A = arith.constant 16 : i32
    %div3A = arith.divsi %add3A_4, %jit3A : i32
    %sign3A = arith.constant 0 : i32
    %sign3A_5 = arith.cmpi sgt, %add3A_4, %sign3A : i32
    %sign3A_6 = arith.extui %sign3A_5 : i1 to i32
    %sign3A_7 = arith.constant 0 : i32
    %sign3A_8 = arith.cmpi slt, %add3A_4, %sign3A_7 : i32
    %sign3A_9 = arith.extui %sign3A_8 : i1 to i32
    %sign3A_10 = arith.subi %sign3A_6, %sign3A_9 : i32
    %sign3A_11 = arith.constant 0 : i32
    %sign3A_12 = arith.cmpi sgt, %jit3A, %sign3A_11 : i32
    %sign3A_13 = arith.extui %sign3A_12 : i1 to i32
    %sign3A_14 = arith.constant 0 : i32
    %sign3A_15 = arith.cmpi slt, %jit3A, %sign3A_14 : i32
    %sign3A_16 = arith.extui %sign3A_15 : i1 to i32
    %sign3A_17 = arith.subi %sign3A_13, %sign3A_16 : i32
    %ne3A = arith.cmpi ne, %sign3A_10, %sign3A_17 : i32
    %rem3A = arith.remsi %add3A_4, %jit3A : i32
    %ne3A_18 = arith.constant 0 : i32
    %ne3A_19 = arith.cmpi ne, %rem3A, %ne3A_18 : i32
    %and3A = arith.andi %ne3A, %ne3A_19 : i1
    %sub3A = arith.constant 1 : i32
    %sub3A_20 = arith.subi %div3A, %sub3A : i32
    %select_n3A = arith.select %and3A, %sub3A_20, %div3A : i32
    %jit3A_21 = arith.constant 16 : i32
    %eq3A = arith.constant 0 : i32
    %eq3A_22 = arith.cmpi eq, %jit3A_21, %eq3A : i32
    %jit3A_23 = arith.constant 1 : i32
    %select_n3A_24 = arith.select %eq3A_22, %jit3A_23, %jit3A_21 : i32
    %rem3A_25 = arith.remsi %add3A_4, %select_n3A_24 : i32
    %ne3A_26 = arith.constant 0 : i32
    %ne3A_27 = arith.cmpi ne, %rem3A_25, %ne3A_26 : i32
    %lt3A = arith.constant 0 : i32
    %lt3A_28 = arith.cmpi slt, %rem3A_25, %lt3A : i32
    %lt3A_29 = arith.constant 0 : i32
    %lt3A_30 = arith.cmpi slt, %select_n3A_24, %lt3A_29 : i32
    %ne3A_31 = arith.xori %lt3A_28, %lt3A_30 : i1
    %and3A_32 = arith.andi %ne3A_31, %ne3A_27 : i1
    %add3A_33 = arith.addi %rem3A_25, %select_n3A_24 : i32
    %select_n3A_34 = arith.select %and3A_32, %add3A_33, %rem3A_25 : i32
    %mul3A_35 = arith.constant 1024 : i32
    %mul3A_36 = arith.muli %select_n3A, %mul3A_35 : i32
    %add3A_37 = arith.constant 0 : i32
    %add3A_38 = arith.addi %add3A_37, %mul3A_36 : i32
    %mul3A_39 = arith.constant 64 : i32
    %mul3A_40 = arith.muli %select_n3A_34, %mul3A_39 : i32
    %add3A_41 = arith.addi %add3A_38, %mul3A_40 : i32
    %dma_start3A = arith.constant 0 : i32
    %dma_start3A_42 = tpu.memref_slice %arg2[%add3A_41, %dma_start3A] : memref<524288x128xf32, #tpu.memory_space<hbm>> -> memref<128x128xf32, #tpu.memory_space<hbm>>
    %dma_start3A_43 = arith.constant 0 : i32
    %dma_start3A_44 = tpu.memref_slice %arg2[%add3A_41, %dma_start3A_43] : memref<524288x128xf32, #tpu.memory_space<hbm>> -> memref<128x128xf32, #tpu.memory_space<hbm>>
    tpu.enqueue_dma source(%dma_start3A_44 : memref<128x128xf32, #tpu.memory_space<hbm>>) target(%arg8 : memref<128x128xf32, #tpu.memory_space<vmem>>) target_semaphore(%arg12 : memref<!tpu.dma_semaphore, #tpu.memory_space<semaphore_mem>>)
    %add3A_45 = arith.constant 0 : i32
    %add3A_46 = arith.addi %mul3A_2, %add3A_45 : i32
    %jit3A_47 = arith.constant 16 : i32
    %div3A_48 = arith.divsi %add3A_46, %jit3A_47 : i32
    %sign3A_49 = arith.constant 0 : i32
    %sign3A_50 = arith.cmpi sgt, %add3A_46, %sign3A_49 : i32
    %sign3A_51 = arith.extui %sign3A_50 : i1 to i32
    %sign3A_52 = arith.constant 0 : i32
    %sign3A_53 = arith.cmpi slt, %add3A_46, %sign3A_52 : i32
    %sign3A_54 = arith.extui %sign3A_53 : i1 to i32
    %sign3A_55 = arith.subi %sign3A_51, %sign3A_54 : i32
    %sign3A_56 = arith.constant 0 : i32
    %sign3A_57 = arith.cmpi sgt, %jit3A_47, %sign3A_56 : i32
    %sign3A_58 = arith.extui %sign3A_57 : i1 to i32
    %sign3A_59 = arith.constant 0 : i32
    %sign3A_60 = arith.cmpi slt, %jit3A_47, %sign3A_59 : i32
    %sign3A_61 = arith.extui %sign3A_60 : i1 to i32
    %sign3A_62 = arith.subi %sign3A_58, %sign3A_61 : i32
    %ne3A_63 = arith.cmpi ne, %sign3A_55, %sign3A_62 : i32
    %rem3A_64 = arith.remsi %add3A_46, %jit3A_47 : i32
    %ne3A_65 = arith.constant 0 : i32
    %ne3A_66 = arith.cmpi ne, %rem3A_64, %ne3A_65 : i32
    %and3A_67 = arith.andi %ne3A_63, %ne3A_66 : i1
    %sub3A_68 = arith.constant 1 : i32
    %sub3A_69 = arith.subi %div3A_48, %sub3A_68 : i32
    %select_n3A_70 = arith.select %and3A_67, %sub3A_69, %div3A_48 : i32
    %jit3A_71 = arith.constant 16 : i32
    %eq3A_72 = arith.constant 0 : i32
    %eq3A_73 = arith.cmpi eq, %jit3A_71, %eq3A_72 : i32
    %jit3A_74 = arith.constant 1 : i32
    %select_n3A_75 = arith.select %eq3A_73, %jit3A_74, %jit3A_71 : i32
    %rem3A_76 = arith.remsi %add3A_46, %select_n3A_75 : i32
    %ne3A_77 = arith.constant 0 : i32
    %ne3A_78 = arith.cmpi ne, %rem3A_76, %ne3A_77 : i32
    %lt3A_79 = arith.constant 0 : i32
    %lt3A_80 = arith.cmpi slt, %rem3A_76, %lt3A_79 : i32
    %lt3A_81 = arith.constant 0 : i32
    %lt3A_82 = arith.cmpi slt, %select_n3A_75, %lt3A_81 : i32
    %ne3A_83 = arith.xori %lt3A_80, %lt3A_82 : i1
    %and3A_84 = arith.andi %ne3A_83, %ne3A_78 : i1
    %add3A_85 = arith.addi %rem3A_76, %select_n3A_75 : i32
    %select_n3A_86 = arith.select %and3A_84, %add3A_85, %rem3A_76 : i32
    %mul3A_87 = arith.constant 1024 : i32
    %mul3A_88 = arith.muli %select_n3A_70, %mul3A_87 : i32
    %add3A_89 = arith.constant 65536 : i32
    %add3A_90 = arith.addi %add3A_89, %mul3A_88 : i32
    %mul3A_91 = arith.constant 64 : i32
    %mul3A_92 = arith.muli %select_n3A_86, %mul3A_91 : i32
    %add3A_93 = arith.addi %add3A_90, %mul3A_92 : i32
    %dma_start3A_94 = arith.constant 0 : i32
    %dma_start3A_95 = tpu.memref_slice %arg2[%add3A_93, %dma_start3A_94] : memref<524288x128xf32, #tpu.memory_space<hbm>> -> memref<128x128xf32, #tpu.memory_space<hbm>>
    %dma_start3A_96 = arith.constant 0 : i32
    %dma_start3A_97 = tpu.memref_slice %arg2[%add3A_93, %dma_start3A_96] : memref<524288x128xf32, #tpu.memory_space<hbm>> -> memref<128x128xf32, #tpu.memory_space<hbm>>
    tpu.enqueue_dma source(%dma_start3A_97 : memref<128x128xf32, #tpu.memory_space<hbm>>) target(%arg9 : memref<128x128xf32, #tpu.memory_space<vmem>>) target_semaphore(%arg13 : memref<!tpu.dma_semaphore, #tpu.memory_space<semaphore_mem>>)
    %scan3A = arith.constant 0 : i32
    %scan3A_98 = arith.constant 0 : i32
    %scan3A_99 = arith.constant 64 : i32
    %scan3A_100 = arith.addi %scan3A_98, %scan3A_99 : i32
    %scan3A_101 = arith.constant 1 : i32
    scf.for %scan3A_114 = %scan3A_98 to %scan3A_100 step %scan3A_101  : i32 {
      %mul3A_115 = arith.constant 2 : i32
      %mul3A_116 = arith.muli %scan3A_114, %mul3A_115 : i32
      %add3A_117 = arith.constant 0 : i32
      %add3A_118 = arith.addi %mul3A_116, %add3A_117 : i32
      %jit3A_119 = arith.constant 8 : i32
      %div3A_120 = arith.divsi %add3A_118, %jit3A_119 : i32
      %sign3A_121 = arith.constant 0 : i32
      %sign3A_122 = arith.cmpi sgt, %add3A_118, %sign3A_121 : i32
      %sign3A_123 = arith.extui %sign3A_122 : i1 to i32
      %sign3A_124 = arith.constant 0 : i32
      %sign3A_125 = arith.cmpi slt, %add3A_118, %sign3A_124 : i32
      %sign3A_126 = arith.extui %sign3A_125 : i1 to i32
      %sign3A_127 = arith.subi %sign3A_123, %sign3A_126 : i32
      %sign3A_128 = arith.constant 0 : i32
      %sign3A_129 = arith.cmpi sgt, %jit3A_119, %sign3A_128 : i32
      %sign3A_130 = arith.extui %sign3A_129 : i1 to i32
      %sign3A_131 = arith.constant 0 : i32
      %sign3A_132 = arith.cmpi slt, %jit3A_119, %sign3A_131 : i32
      %sign3A_133 = arith.extui %sign3A_132 : i1 to i32
      %sign3A_134 = arith.subi %sign3A_130, %sign3A_133 : i32
      %ne3A_135 = arith.cmpi ne, %sign3A_127, %sign3A_134 : i32
      %rem3A_136 = arith.remsi %add3A_118, %jit3A_119 : i32
      %ne3A_137 = arith.constant 0 : i32
      %ne3A_138 = arith.cmpi ne, %rem3A_136, %ne3A_137 : i32
      %and3A_139 = arith.andi %ne3A_135, %ne3A_138 : i1
      %sub3A_140 = arith.constant 1 : i32
      %sub3A_141 = arith.subi %div3A_120, %sub3A_140 : i32
      %select_n3A_142 = arith.select %and3A_139, %sub3A_141, %div3A_120 : i32
      %mul3A_143 = arith.constant 2 : i32
      %mul3A_144 = arith.muli %mul3A_143, %select_n3A_142 : i32
      %jit3A_145 = arith.constant 8 : i32
      %eq3A_146 = arith.constant 0 : i32
      %eq3A_147 = arith.cmpi eq, %jit3A_145, %eq3A_146 : i32
      %jit3A_148 = arith.constant 1 : i32
      %select_n3A_149 = arith.select %eq3A_147, %jit3A_148, %jit3A_145 : i32
      %rem3A_150 = arith.remsi %add3A_118, %select_n3A_149 : i32
      %ne3A_151 = arith.constant 0 : i32
      %ne3A_152 = arith.cmpi ne, %rem3A_150, %ne3A_151 : i32
      %lt3A_153 = arith.constant 0 : i32
      %lt3A_154 = arith.cmpi slt, %rem3A_150, %lt3A_153 : i32
      %lt3A_155 = arith.constant 0 : i32
      %lt3A_156 = arith.cmpi slt, %select_n3A_149, %lt3A_155 : i32
      %ne3A_157 = arith.xori %lt3A_154, %lt3A_156 : i1
      %and3A_158 = arith.andi %ne3A_157, %ne3A_152 : i1
      %add3A_159 = arith.addi %rem3A_150, %select_n3A_149 : i32
      %select_n3A_160 = arith.select %and3A_158, %add3A_159, %rem3A_150 : i32
      %add3A_161 = arith.addi %mul3A_2, %mul3A_144 : i32
      %jit3A_162 = arith.constant 16 : i32
      %div3A_163 = arith.divsi %add3A_161, %jit3A_162 : i32
      %sign3A_164 = arith.constant 0 : i32
      %sign3A_165 = arith.cmpi sgt, %add3A_161, %sign3A_164 : i32
      %sign3A_166 = arith.extui %sign3A_165 : i1 to i32
      %sign3A_167 = arith.constant 0 : i32
      %sign3A_168 = arith.cmpi slt, %add3A_161, %sign3A_167 : i32
      %sign3A_169 = arith.extui %sign3A_168 : i1 to i32
      %sign3A_170 = arith.subi %sign3A_166, %sign3A_169 : i32
      %sign3A_171 = arith.constant 0 : i32
      %sign3A_172 = arith.cmpi sgt, %jit3A_162, %sign3A_171 : i32
      %sign3A_173 = arith.extui %sign3A_172 : i1 to i32
      %sign3A_174 = arith.constant 0 : i32
      %sign3A_175 = arith.cmpi slt, %jit3A_162, %sign3A_174 : i32
      %sign3A_176 = arith.extui %sign3A_175 : i1 to i32
      %sign3A_177 = arith.subi %sign3A_173, %sign3A_176 : i32
      %ne3A_178 = arith.cmpi ne, %sign3A_170, %sign3A_177 : i32
      %rem3A_179 = arith.remsi %add3A_161, %jit3A_162 : i32
      %ne3A_180 = arith.constant 0 : i32
      %ne3A_181 = arith.cmpi ne, %rem3A_179, %ne3A_180 : i32
      %and3A_182 = arith.andi %ne3A_178, %ne3A_181 : i1
      %sub3A_183 = arith.constant 1 : i32
      %sub3A_184 = arith.subi %div3A_163, %sub3A_183 : i32
      %select_n3A_185 = arith.select %and3A_182, %sub3A_184, %div3A_163 : i32
      %jit3A_186 = arith.constant 16 : i32
      %eq3A_187 = arith.constant 0 : i32
      %eq3A_188 = arith.cmpi eq, %jit3A_186, %eq3A_187 : i32
      %jit3A_189 = arith.constant 1 : i32
      %select_n3A_190 = arith.select %eq3A_188, %jit3A_189, %jit3A_186 : i32
      %rem3A_191 = arith.remsi %add3A_161, %select_n3A_190 : i32
      %ne3A_192 = arith.constant 0 : i32
      %ne3A_193 = arith.cmpi ne, %rem3A_191, %ne3A_192 : i32
      %lt3A_194 = arith.constant 0 : i32
      %lt3A_195 = arith.cmpi slt, %rem3A_191, %lt3A_194 : i32
      %lt3A_196 = arith.constant 0 : i32
      %lt3A_197 = arith.cmpi slt, %select_n3A_190, %lt3A_196 : i32
      %ne3A_198 = arith.xori %lt3A_195, %lt3A_197 : i1
      %and3A_199 = arith.andi %ne3A_198, %ne3A_193 : i1
      %add3A_200 = arith.addi %rem3A_191, %select_n3A_190 : i32
      %select_n3A_201 = arith.select %and3A_199, %add3A_200, %rem3A_191 : i32
      %mul3A_202 = arith.constant 65536 : i32
      %mul3A_203 = arith.muli %select_n3A_160, %mul3A_202 : i32
      %mul3A_204 = arith.constant 1024 : i32
      %mul3A_205 = arith.muli %select_n3A_185, %mul3A_204 : i32
      %add3A_206 = arith.addi %mul3A_203, %mul3A_205 : i32
      %mul3A_207 = arith.constant 64 : i32
      %mul3A_208 = arith.muli %select_n3A_201, %mul3A_207 : i32
      %add3A_209 = arith.addi %add3A_206, %mul3A_208 : i32
      %dma_wait3A_210 = arith.constant 0 : i32
      %dma_wait3A_211 = tpu.memref_slice %arg2[%add3A_209, %dma_wait3A_210] : memref<524288x128xf32, #tpu.memory_space<hbm>> -> memref<128x128xf32, #tpu.memory_space<hbm>>
      %dma_wait3A_212 = arith.constant 0 : i32
      %dma_wait3A_213 = tpu.memref_slice %arg2[%add3A_209, %dma_wait3A_212] : memref<524288x128xf32, #tpu.memory_space<hbm>> -> memref<128x128xf32, #tpu.memory_space<hbm>>
      tpu.wait_dma2 semaphore(%arg12 : memref<!tpu.dma_semaphore, #tpu.memory_space<semaphore_mem>>) src(%dma_wait3A_213 : memref<128x128xf32, #tpu.memory_space<hbm>>) dst(%arg8 : memref<128x128xf32, #tpu.memory_space<vmem>>)
      %ge3A = arith.constant 2 : i32
      %ge3A_214 = arith.cmpi sge, %add3A_118, %ge3A : i32
      %convert_element_type3A = arith.extui %ge3A_214 : i1 to i32
      %cond3A = arith.constant 0 : i32
      %cond3A_215 = arith.cmpi ne, %convert_element_type3A, %cond3A : i32
      scf.if %cond3A_215 {
        %dma_wait3A_544 = arith.constant 0 : i32
        %dma_wait3A_545 = tpu.memref_slice %arg5[%add3A_209, %dma_wait3A_544] : memref<524288x128xf32, #tpu.memory_space<hbm>> -> memref<128x128xf32, #tpu.memory_space<hbm>>
        %dma_wait3A_546 = arith.constant 0 : i32
        %dma_wait3A_547 = tpu.memref_slice %arg5[%add3A_209, %dma_wait3A_546] : memref<524288x128xf32, #tpu.memory_space<hbm>> -> memref<128x128xf32, #tpu.memory_space<hbm>>
        tpu.wait_dma2 semaphore(%arg14 : memref<!tpu.dma_semaphore, #tpu.memory_space<semaphore_mem>>) src(%arg10 : memref<128x128xf32, #tpu.memory_space<vmem>>) dst(%dma_wait3A_547 : memref<128x128xf32, #tpu.memory_space<hbm>>)
      } else {
      }
      %add3A_216 = arith.constant 0 : i32
      %add3A_217 = arith.addi %mul3A_144, %add3A_216 : i32
      %get3A = arith.index_cast %add3A_217 : i32 to index
      %get3A_218 = arith.constant 0 : index
      %get3A_219 = tpu.vector_load %arg7[%get3A, %get3A_218] {strides = array<i32>} : memref<32x128xf32, #tpu.memory_space<vmem>>, vector<1x16xf32>,
      %get3A_220 = vector.shape_cast %get3A_219 : vector<1x16xf32> to vector<16xf32>
      %add3A_221 = arith.constant 0 : i32
      %add3A_222 = arith.addi %mul3A_144, %add3A_221 : i32
      %get3A_223 = arith.index_cast %add3A_222 : i32 to index
      %get3A_224 = arith.constant 16 : index
      %get3A_225 = tpu.vector_load %arg7[%get3A_223, %get3A_224] {strides = array<i32>} : memref<32x128xf32, #tpu.memory_space<vmem>>, vector<1x16xf32>,
      %get3A_226 = vector.shape_cast %get3A_225 : vector<1x16xf32> to vector<16xf32>
      %add3A_227 = arith.constant 0 : i32
      %add3A_228 = arith.addi %mul3A_144, %add3A_227 : i32
      %get3A_229 = arith.index_cast %add3A_228 : i32 to index
      %get3A_230 = arith.constant 32 : index
      %get3A_231 = tpu.vector_load %arg7[%get3A_229, %get3A_230] {strides = array<i32>} : memref<32x128xf32, #tpu.memory_space<vmem>>, vector<1x16xf32>,
      %get3A_232 = vector.shape_cast %get3A_231 : vector<1x16xf32> to vector<16xf32>
      %add3A_233 = arith.constant 0 : i32
      %add3A_234 = arith.addi %mul3A_144, %add3A_233 : i32
      %get3A_235 = arith.index_cast %add3A_234 : i32 to index
      %get3A_236 = arith.constant 48 : index
      %get3A_237 = tpu.vector_load %arg7[%get3A_235, %get3A_236] {strides = array<i32>} : memref<32x128xf32, #tpu.memory_space<vmem>>, vector<1x16xf32>,
      %get3A_238 = vector.shape_cast %get3A_237 : vector<1x16xf32> to vector<16xf32>
      %add3A_239 = arith.constant 0 : i32
      %add3A_240 = arith.addi %mul3A_144, %add3A_239 : i32
      %get3A_241 = arith.index_cast %add3A_240 : i32 to index
      %get3A_242 = arith.constant 64 : index
      %get3A_243 = tpu.vector_load %arg7[%get3A_241, %get3A_242] {strides = array<i32>} : memref<32x128xf32, #tpu.memory_space<vmem>>, vector<1x16xf32>,
      %get3A_244 = vector.shape_cast %get3A_243 : vector<1x16xf32> to vector<16xf32>
      %add3A_245 = arith.constant 0 : i32
      %add3A_246 = arith.addi %mul3A_144, %add3A_245 : i32
      %get3A_247 = arith.index_cast %add3A_246 : i32 to index
      %get3A_248 = arith.constant 80 : index
      %get3A_249 = tpu.vector_load %arg7[%get3A_247, %get3A_248] {strides = array<i32>} : memref<32x128xf32, #tpu.memory_space<vmem>>, vector<1x16xf32>,
      %get3A_250 = vector.shape_cast %get3A_249 : vector<1x16xf32> to vector<16xf32>
      %add3A_251 = arith.constant 0 : i32
      %add3A_252 = arith.addi %mul3A_144, %add3A_251 : i32
      %get3A_253 = arith.index_cast %add3A_252 : i32 to index
      %get3A_254 = arith.constant 96 : index
      %get3A_255 = tpu.vector_load %arg7[%get3A_253, %get3A_254] {strides = array<i32>} : memref<32x128xf32, #tpu.memory_space<vmem>>, vector<1x16xf32>,
      %get3A_256 = vector.shape_cast %get3A_255 : vector<1x16xf32> to vector<16xf32>
      %add3A_257 = arith.constant 0 : i32
      %add3A_258 = arith.addi %mul3A_144, %add3A_257 : i32
      %get3A_259 = arith.index_cast %add3A_258 : i32 to index
      %get3A_260 = arith.constant 112 : index
      %get3A_261 = tpu.vector_load %arg7[%get3A_259, %get3A_260] {strides = array<i32>} : memref<32x128xf32, #tpu.memory_space<vmem>>, vector<1x16xf32>,
      %get3A_262 = vector.shape_cast %get3A_261 : vector<1x16xf32> to vector<16xf32>
      %parallel_loop3A = arith.constant 0 : i32
      %parallel_loop3A_263 = arith.constant 64 : i32
      %parallel_loop3A_264 = arith.constant 1 : i32
      scf.for %parallel_loop3A_544 = %parallel_loop3A to %parallel_loop3A_263 step %parallel_loop3A_264  : i32 {
        %parallel_loop3A_545 = arith.constant 0 : i32
        %parallel_loop3A_546 = arith.addi %parallel_loop3A_545, %parallel_loop3A_544 : i32
        %parallel_loop3A_547 = arith.index_cast %parallel_loop3A_546 : i32 to index
        %parallel_loop3A_548 = arith.constant 0 : index
        %parallel_loop3A_549 = tpu.vector_load %arg8[%parallel_loop3A_547, %parallel_loop3A_548] {strides = array<i32>} : memref<128x128xf32, #tpu.memory_space<vmem>>, vector<1x16xf32>,
        %parallel_loop3A_550 = vector.shape_cast %parallel_loop3A_549 : vector<1x16xf32> to vector<16xf32>
        %parallel_loop3A_551 = arith.index_cast %parallel_loop3A_544 : i32 to index
        %parallel_loop3A_552 = arith.constant 0 : index
        %parallel_loop3A_553 = tpu.vector_load %arg6[%parallel_loop3A_551, %parallel_loop3A_552] {strides = array<i32>} : memref<64x128xf32, #tpu.memory_space<vmem>>, vector<1x16xf32>,
        %parallel_loop3A_554 = vector.shape_cast %parallel_loop3A_553 : vector<1x16xf32> to vector<16xf32>
        %parallel_loop3A_555 = arith.addf %parallel_loop3A_550, %parallel_loop3A_554 : vector<16xf32>
        %parallel_loop3A_556 = arith.addf %parallel_loop3A_555, %get3A_220 : vector<16xf32>
        %parallel_loop3A_557 = arith.constant 0 : i32
        %parallel_loop3A_558 = arith.addi %parallel_loop3A_557, %parallel_loop3A_544 : i32
        %parallel_loop3A_559 = arith.index_cast %parallel_loop3A_558 : i32 to index
        %parallel_loop3A_560 = arith.constant 0 : index
        %parallel_loop3A_561 = tpu.vector_load %arg10[%parallel_loop3A_559, %parallel_loop3A_560] {strides = array<i32>} : memref<128x128xf32, #tpu.memory_space<vmem>>, vector<1x16xf32>,
        %parallel_loop3A_562 = vector.shape_cast %parallel_loop3A_561 : vector<1x16xf32> to vector<16xf32>
        %parallel_loop3A_563 = vector.shape_cast %parallel_loop3A_556 : vector<16xf32> to vector<1x16xf32>
        tpu.vector_store %arg10[%parallel_loop3A_559, %parallel_loop3A_560], %parallel_loop3A_563 {strides = array<i32>} : memref<128x128xf32, #tpu.memory_space<vmem>>, vector<1x16xf32>,
        %parallel_loop3A_564 = arith.constant 0 : i32
        %parallel_loop3A_565 = arith.addi %parallel_loop3A_564, %parallel_loop3A_544 : i32
        %parallel_loop3A_566 = arith.index_cast %parallel_loop3A_565 : i32 to index
        %parallel_loop3A_567 = arith.constant 16 : index
        %parallel_loop3A_568 = tpu.vector_load %arg8[%parallel_loop3A_566, %parallel_loop3A_567] {strides = array<i32>} : memref<128x128xf32, #tpu.memory_space<vmem>>, vector<1x16xf32>,
        %parallel_loop3A_569 = vector.shape_cast %parallel_loop3A_568 : vector<1x16xf32> to vector<16xf32>
        %parallel_loop3A_570 = arith.index_cast %parallel_loop3A_544 : i32 to index
        %parallel_loop3A_571 = arith.constant 16 : index
        %parallel_loop3A_572 = tpu.vector_load %arg6[%parallel_loop3A_570, %parallel_loop3A_571] {strides = array<i32>} : memref<64x128xf32, #tpu.memory_space<vmem>>, vector<1x16xf32>,
        %parallel_loop3A_573 = vector.shape_cast %parallel_loop3A_572 : vector<1x16xf32> to vector<16xf32>
        %parallel_loop3A_574 = arith.addf %parallel_loop3A_569, %parallel_loop3A_573 : vector<16xf32>
        %parallel_loop3A_575 = arith.addf %parallel_loop3A_574, %get3A_226 : vector<16xf32>
        %parallel_loop3A_576 = arith.constant 0 : i32
        %parallel_loop3A_577 = arith.addi %parallel_loop3A_576, %parallel_loop3A_544 : i32
        %parallel_loop3A_578 = arith.index_cast %parallel_loop3A_577 : i32 to index
        %parallel_loop3A_579 = arith.constant 16 : index
        %parallel_loop3A_580 = tpu.vector_load %arg10[%parallel_loop3A_578, %parallel_loop3A_579] {strides = array<i32>} : memref<128x128xf32, #tpu.memory_space<vmem>>, vector<1x16xf32>,
        %parallel_loop3A_581 = vector.shape_cast %parallel_loop3A_580 : vector<1x16xf32> to vector<16xf32>
        %parallel_loop3A_582 = vector.shape_cast %parallel_loop3A_575 : vector<16xf32> to vector<1x16xf32>
        tpu.vector_store %arg10[%parallel_loop3A_578, %parallel_loop3A_579], %parallel_loop3A_582 {strides = array<i32>} : memref<128x128xf32, #tpu.memory_space<vmem>>, vector<1x16xf32>,
        %parallel_loop3A_583 = arith.constant 0 : i32
        %parallel_loop3A_584 = arith.addi %parallel_loop3A_583, %parallel_loop3A_544 : i32
        %parallel_loop3A_585 = arith.index_cast %parallel_loop3A_584 : i32 to index
        %parallel_loop3A_586 = arith.constant 32 : index
        %parallel_loop3A_587 = tpu.vector_load %arg8[%parallel_loop3A_585, %parallel_loop3A_586] {strides = array<i32>} : memref<128x128xf32, #tpu.memory_space<vmem>>, vector<1x16xf32>,
        %parallel_loop3A_588 = vector.shape_cast %parallel_loop3A_587 : vector<1x16xf32> to vector<16xf32>
        %parallel_loop3A_589 = arith.index_cast %parallel_loop3A_544 : i32 to index
        %parallel_loop3A_590 = arith.constant 32 : index
        %parallel_loop3A_591 = tpu.vector_load %arg6[%parallel_loop3A_589, %parallel_loop3A_590] {strides = array<i32>} : memref<64x128xf32, #tpu.memory_space<vmem>>, vector<1x16xf32>,
        %parallel_loop3A_592 = vector.shape_cast %parallel_loop3A_591 : vector<1x16xf32> to vector<16xf32>
        %parallel_loop3A_593 = arith.addf %parallel_loop3A_588, %parallel_loop3A_592 : vector<16xf32>
        %parallel_loop3A_594 = arith.addf %parallel_loop3A_593, %get3A_232 : vector<16xf32>
        %parallel_loop3A_595 = arith.constant 0 : i32
        %parallel_loop3A_596 = arith.addi %parallel_loop3A_595, %parallel_loop3A_544 : i32
        %parallel_loop3A_597 = arith.index_cast %parallel_loop3A_596 : i32 to index
        %parallel_loop3A_598 = arith.constant 32 : index
        %parallel_loop3A_599 = tpu.vector_load %arg10[%parallel_loop3A_597, %parallel_loop3A_598] {strides = array<i32>} : memref<128x128xf32, #tpu.memory_space<vmem>>, vector<1x16xf32>,
        %parallel_loop3A_600 = vector.shape_cast %parallel_loop3A_599 : vector<1x16xf32> to vector<16xf32>
        %parallel_loop3A_601 = vector.shape_cast %parallel_loop3A_594 : vector<16xf32> to vector<1x16xf32>
        tpu.vector_store %arg10[%parallel_loop3A_597, %parallel_loop3A_598], %parallel_loop3A_601 {strides = array<i32>} : memref<128x128xf32, #tpu.memory_space<vmem>>, vector<1x16xf32>,
        %parallel_loop3A_602 = arith.constant 0 : i32
        %parallel_loop3A_603 = arith.addi %parallel_loop3A_602, %parallel_loop3A_544 : i32
        %parallel_loop3A_604 = arith.index_cast %parallel_loop3A_603 : i32 to index
        %parallel_loop3A_605 = arith.constant 48 : index
        %parallel_loop3A_606 = tpu.vector_load %arg8[%parallel_loop3A_604, %parallel_loop3A_605] {strides = array<i32>} : memref<128x128xf32, #tpu.memory_space<vmem>>, vector<1x16xf32>,
        %parallel_loop3A_607 = vector.shape_cast %parallel_loop3A_606 : vector<1x16xf32> to vector<16xf32>
        %parallel_loop3A_608 = arith.index_cast %parallel_loop3A_544 : i32 to index
        %parallel_loop3A_609 = arith.constant 48 : index
        %parallel_loop3A_610 = tpu.vector_load %arg6[%parallel_loop3A_608, %parallel_loop3A_609] {strides = array<i32>} : memref<64x128xf32, #tpu.memory_space<vmem>>, vector<1x16xf32>,
        %parallel_loop3A_611 = vector.shape_cast %parallel_loop3A_610 : vector<1x16xf32> to vector<16xf32>
        %parallel_loop3A_612 = arith.addf %parallel_loop3A_607, %parallel_loop3A_611 : vector<16xf32>
        %parallel_loop3A_613 = arith.addf %parallel_loop3A_612, %get3A_238 : vector<16xf32>
        %parallel_loop3A_614 = arith.constant 0 : i32
        %parallel_loop3A_615 = arith.addi %parallel_loop3A_614, %parallel_loop3A_544 : i32
        %parallel_loop3A_616 = arith.index_cast %parallel_loop3A_615 : i32 to index
        %parallel_loop3A_617 = arith.constant 48 : index
        %parallel_loop3A_618 = tpu.vector_load %arg10[%parallel_loop3A_616, %parallel_loop3A_617] {strides = array<i32>} : memref<128x128xf32, #tpu.memory_space<vmem>>, vector<1x16xf32>,
        %parallel_loop3A_619 = vector.shape_cast %parallel_loop3A_618 : vector<1x16xf32> to vector<16xf32>
        %parallel_loop3A_620 = vector.shape_cast %parallel_loop3A_613 : vector<16xf32> to vector<1x16xf32>
        tpu.vector_store %arg10[%parallel_loop3A_616, %parallel_loop3A_617], %parallel_loop3A_620 {strides = array<i32>} : memref<128x128xf32, #tpu.memory_space<vmem>>, vector<1x16xf32>,
        %parallel_loop3A_621 = arith.constant 0 : i32
        %parallel_loop3A_622 = arith.addi %parallel_loop3A_621, %parallel_loop3A_544 : i32
        %parallel_loop3A_623 = arith.index_cast %parallel_loop3A_622 : i32 to index
        %parallel_loop3A_624 = arith.constant 64 : index
        %parallel_loop3A_625 = tpu.vector_load %arg8[%parallel_loop3A_623, %parallel_loop3A_624] {strides = array<i32>} : memref<128x128xf32, #tpu.memory_space<vmem>>, vector<1x16xf32>,
        %parallel_loop3A_626 = vector.shape_cast %parallel_loop3A_625 : vector<1x16xf32> to vector<16xf32>
        %parallel_loop3A_627 = arith.index_cast %parallel_loop3A_544 : i32 to index
        %parallel_loop3A_628 = arith.constant 64 : index
        %parallel_loop3A_629 = tpu.vector_load %arg6[%parallel_loop3A_627, %parallel_loop3A_628] {strides = array<i32>} : memref<64x128xf32, #tpu.memory_space<vmem>>, vector<1x16xf32>,
        %parallel_loop3A_630 = vector.shape_cast %parallel_loop3A_629 : vector<1x16xf32> to vector<16xf32>
        %parallel_loop3A_631 = arith.addf %parallel_loop3A_626, %parallel_loop3A_630 : vector<16xf32>
        %parallel_loop3A_632 = arith.addf %parallel_loop3A_631, %get3A_244 : vector<16xf32>
        %parallel_loop3A_633 = arith.constant 0 : i32
        %parallel_loop3A_634 = arith.addi %parallel_loop3A_633, %parallel_loop3A_544 : i32
        %parallel_loop3A_635 = arith.index_cast %parallel_loop3A_634 : i32 to index
        %parallel_loop3A_636 = arith.constant 64 : index
        %parallel_loop3A_637 = tpu.vector_load %arg10[%parallel_loop3A_635, %parallel_loop3A_636] {strides = array<i32>} : memref<128x128xf32, #tpu.memory_space<vmem>>, vector<1x16xf32>,
        %parallel_loop3A_638 = vector.shape_cast %parallel_loop3A_637 : vector<1x16xf32> to vector<16xf32>
        %parallel_loop3A_639 = vector.shape_cast %parallel_loop3A_632 : vector<16xf32> to vector<1x16xf32>
        tpu.vector_store %arg10[%parallel_loop3A_635, %parallel_loop3A_636], %parallel_loop3A_639 {strides = array<i32>} : memref<128x128xf32, #tpu.memory_space<vmem>>, vector<1x16xf32>,
        %parallel_loop3A_640 = arith.constant 0 : i32
        %parallel_loop3A_641 = arith.addi %parallel_loop3A_640, %parallel_loop3A_544 : i32
        %parallel_loop3A_642 = arith.index_cast %parallel_loop3A_641 : i32 to index
        %parallel_loop3A_643 = arith.constant 80 : index
        %parallel_loop3A_644 = tpu.vector_load %arg8[%parallel_loop3A_642, %parallel_loop3A_643] {strides = array<i32>} : memref<128x128xf32, #tpu.memory_space<vmem>>, vector<1x16xf32>,
        %parallel_loop3A_645 = vector.shape_cast %parallel_loop3A_644 : vector<1x16xf32> to vector<16xf32>
        %parallel_loop3A_646 = arith.index_cast %parallel_loop3A_544 : i32 to index
        %parallel_loop3A_647 = arith.constant 80 : index
        %parallel_loop3A_648 = tpu.vector_load %arg6[%parallel_loop3A_646, %parallel_loop3A_647] {strides = array<i32>} : memref<64x128xf32, #tpu.memory_space<vmem>>, vector<1x16xf32>,
        %parallel_loop3A_649 = vector.shape_cast %parallel_loop3A_648 : vector<1x16xf32> to vector<16xf32>
        %parallel_loop3A_650 = arith.addf %parallel_loop3A_645, %parallel_loop3A_649 : vector<16xf32>
        %parallel_loop3A_651 = arith.addf %parallel_loop3A_650, %get3A_250 : vector<16xf32>
        %parallel_loop3A_652 = arith.constant 0 : i32
        %parallel_loop3A_653 = arith.addi %parallel_loop3A_652, %parallel_loop3A_544 : i32
        %parallel_loop3A_654 = arith.index_cast %parallel_loop3A_653 : i32 to index
        %parallel_loop3A_655 = arith.constant 80 : index
        %parallel_loop3A_656 = tpu.vector_load %arg10[%parallel_loop3A_654, %parallel_loop3A_655] {strides = array<i32>} : memref<128x128xf32, #tpu.memory_space<vmem>>, vector<1x16xf32>,
        %parallel_loop3A_657 = vector.shape_cast %parallel_loop3A_656 : vector<1x16xf32> to vector<16xf32>
        %parallel_loop3A_658 = vector.shape_cast %parallel_loop3A_651 : vector<16xf32> to vector<1x16xf32>
        tpu.vector_store %arg10[%parallel_loop3A_654, %parallel_loop3A_655], %parallel_loop3A_658 {strides = array<i32>} : memref<128x128xf32, #tpu.memory_space<vmem>>, vector<1x16xf32>,
        %parallel_loop3A_659 = arith.constant 0 : i32
        %parallel_loop3A_660 = arith.addi %parallel_loop3A_659, %parallel_loop3A_544 : i32
        %parallel_loop3A_661 = arith.index_cast %parallel_loop3A_660 : i32 to index
        %parallel_loop3A_662 = arith.constant 96 : index
        %parallel_loop3A_663 = tpu.vector_load %arg8[%parallel_loop3A_661, %parallel_loop3A_662] {strides = array<i32>} : memref<128x128xf32, #tpu.memory_space<vmem>>, vector<1x16xf32>,
        %parallel_loop3A_664 = vector.shape_cast %parallel_loop3A_663 : vector<1x16xf32> to vector<16xf32>
        %parallel_loop3A_665 = arith.index_cast %parallel_loop3A_544 : i32 to index
        %parallel_loop3A_666 = arith.constant 96 : index
        %parallel_loop3A_667 = tpu.vector_load %arg6[%parallel_loop3A_665, %parallel_loop3A_666] {strides = array<i32>} : memref<64x128xf32, #tpu.memory_space<vmem>>, vector<1x16xf32>,
        %parallel_loop3A_668 = vector.shape_cast %parallel_loop3A_667 : vector<1x16xf32> to vector<16xf32>
        %parallel_loop3A_669 = arith.addf %parallel_loop3A_664, %parallel_loop3A_668 : vector<16xf32>
        %parallel_loop3A_670 = arith.addf %parallel_loop3A_669, %get3A_256 : vector<16xf32>
        %parallel_loop3A_671 = arith.constant 0 : i32
        %parallel_loop3A_672 = arith.addi %parallel_loop3A_671, %parallel_loop3A_544 : i32
        %parallel_loop3A_673 = arith.index_cast %parallel_loop3A_672 : i32 to index
        %parallel_loop3A_674 = arith.constant 96 : index
        %parallel_loop3A_675 = tpu.vector_load %arg10[%parallel_loop3A_673, %parallel_loop3A_674] {strides = array<i32>} : memref<128x128xf32, #tpu.memory_space<vmem>>, vector<1x16xf32>,
        %parallel_loop3A_676 = vector.shape_cast %parallel_loop3A_675 : vector<1x16xf32> to vector<16xf32>
        %parallel_loop3A_677 = vector.shape_cast %parallel_loop3A_670 : vector<16xf32> to vector<1x16xf32>
        tpu.vector_store %arg10[%parallel_loop3A_673, %parallel_loop3A_674], %parallel_loop3A_677 {strides = array<i32>} : memref<128x128xf32, #tpu.memory_space<vmem>>, vector<1x16xf32>,
        %parallel_loop3A_678 = arith.constant 0 : i32
        %parallel_loop3A_679 = arith.addi %parallel_loop3A_678, %parallel_loop3A_544 : i32
        %parallel_loop3A_680 = arith.index_cast %parallel_loop3A_679 : i32 to index
        %parallel_loop3A_681 = arith.constant 112 : index
        %parallel_loop3A_682 = tpu.vector_load %arg8[%parallel_loop3A_680, %parallel_loop3A_681] {strides = array<i32>} : memref<128x128xf32, #tpu.memory_space<vmem>>, vector<1x16xf32>,
        %parallel_loop3A_683 = vector.shape_cast %parallel_loop3A_682 : vector<1x16xf32> to vector<16xf32>
        %parallel_loop3A_684 = arith.index_cast %parallel_loop3A_544 : i32 to index
        %parallel_loop3A_685 = arith.constant 112 : index
        %parallel_loop3A_686 = tpu.vector_load %arg6[%parallel_loop3A_684, %parallel_loop3A_685] {strides = array<i32>} : memref<64x128xf32, #tpu.memory_space<vmem>>, vector<1x16xf32>,
        %parallel_loop3A_687 = vector.shape_cast %parallel_loop3A_686 : vector<1x16xf32> to vector<16xf32>
        %parallel_loop3A_688 = arith.addf %parallel_loop3A_683, %parallel_loop3A_687 : vector<16xf32>
        %parallel_loop3A_689 = arith.addf %parallel_loop3A_688, %get3A_262 : vector<16xf32>
        %parallel_loop3A_690 = arith.constant 0 : i32
        %parallel_loop3A_691 = arith.addi %parallel_loop3A_690, %parallel_loop3A_544 : i32
        %parallel_loop3A_692 = arith.index_cast %parallel_loop3A_691 : i32 to index
        %parallel_loop3A_693 = arith.constant 112 : index
        %parallel_loop3A_694 = tpu.vector_load %arg10[%parallel_loop3A_692, %parallel_loop3A_693] {strides = array<i32>} : memref<128x128xf32, #tpu.memory_space<vmem>>, vector<1x16xf32>,
        %parallel_loop3A_695 = vector.shape_cast %parallel_loop3A_694 : vector<1x16xf32> to vector<16xf32>
        %parallel_loop3A_696 = vector.shape_cast %parallel_loop3A_689 : vector<16xf32> to vector<1x16xf32>
        tpu.vector_store %arg10[%parallel_loop3A_692, %parallel_loop3A_693], %parallel_loop3A_696 {strides = array<i32>} : memref<128x128xf32, #tpu.memory_space<vmem>>, vector<1x16xf32>,
      } {sc.loop_unroll_factor = 4 : i64, sc.parallel_access}
      %add3A_265 = arith.constant 1 : i32
      %add3A_266 = arith.addi %mul3A_144, %add3A_265 : i32
      %get3A_267 = arith.index_cast %add3A_266 : i32 to index
      %get3A_268 = arith.constant 0 : index
      %get3A_269 = tpu.vector_load %arg7[%get3A_267, %get3A_268] {strides = array<i32>} : memref<32x128xf32, #tpu.memory_space<vmem>>, vector<1x16xf32>,
      %get3A_270 = vector.shape_cast %get3A_269 : vector<1x16xf32> to vector<16xf32>
      %add3A_271 = arith.constant 1 : i32
      %add3A_272 = arith.addi %mul3A_144, %add3A_271 : i32
      %get3A_273 = arith.index_cast %add3A_272 : i32 to index
      %get3A_274 = arith.constant 16 : index
      %get3A_275 = tpu.vector_load %arg7[%get3A_273, %get3A_274] {strides = array<i32>} : memref<32x128xf32, #tpu.memory_space<vmem>>, vector<1x16xf32>,
      %get3A_276 = vector.shape_cast %get3A_275 : vector<1x16xf32> to vector<16xf32>
      %add3A_277 = arith.constant 1 : i32
      %add3A_278 = arith.addi %mul3A_144, %add3A_277 : i32
      %get3A_279 = arith.index_cast %add3A_278 : i32 to index
      %get3A_280 = arith.constant 32 : index
      %get3A_281 = tpu.vector_load %arg7[%get3A_279, %get3A_280] {strides = array<i32>} : memref<32x128xf32, #tpu.memory_space<vmem>>, vector<1x16xf32>,
      %get3A_282 = vector.shape_cast %get3A_281 : vector<1x16xf32> to vector<16xf32>
      %add3A_283 = arith.constant 1 : i32
      %add3A_284 = arith.addi %mul3A_144, %add3A_283 : i32
      %get3A_285 = arith.index_cast %add3A_284 : i32 to index
      %get3A_286 = arith.constant 48 : index
      %get3A_287 = tpu.vector_load %arg7[%get3A_285, %get3A_286] {strides = array<i32>} : memref<32x128xf32, #tpu.memory_space<vmem>>, vector<1x16xf32>,
      %get3A_288 = vector.shape_cast %get3A_287 : vector<1x16xf32> to vector<16xf32>
      %add3A_289 = arith.constant 1 : i32
      %add3A_290 = arith.addi %mul3A_144, %add3A_289 : i32
      %get3A_291 = arith.index_cast %add3A_290 : i32 to index
      %get3A_292 = arith.constant 64 : index
      %get3A_293 = tpu.vector_load %arg7[%get3A_291, %get3A_292] {strides = array<i32>} : memref<32x128xf32, #tpu.memory_space<vmem>>, vector<1x16xf32>,
      %get3A_294 = vector.shape_cast %get3A_293 : vector<1x16xf32> to vector<16xf32>
      %add3A_295 = arith.constant 1 : i32
      %add3A_296 = arith.addi %mul3A_144, %add3A_295 : i32
      %get3A_297 = arith.index_cast %add3A_296 : i32 to index
      %get3A_298 = arith.constant 80 : index
      %get3A_299 = tpu.vector_load %arg7[%get3A_297, %get3A_298] {strides = array<i32>} : memref<32x128xf32, #tpu.memory_space<vmem>>, vector<1x16xf32>,
      %get3A_300 = vector.shape_cast %get3A_299 : vector<1x16xf32> to vector<16xf32>
      %add3A_301 = arith.constant 1 : i32
      %add3A_302 = arith.addi %mul3A_144, %add3A_301 : i32
      %get3A_303 = arith.index_cast %add3A_302 : i32 to index
      %get3A_304 = arith.constant 96 : index
      %get3A_305 = tpu.vector_load %arg7[%get3A_303, %get3A_304] {strides = array<i32>} : memref<32x128xf32, #tpu.memory_space<vmem>>, vector<1x16xf32>,
      %get3A_306 = vector.shape_cast %get3A_305 : vector<1x16xf32> to vector<16xf32>
      %add3A_307 = arith.constant 1 : i32
      %add3A_308 = arith.addi %mul3A_144, %add3A_307 : i32
      %get3A_309 = arith.index_cast %add3A_308 : i32 to index
      %get3A_310 = arith.constant 112 : index
      %get3A_311 = tpu.vector_load %arg7[%get3A_309, %get3A_310] {strides = array<i32>} : memref<32x128xf32, #tpu.memory_space<vmem>>, vector<1x16xf32>,
      %get3A_312 = vector.shape_cast %get3A_311 : vector<1x16xf32> to vector<16xf32>
      %parallel_loop3A_313 = arith.constant 0 : i32
      %parallel_loop3A_314 = arith.constant 64 : i32
      %parallel_loop3A_315 = arith.constant 1 : i32
      scf.for %parallel_loop3A_544 = %parallel_loop3A_313 to %parallel_loop3A_314 step %parallel_loop3A_315  : i32 {
        %parallel_loop3A_545 = arith.constant 64 : i32
        %parallel_loop3A_546 = arith.addi %parallel_loop3A_545, %parallel_loop3A_544 : i32
        %parallel_loop3A_547 = arith.index_cast %parallel_loop3A_546 : i32 to index
        %parallel_loop3A_548 = arith.constant 0 : index
        %parallel_loop3A_549 = tpu.vector_load %arg8[%parallel_loop3A_547, %parallel_loop3A_548] {strides = array<i32>} : memref<128x128xf32, #tpu.memory_space<vmem>>, vector<1x16xf32>,
        %parallel_loop3A_550 = vector.shape_cast %parallel_loop3A_549 : vector<1x16xf32> to vector<16xf32>
        %parallel_loop3A_551 = arith.index_cast %parallel_loop3A_544 : i32 to index
        %parallel_loop3A_552 = arith.constant 0 : index
        %parallel_loop3A_553 = tpu.vector_load %arg6[%parallel_loop3A_551, %parallel_loop3A_552] {strides = array<i32>} : memref<64x128xf32, #tpu.memory_space<vmem>>, vector<1x16xf32>,
        %parallel_loop3A_554 = vector.shape_cast %parallel_loop3A_553 : vector<1x16xf32> to vector<16xf32>
        %parallel_loop3A_555 = arith.addf %parallel_loop3A_550, %parallel_loop3A_554 : vector<16xf32>
        %parallel_loop3A_556 = arith.addf %parallel_loop3A_555, %get3A_270 : vector<16xf32>
        %parallel_loop3A_557 = arith.constant 64 : i32
        %parallel_loop3A_558 = arith.addi %parallel_loop3A_557, %parallel_loop3A_544 : i32
        %parallel_loop3A_559 = arith.index_cast %parallel_loop3A_558 : i32 to index
        %parallel_loop3A_560 = arith.constant 0 : index
        %parallel_loop3A_561 = tpu.vector_load %arg10[%parallel_loop3A_559, %parallel_loop3A_560] {strides = array<i32>} : memref<128x128xf32, #tpu.memory_space<vmem>>, vector<1x16xf32>,
        %parallel_loop3A_562 = vector.shape_cast %parallel_loop3A_561 : vector<1x16xf32> to vector<16xf32>
        %parallel_loop3A_563 = vector.shape_cast %parallel_loop3A_556 : vector<16xf32> to vector<1x16xf32>
        tpu.vector_store %arg10[%parallel_loop3A_559, %parallel_loop3A_560], %parallel_loop3A_563 {strides = array<i32>} : memref<128x128xf32, #tpu.memory_space<vmem>>, vector<1x16xf32>,
        %parallel_loop3A_564 = arith.constant 64 : i32
        %parallel_loop3A_565 = arith.addi %parallel_loop3A_564, %parallel_loop3A_544 : i32
        %parallel_loop3A_566 = arith.index_cast %parallel_loop3A_565 : i32 to index
        %parallel_loop3A_567 = arith.constant 16 : index
        %parallel_loop3A_568 = tpu.vector_load %arg8[%parallel_loop3A_566, %parallel_loop3A_567] {strides = array<i32>} : memref<128x128xf32, #tpu.memory_space<vmem>>, vector<1x16xf32>,
        %parallel_loop3A_569 = vector.shape_cast %parallel_loop3A_568 : vector<1x16xf32> to vector<16xf32>
        %parallel_loop3A_570 = arith.index_cast %parallel_loop3A_544 : i32 to index
        %parallel_loop3A_571 = arith.constant 16 : index
        %parallel_loop3A_572 = tpu.vector_load %arg6[%parallel_loop3A_570, %parallel_loop3A_571] {strides = array<i32>} : memref<64x128xf32, #tpu.memory_space<vmem>>, vector<1x16xf32>,
        %parallel_loop3A_573 = vector.shape_cast %parallel_loop3A_572 : vector<1x16xf32> to vector<16xf32>
        %parallel_loop3A_574 = arith.addf %parallel_loop3A_569, %parallel_loop3A_573 : vector<16xf32>
        %parallel_loop3A_575 = arith.addf %parallel_loop3A_574, %get3A_276 : vector<16xf32>
        %parallel_loop3A_576 = arith.constant 64 : i32
        %parallel_loop3A_577 = arith.addi %parallel_loop3A_576, %parallel_loop3A_544 : i32
        %parallel_loop3A_578 = arith.index_cast %parallel_loop3A_577 : i32 to index
        %parallel_loop3A_579 = arith.constant 16 : index
        %parallel_loop3A_580 = tpu.vector_load %arg10[%parallel_loop3A_578, %parallel_loop3A_579] {strides = array<i32>} : memref<128x128xf32, #tpu.memory_space<vmem>>, vector<1x16xf32>,
        %parallel_loop3A_581 = vector.shape_cast %parallel_loop3A_580 : vector<1x16xf32> to vector<16xf32>
        %parallel_loop3A_582 = vector.shape_cast %parallel_loop3A_575 : vector<16xf32> to vector<1x16xf32>
        tpu.vector_store %arg10[%parallel_loop3A_578, %parallel_loop3A_579], %parallel_loop3A_582 {strides = array<i32>} : memref<128x128xf32, #tpu.memory_space<vmem>>, vector<1x16xf32>,
        %parallel_loop3A_583 = arith.constant 64 : i32
        %parallel_loop3A_584 = arith.addi %parallel_loop3A_583, %parallel_loop3A_544 : i32
        %parallel_loop3A_585 = arith.index_cast %parallel_loop3A_584 : i32 to index
        %parallel_loop3A_586 = arith.constant 32 : index
        %parallel_loop3A_587 = tpu.vector_load %arg8[%parallel_loop3A_585, %parallel_loop3A_586] {strides = array<i32>} : memref<128x128xf32, #tpu.memory_space<vmem>>, vector<1x16xf32>,
        %parallel_loop3A_588 = vector.shape_cast %parallel_loop3A_587 : vector<1x16xf32> to vector<16xf32>
        %parallel_loop3A_589 = arith.index_cast %parallel_loop3A_544 : i32 to index
        %parallel_loop3A_590 = arith.constant 32 : index
        %parallel_loop3A_591 = tpu.vector_load %arg6[%parallel_loop3A_589, %parallel_loop3A_590] {strides = array<i32>} : memref<64x128xf32, #tpu.memory_space<vmem>>, vector<1x16xf32>,
        %parallel_loop3A_592 = vector.shape_cast %parallel_loop3A_591 : vector<1x16xf32> to vector<16xf32>
        %parallel_loop3A_593 = arith.addf %parallel_loop3A_588, %parallel_loop3A_592 : vector<16xf32>
        %parallel_loop3A_594 = arith.addf %parallel_loop3A_593, %get3A_282 : vector<16xf32>
        %parallel_loop3A_595 = arith.constant 64 : i32
        %parallel_loop3A_596 = arith.addi %parallel_loop3A_595, %parallel_loop3A_544 : i32
        %parallel_loop3A_597 = arith.index_cast %parallel_loop3A_596 : i32 to index
        %parallel_loop3A_598 = arith.constant 32 : index
        %parallel_loop3A_599 = tpu.vector_load %arg10[%parallel_loop3A_597, %parallel_loop3A_598] {strides = array<i32>} : memref<128x128xf32, #tpu.memory_space<vmem>>, vector<1x16xf32>,
        %parallel_loop3A_600 = vector.shape_cast %parallel_loop3A_599 : vector<1x16xf32> to vector<16xf32>
        %parallel_loop3A_601 = vector.shape_cast %parallel_loop3A_594 : vector<16xf32> to vector<1x16xf32>
        tpu.vector_store %arg10[%parallel_loop3A_597, %parallel_loop3A_598], %parallel_loop3A_601 {strides = array<i32>} : memref<128x128xf32, #tpu.memory_space<vmem>>, vector<1x16xf32>,
        %parallel_loop3A_602 = arith.constant 64 : i32
        %parallel_loop3A_603 = arith.addi %parallel_loop3A_602, %parallel_loop3A_544 : i32
        %parallel_loop3A_604 = arith.index_cast %parallel_loop3A_603 : i32 to index
        %parallel_loop3A_605 = arith.constant 48 : index
        %parallel_loop3A_606 = tpu.vector_load %arg8[%parallel_loop3A_604, %parallel_loop3A_605] {strides = array<i32>} : memref<128x128xf32, #tpu.memory_space<vmem>>, vector<1x16xf32>,
        %parallel_loop3A_607 = vector.shape_cast %parallel_loop3A_606 : vector<1x16xf32> to vector<16xf32>
        %parallel_loop3A_608 = arith.index_cast %parallel_loop3A_544 : i32 to index
        %parallel_loop3A_609 = arith.constant 48 : index
        %parallel_loop3A_610 = tpu.vector_load %arg6[%parallel_loop3A_608, %parallel_loop3A_609] {strides = array<i32>} : memref<64x128xf32, #tpu.memory_space<vmem>>, vector<1x16xf32>,
        %parallel_loop3A_611 = vector.shape_cast %parallel_loop3A_610 : vector<1x16xf32> to vector<16xf32>
        %parallel_loop3A_612 = arith.addf %parallel_loop3A_607, %parallel_loop3A_611 : vector<16xf32>
        %parallel_loop3A_613 = arith.addf %parallel_loop3A_612, %get3A_288 : vector<16xf32>
        %parallel_loop3A_614 = arith.constant 64 : i32
        %parallel_loop3A_615 = arith.addi %parallel_loop3A_614, %parallel_loop3A_544 : i32
        %parallel_loop3A_616 = arith.index_cast %parallel_loop3A_615 : i32 to index
        %parallel_loop3A_617 = arith.constant 48 : index
        %parallel_loop3A_618 = tpu.vector_load %arg10[%parallel_loop3A_616, %parallel_loop3A_617] {strides = array<i32>} : memref<128x128xf32, #tpu.memory_space<vmem>>, vector<1x16xf32>,
        %parallel_loop3A_619 = vector.shape_cast %parallel_loop3A_618 : vector<1x16xf32> to vector<16xf32>
        %parallel_loop3A_620 = vector.shape_cast %parallel_loop3A_613 : vector<16xf32> to vector<1x16xf32>
        tpu.vector_store %arg10[%parallel_loop3A_616, %parallel_loop3A_617], %parallel_loop3A_620 {strides = array<i32>} : memref<128x128xf32, #tpu.memory_space<vmem>>, vector<1x16xf32>,
        %parallel_loop3A_621 = arith.constant 64 : i32
        %parallel_loop3A_622 = arith.addi %parallel_loop3A_621, %parallel_loop3A_544 : i32
        %parallel_loop3A_623 = arith.index_cast %parallel_loop3A_622 : i32 to index
        %parallel_loop3A_624 = arith.constant 64 : index
        %parallel_loop3A_625 = tpu.vector_load %arg8[%parallel_loop3A_623, %parallel_loop3A_624] {strides = array<i32>} : memref<128x128xf32, #tpu.memory_space<vmem>>, vector<1x16xf32>,
        %parallel_loop3A_626 = vector.shape_cast %parallel_loop3A_625 : vector<1x16xf32> to vector<16xf32>
        %parallel_loop3A_627 = arith.index_cast %parallel_loop3A_544 : i32 to index
        %parallel_loop3A_628 = arith.constant 64 : index
        %parallel_loop3A_629 = tpu.vector_load %arg6[%parallel_loop3A_627, %parallel_loop3A_628] {strides = array<i32>} : memref<64x128xf32, #tpu.memory_space<vmem>>, vector<1x16xf32>,
        %parallel_loop3A_630 = vector.shape_cast %parallel_loop3A_629 : vector<1x16xf32> to vector<16xf32>
        %parallel_loop3A_631 = arith.addf %parallel_loop3A_626, %parallel_loop3A_630 : vector<16xf32>
        %parallel_loop3A_632 = arith.addf %parallel_loop3A_631, %get3A_294 : vector<16xf32>
        %parallel_loop3A_633 = arith.constant 64 : i32
        %parallel_loop3A_634 = arith.addi %parallel_loop3A_633, %parallel_loop3A_544 : i32
        %parallel_loop3A_635 = arith.index_cast %parallel_loop3A_634 : i32 to index
        %parallel_loop3A_636 = arith.constant 64 : index
        %parallel_loop3A_637 = tpu.vector_load %arg10[%parallel_loop3A_635, %parallel_loop3A_636] {strides = array<i32>} : memref<128x128xf32, #tpu.memory_space<vmem>>, vector<1x16xf32>,
        %parallel_loop3A_638 = vector.shape_cast %parallel_loop3A_637 : vector<1x16xf32> to vector<16xf32>
        %parallel_loop3A_639 = vector.shape_cast %parallel_loop3A_632 : vector<16xf32> to vector<1x16xf32>
        tpu.vector_store %arg10[%parallel_loop3A_635, %parallel_loop3A_636], %parallel_loop3A_639 {strides = array<i32>} : memref<128x128xf32, #tpu.memory_space<vmem>>, vector<1x16xf32>,
        %parallel_loop3A_640 = arith.constant 64 : i32
        %parallel_loop3A_641 = arith.addi %parallel_loop3A_640, %parallel_loop3A_544 : i32
        %parallel_loop3A_642 = arith.index_cast %parallel_loop3A_641 : i32 to index
        %parallel_loop3A_643 = arith.constant 80 : index
        %parallel_loop3A_644 = tpu.vector_load %arg8[%parallel_loop3A_642, %parallel_loop3A_643] {strides = array<i32>} : memref<128x128xf32, #tpu.memory_space<vmem>>, vector<1x16xf32>,
        %parallel_loop3A_645 = vector.shape_cast %parallel_loop3A_644 : vector<1x16xf32> to vector<16xf32>
        %parallel_loop3A_646 = arith.index_cast %parallel_loop3A_544 : i32 to index
        %parallel_loop3A_647 = arith.constant 80 : index
        %parallel_loop3A_648 = tpu.vector_load %arg6[%parallel_loop3A_646, %parallel_loop3A_647] {strides = array<i32>} : memref<64x128xf32, #tpu.memory_space<vmem>>, vector<1x16xf32>,
        %parallel_loop3A_649 = vector.shape_cast %parallel_loop3A_648 : vector<1x16xf32> to vector<16xf32>
        %parallel_loop3A_650 = arith.addf %parallel_loop3A_645, %parallel_loop3A_649 : vector<16xf32>
        %parallel_loop3A_651 = arith.addf %parallel_loop3A_650, %get3A_300 : vector<16xf32>
        %parallel_loop3A_652 = arith.constant 64 : i32
        %parallel_loop3A_653 = arith.addi %parallel_loop3A_652, %parallel_loop3A_544 : i32
        %parallel_loop3A_654 = arith.index_cast %parallel_loop3A_653 : i32 to index
        %parallel_loop3A_655 = arith.constant 80 : index
        %parallel_loop3A_656 = tpu.vector_load %arg10[%parallel_loop3A_654, %parallel_loop3A_655] {strides = array<i32>} : memref<128x128xf32, #tpu.memory_space<vmem>>, vector<1x16xf32>,
        %parallel_loop3A_657 = vector.shape_cast %parallel_loop3A_656 : vector<1x16xf32> to vector<16xf32>
        %parallel_loop3A_658 = vector.shape_cast %parallel_loop3A_651 : vector<16xf32> to vector<1x16xf32>
        tpu.vector_store %arg10[%parallel_loop3A_654, %parallel_loop3A_655], %parallel_loop3A_658 {strides = array<i32>} : memref<128x128xf32, #tpu.memory_space<vmem>>, vector<1x16xf32>,
        %parallel_loop3A_659 = arith.constant 64 : i32
        %parallel_loop3A_660 = arith.addi %parallel_loop3A_659, %parallel_loop3A_544 : i32
        %parallel_loop3A_661 = arith.index_cast %parallel_loop3A_660 : i32 to index
        %parallel_loop3A_662 = arith.constant 96 : index
        %parallel_loop3A_663 = tpu.vector_load %arg8[%parallel_loop3A_661, %parallel_loop3A_662] {strides = array<i32>} : memref<128x128xf32, #tpu.memory_space<vmem>>, vector<1x16xf32>,
        %parallel_loop3A_664 = vector.shape_cast %parallel_loop3A_663 : vector<1x16xf32> to vector<16xf32>
        %parallel_loop3A_665 = arith.index_cast %parallel_loop3A_544 : i32 to index
        %parallel_loop3A_666 = arith.constant 96 : index
        %parallel_loop3A_667 = tpu.vector_load %arg6[%parallel_loop3A_665, %parallel_loop3A_666] {strides = array<i32>} : memref<64x128xf32, #tpu.memory_space<vmem>>, vector<1x16xf32>,
        %parallel_loop3A_668 = vector.shape_cast %parallel_loop3A_667 : vector<1x16xf32> to vector<16xf32>
        %parallel_loop3A_669 = arith.addf %parallel_loop3A_664, %parallel_loop3A_668 : vector<16xf32>
        %parallel_loop3A_670 = arith.addf %parallel_loop3A_669, %get3A_306 : vector<16xf32>
        %parallel_loop3A_671 = arith.constant 64 : i32
        %parallel_loop3A_672 = arith.addi %parallel_loop3A_671, %parallel_loop3A_544 : i32
        %parallel_loop3A_673 = arith.index_cast %parallel_loop3A_672 : i32 to index
        %parallel_loop3A_674 = arith.constant 96 : index
        %parallel_loop3A_675 = tpu.vector_load %arg10[%parallel_loop3A_673, %parallel_loop3A_674] {strides = array<i32>} : memref<128x128xf32, #tpu.memory_space<vmem>>, vector<1x16xf32>,
        %parallel_loop3A_676 = vector.shape_cast %parallel_loop3A_675 : vector<1x16xf32> to vector<16xf32>
        %parallel_loop3A_677 = vector.shape_cast %parallel_loop3A_670 : vector<16xf32> to vector<1x16xf32>
        tpu.vector_store %arg10[%parallel_loop3A_673, %parallel_loop3A_674], %parallel_loop3A_677 {strides = array<i32>} : memref<128x128xf32, #tpu.memory_space<vmem>>, vector<1x16xf32>,
        %parallel_loop3A_678 = arith.constant 64 : i32
        %parallel_loop3A_679 = arith.addi %parallel_loop3A_678, %parallel_loop3A_544 : i32
        %parallel_loop3A_680 = arith.index_cast %parallel_loop3A_679 : i32 to index
        %parallel_loop3A_681 = arith.constant 112 : index
        %parallel_loop3A_682 = tpu.vector_load %arg8[%parallel_loop3A_680, %parallel_loop3A_681] {strides = array<i32>} : memref<128x128xf32, #tpu.memory_space<vmem>>, vector<1x16xf32>,
        %parallel_loop3A_683 = vector.shape_cast %parallel_loop3A_682 : vector<1x16xf32> to vector<16xf32>
        %parallel_loop3A_684 = arith.index_cast %parallel_loop3A_544 : i32 to index
        %parallel_loop3A_685 = arith.constant 112 : index
        %parallel_loop3A_686 = tpu.vector_load %arg6[%parallel_loop3A_684, %parallel_loop3A_685] {strides = array<i32>} : memref<64x128xf32, #tpu.memory_space<vmem>>, vector<1x16xf32>,
        %parallel_loop3A_687 = vector.shape_cast %parallel_loop3A_686 : vector<1x16xf32> to vector<16xf32>
        %parallel_loop3A_688 = arith.addf %parallel_loop3A_683, %parallel_loop3A_687 : vector<16xf32>
        %parallel_loop3A_689 = arith.addf %parallel_loop3A_688, %get3A_312 : vector<16xf32>
        %parallel_loop3A_690 = arith.constant 64 : i32
        %parallel_loop3A_691 = arith.addi %parallel_loop3A_690, %parallel_loop3A_544 : i32
        %parallel_loop3A_692 = arith.index_cast %parallel_loop3A_691 : i32 to index
        %parallel_loop3A_693 = arith.constant 112 : index
        %parallel_loop3A_694 = tpu.vector_load %arg10[%parallel_loop3A_692, %parallel_loop3A_693] {strides = array<i32>} : memref<128x128xf32, #tpu.memory_space<vmem>>, vector<1x16xf32>,
        %parallel_loop3A_695 = vector.shape_cast %parallel_loop3A_694 : vector<1x16xf32> to vector<16xf32>
        %parallel_loop3A_696 = vector.shape_cast %parallel_loop3A_689 : vector<16xf32> to vector<1x16xf32>
        tpu.vector_store %arg10[%parallel_loop3A_692, %parallel_loop3A_693], %parallel_loop3A_696 {strides = array<i32>} : memref<128x128xf32, #tpu.memory_space<vmem>>, vector<1x16xf32>,
      } {sc.loop_unroll_factor = 4 : i64, sc.parallel_access}
      %add3A_316 = arith.constant 2 : i32
      %add3A_317 = arith.addi %add3A_118, %add3A_316 : i32
      %lt3A_318 = arith.constant 128 : i32
      %lt3A_319 = arith.cmpi slt, %add3A_317, %lt3A_318 : i32
      %convert_element_type3A_320 = arith.extui %lt3A_319 : i1 to i32
      %cond3A_321 = arith.constant 0 : i32
      %cond3A_322 = arith.cmpi ne, %convert_element_type3A_320, %cond3A_321 : i32
      scf.if %cond3A_322 {
        %add3A_544 = arith.constant 2 : i32
        %add3A_545 = arith.addi %add3A_118, %add3A_544 : i32
        %jit3A_546 = arith.constant 8 : i32
        %div3A_547 = arith.divsi %add3A_545, %jit3A_546 : i32
        %sign3A_548 = arith.constant 0 : i32
        %sign3A_549 = arith.cmpi sgt, %add3A_545, %sign3A_548 : i32
        %sign3A_550 = arith.extui %sign3A_549 : i1 to i32
        %sign3A_551 = arith.constant 0 : i32
        %sign3A_552 = arith.cmpi slt, %add3A_545, %sign3A_551 : i32
        %sign3A_553 = arith.extui %sign3A_552 : i1 to i32
        %sign3A_554 = arith.subi %sign3A_550, %sign3A_553 : i32
        %sign3A_555 = arith.constant 0 : i32
        %sign3A_556 = arith.cmpi sgt, %jit3A_546, %sign3A_555 : i32
        %sign3A_557 = arith.extui %sign3A_556 : i1 to i32
        %sign3A_558 = arith.constant 0 : i32
        %sign3A_559 = arith.cmpi slt, %jit3A_546, %sign3A_558 : i32
        %sign3A_560 = arith.extui %sign3A_559 : i1 to i32
        %sign3A_561 = arith.subi %sign3A_557, %sign3A_560 : i32
        %ne3A_562 = arith.cmpi ne, %sign3A_554, %sign3A_561 : i32
        %rem3A_563 = arith.remsi %add3A_545, %jit3A_546 : i32
        %ne3A_564 = arith.constant 0 : i32
        %ne3A_565 = arith.cmpi ne, %rem3A_563, %ne3A_564 : i32
        %and3A_566 = arith.andi %ne3A_562, %ne3A_565 : i1
        %sub3A_567 = arith.constant 1 : i32
        %sub3A_568 = arith.subi %div3A_547, %sub3A_567 : i32
        %select_n3A_569 = arith.select %and3A_566, %sub3A_568, %div3A_547 : i32
        %mul3A_570 = arith.constant 2 : i32
        %mul3A_571 = arith.muli %mul3A_570, %select_n3A_569 : i32
        %jit3A_572 = arith.constant 8 : i32
        %eq3A_573 = arith.constant 0 : i32
        %eq3A_574 = arith.cmpi eq, %jit3A_572, %eq3A_573 : i32
        %jit3A_575 = arith.constant 1 : i32
        %select_n3A_576 = arith.select %eq3A_574, %jit3A_575, %jit3A_572 : i32
        %rem3A_577 = arith.remsi %add3A_545, %select_n3A_576 : i32
        %ne3A_578 = arith.constant 0 : i32
        %ne3A_579 = arith.cmpi ne, %rem3A_577, %ne3A_578 : i32
        %lt3A_580 = arith.constant 0 : i32
        %lt3A_581 = arith.cmpi slt, %rem3A_577, %lt3A_580 : i32
        %lt3A_582 = arith.constant 0 : i32
        %lt3A_583 = arith.cmpi slt, %select_n3A_576, %lt3A_582 : i32
        %ne3A_584 = arith.xori %lt3A_581, %lt3A_583 : i1
        %and3A_585 = arith.andi %ne3A_584, %ne3A_579 : i1
        %add3A_586 = arith.addi %rem3A_577, %select_n3A_576 : i32
        %select_n3A_587 = arith.select %and3A_585, %add3A_586, %rem3A_577 : i32
        %add3A_588 = arith.addi %mul3A_2, %mul3A_571 : i32
        %jit3A_589 = arith.constant 16 : i32
        %div3A_590 = arith.divsi %add3A_588, %jit3A_589 : i32
        %sign3A_591 = arith.constant 0 : i32
        %sign3A_592 = arith.cmpi sgt, %add3A_588, %sign3A_591 : i32
        %sign3A_593 = arith.extui %sign3A_592 : i1 to i32
        %sign3A_594 = arith.constant 0 : i32
        %sign3A_595 = arith.cmpi slt, %add3A_588, %sign3A_594 : i32
        %sign3A_596 = arith.extui %sign3A_595 : i1 to i32
        %sign3A_597 = arith.subi %sign3A_593, %sign3A_596 : i32
        %sign3A_598 = arith.constant 0 : i32
        %sign3A_599 = arith.cmpi sgt, %jit3A_589, %sign3A_598 : i32
        %sign3A_600 = arith.extui %sign3A_599 : i1 to i32
        %sign3A_601 = arith.constant 0 : i32
        %sign3A_602 = arith.cmpi slt, %jit3A_589, %sign3A_601 : i32
        %sign3A_603 = arith.extui %sign3A_602 : i1 to i32
        %sign3A_604 = arith.subi %sign3A_600, %sign3A_603 : i32
        %ne3A_605 = arith.cmpi ne, %sign3A_597, %sign3A_604 : i32
        %rem3A_606 = arith.remsi %add3A_588, %jit3A_589 : i32
        %ne3A_607 = arith.constant 0 : i32
        %ne3A_608 = arith.cmpi ne, %rem3A_606, %ne3A_607 : i32
        %and3A_609 = arith.andi %ne3A_605, %ne3A_608 : i1
        %sub3A_610 = arith.constant 1 : i32
        %sub3A_611 = arith.subi %div3A_590, %sub3A_610 : i32
        %select_n3A_612 = arith.select %and3A_609, %sub3A_611, %div3A_590 : i32
        %jit3A_613 = arith.constant 16 : i32
        %eq3A_614 = arith.constant 0 : i32
        %eq3A_615 = arith.cmpi eq, %jit3A_613, %eq3A_614 : i32
        %jit3A_616 = arith.constant 1 : i32
        %select_n3A_617 = arith.select %eq3A_615, %jit3A_616, %jit3A_613 : i32
        %rem3A_618 = arith.remsi %add3A_588, %select_n3A_617 : i32
        %ne3A_619 = arith.constant 0 : i32
        %ne3A_620 = arith.cmpi ne, %rem3A_618, %ne3A_619 : i32
        %lt3A_621 = arith.constant 0 : i32
        %lt3A_622 = arith.cmpi slt, %rem3A_618, %lt3A_621 : i32
        %lt3A_623 = arith.constant 0 : i32
        %lt3A_624 = arith.cmpi slt, %select_n3A_617, %lt3A_623 : i32
        %ne3A_625 = arith.xori %lt3A_622, %lt3A_624 : i1
        %and3A_626 = arith.andi %ne3A_625, %ne3A_620 : i1
        %add3A_627 = arith.addi %rem3A_618, %select_n3A_617 : i32
        %select_n3A_628 = arith.select %and3A_626, %add3A_627, %rem3A_618 : i32
        %mul3A_629 = arith.constant 65536 : i32
        %mul3A_630 = arith.muli %select_n3A_587, %mul3A_629 : i32
        %mul3A_631 = arith.constant 1024 : i32
        %mul3A_632 = arith.muli %select_n3A_612, %mul3A_631 : i32
        %add3A_633 = arith.addi %mul3A_630, %mul3A_632 : i32
        %mul3A_634 = arith.constant 64 : i32
        %mul3A_635 = arith.muli %select_n3A_628, %mul3A_634 : i32
        %add3A_636 = arith.addi %add3A_633, %mul3A_635 : i32
        %dma_start3A_637 = arith.constant 0 : i32
        %dma_start3A_638 = tpu.memref_slice %arg2[%add3A_636, %dma_start3A_637] : memref<524288x128xf32, #tpu.memory_space<hbm>> -> memref<128x128xf32, #tpu.memory_space<hbm>>
        %dma_start3A_639 = arith.constant 0 : i32
        %dma_start3A_640 = tpu.memref_slice %arg2[%add3A_636, %dma_start3A_639] : memref<524288x128xf32, #tpu.memory_space<hbm>> -> memref<128x128xf32, #tpu.memory_space<hbm>>
        tpu.enqueue_dma source(%dma_start3A_640 : memref<128x128xf32, #tpu.memory_space<hbm>>) target(%arg8 : memref<128x128xf32, #tpu.memory_space<vmem>>) target_semaphore(%arg12 : memref<!tpu.dma_semaphore, #tpu.memory_space<semaphore_mem>>)
      } else {
      }
      %dma_start3A_323 = arith.constant 0 : i32
      %dma_start3A_324 = tpu.memref_slice %arg5[%add3A_209, %dma_start3A_323] : memref<524288x128xf32, #tpu.memory_space<hbm>> -> memref<128x128xf32, #tpu.memory_space<hbm>>
      %dma_start3A_325 = arith.constant 0 : i32
      %dma_start3A_326 = tpu.memref_slice %arg5[%add3A_209, %dma_start3A_325] : memref<524288x128xf32, #tpu.memory_space<hbm>> -> memref<128x128xf32, #tpu.memory_space<hbm>>
      tpu.enqueue_dma source(%arg10 : memref<128x128xf32, #tpu.memory_space<vmem>>) target(%dma_start3A_326 : memref<128x128xf32, #tpu.memory_space<hbm>>) target_semaphore(%arg14 : memref<!tpu.dma_semaphore, #tpu.memory_space<semaphore_mem>>)
      %mul3A_327 = arith.constant 2 : i32
      %mul3A_328 = arith.muli %scan3A_114, %mul3A_327 : i32
      %add3A_329 = arith.constant 1 : i32
      %add3A_330 = arith.addi %mul3A_328, %add3A_329 : i32
      %jit3A_331 = arith.constant 8 : i32
      %div3A_332 = arith.divsi %add3A_330, %jit3A_331 : i32
      %sign3A_333 = arith.constant 0 : i32
      %sign3A_334 = arith.cmpi sgt, %add3A_330, %sign3A_333 : i32
      %sign3A_335 = arith.extui %sign3A_334 : i1 to i32
      %sign3A_336 = arith.constant 0 : i32
      %sign3A_337 = arith.cmpi slt, %add3A_330, %sign3A_336 : i32
      %sign3A_338 = arith.extui %sign3A_337 : i1 to i32
      %sign3A_339 = arith.subi %sign3A_335, %sign3A_338 : i32
      %sign3A_340 = arith.constant 0 : i32
      %sign3A_341 = arith.cmpi sgt, %jit3A_331, %sign3A_340 : i32
      %sign3A_342 = arith.extui %sign3A_341 : i1 to i32
      %sign3A_343 = arith.constant 0 : i32
      %sign3A_344 = arith.cmpi slt, %jit3A_331, %sign3A_343 : i32
      %sign3A_345 = arith.extui %sign3A_344 : i1 to i32
      %sign3A_346 = arith.subi %sign3A_342, %sign3A_345 : i32
      %ne3A_347 = arith.cmpi ne, %sign3A_339, %sign3A_346 : i32
      %rem3A_348 = arith.remsi %add3A_330, %jit3A_331 : i32
      %ne3A_349 = arith.constant 0 : i32
      %ne3A_350 = arith.cmpi ne, %rem3A_348, %ne3A_349 : i32
      %and3A_351 = arith.andi %ne3A_347, %ne3A_350 : i1
      %sub3A_352 = arith.constant 1 : i32
      %sub3A_353 = arith.subi %div3A_332, %sub3A_352 : i32
      %select_n3A_354 = arith.select %and3A_351, %sub3A_353, %div3A_332 : i32
      %mul3A_355 = arith.constant 2 : i32
      %mul3A_356 = arith.muli %mul3A_355, %select_n3A_354 : i32
      %jit3A_357 = arith.constant 8 : i32
      %eq3A_358 = arith.constant 0 : i32
      %eq3A_359 = arith.cmpi eq, %jit3A_357, %eq3A_358 : i32
      %jit3A_360 = arith.constant 1 : i32
      %select_n3A_361 = arith.select %eq3A_359, %jit3A_360, %jit3A_357 : i32
      %rem3A_362 = arith.remsi %add3A_330, %select_n3A_361 : i32
      %ne3A_363 = arith.constant 0 : i32
      %ne3A_364 = arith.cmpi ne, %rem3A_362, %ne3A_363 : i32
      %lt3A_365 = arith.constant 0 : i32
      %lt3A_366 = arith.cmpi slt, %rem3A_362, %lt3A_365 : i32
      %lt3A_367 = arith.constant 0 : i32
      %lt3A_368 = arith.cmpi slt, %select_n3A_361, %lt3A_367 : i32
      %ne3A_369 = arith.xori %lt3A_366, %lt3A_368 : i1
      %and3A_370 = arith.andi %ne3A_369, %ne3A_364 : i1
      %add3A_371 = arith.addi %rem3A_362, %select_n3A_361 : i32
      %select_n3A_372 = arith.select %and3A_370, %add3A_371, %rem3A_362 : i32
      %add3A_373 = arith.addi %mul3A_2, %mul3A_356 : i32
      %jit3A_374 = arith.constant 16 : i32
      %div3A_375 = arith.divsi %add3A_373, %jit3A_374 : i32
      %sign3A_376 = arith.constant 0 : i32
      %sign3A_377 = arith.cmpi sgt, %add3A_373, %sign3A_376 : i32
      %sign3A_378 = arith.extui %sign3A_377 : i1 to i32
      %sign3A_379 = arith.constant 0 : i32
      %sign3A_380 = arith.cmpi slt, %add3A_373, %sign3A_379 : i32
      %sign3A_381 = arith.extui %sign3A_380 : i1 to i32
      %sign3A_382 = arith.subi %sign3A_378, %sign3A_381 : i32
      %sign3A_383 = arith.constant 0 : i32
      %sign3A_384 = arith.cmpi sgt, %jit3A_374, %sign3A_383 : i32
      %sign3A_385 = arith.extui %sign3A_384 : i1 to i32
      %sign3A_386 = arith.constant 0 : i32
      %sign3A_387 = arith.cmpi slt, %jit3A_374, %sign3A_386 : i32
      %sign3A_388 = arith.extui %sign3A_387 : i1 to i32
      %sign3A_389 = arith.subi %sign3A_385, %sign3A_388 : i32
      %ne3A_390 = arith.cmpi ne, %sign3A_382, %sign3A_389 : i32
      %rem3A_391 = arith.remsi %add3A_373, %jit3A_374 : i32
      %ne3A_392 = arith.constant 0 : i32
      %ne3A_393 = arith.cmpi ne, %rem3A_391, %ne3A_392 : i32
      %and3A_394 = arith.andi %ne3A_390, %ne3A_393 : i1
      %sub3A_395 = arith.constant 1 : i32
      %sub3A_396 = arith.subi %div3A_375, %sub3A_395 : i32
      %select_n3A_397 = arith.select %and3A_394, %sub3A_396, %div3A_375 : i32
      %jit3A_398 = arith.constant 16 : i32
      %eq3A_399 = arith.constant 0 : i32
      %eq3A_400 = arith.cmpi eq, %jit3A_398, %eq3A_399 : i32
      %jit3A_401 = arith.constant 1 : i32
      %select_n3A_402 = arith.select %eq3A_400, %jit3A_401, %jit3A_398 : i32
      %rem3A_403 = arith.remsi %add3A_373, %select_n3A_402 : i32
      %ne3A_404 = arith.constant 0 : i32
      %ne3A_405 = arith.cmpi ne, %rem3A_403, %ne3A_404 : i32
      %lt3A_406 = arith.constant 0 : i32
      %lt3A_407 = arith.cmpi slt, %rem3A_403, %lt3A_406 : i32
      %lt3A_408 = arith.constant 0 : i32
      %lt3A_409 = arith.cmpi slt, %select_n3A_402, %lt3A_408 : i32
      %ne3A_410 = arith.xori %lt3A_407, %lt3A_409 : i1
      %and3A_411 = arith.andi %ne3A_410, %ne3A_405 : i1
      %add3A_412 = arith.addi %rem3A_403, %select_n3A_402 : i32
      %select_n3A_413 = arith.select %and3A_411, %add3A_412, %rem3A_403 : i32
      %mul3A_414 = arith.constant 65536 : i32
      %mul3A_415 = arith.muli %select_n3A_372, %mul3A_414 : i32
      %mul3A_416 = arith.constant 1024 : i32
      %mul3A_417 = arith.muli %select_n3A_397, %mul3A_416 : i32
      %add3A_418 = arith.addi %mul3A_415, %mul3A_417 : i32
      %mul3A_419 = arith.constant 64 : i32
      %mul3A_420 = arith.muli %select_n3A_413, %mul3A_419 : i32
      %add3A_421 = arith.addi %add3A_418, %mul3A_420 : i32
      %dma_wait3A_422 = arith.constant 0 : i32
      %dma_wait3A_423 = tpu.memref_slice %arg2[%add3A_421, %dma_wait3A_422] : memref<524288x128xf32, #tpu.memory_space<hbm>> -> memref<128x128xf32, #tpu.memory_space<hbm>>
      %dma_wait3A_424 = arith.constant 0 : i32
      %dma_wait3A_425 = tpu.memref_slice %arg2[%add3A_421, %dma_wait3A_424] : memref<524288x128xf32, #tpu.memory_space<hbm>> -> memref<128x128xf32, #tpu.memory_space<hbm>>
      tpu.wait_dma2 semaphore(%arg13 : memref<!tpu.dma_semaphore, #tpu.memory_space<semaphore_mem>>) src(%dma_wait3A_425 : memref<128x128xf32, #tpu.memory_space<hbm>>) dst(%arg9 : memref<128x128xf32, #tpu.memory_space<vmem>>)
      %ge3A_426 = arith.constant 2 : i32
      %ge3A_427 = arith.cmpi sge, %add3A_330, %ge3A_426 : i32
      %convert_element_type3A_428 = arith.extui %ge3A_427 : i1 to i32
      %cond3A_429 = arith.constant 0 : i32
      %cond3A_430 = arith.cmpi ne, %convert_element_type3A_428, %cond3A_429 : i32
      scf.if %cond3A_430 {
        %dma_wait3A_544 = arith.constant 0 : i32
        %dma_wait3A_545 = tpu.memref_slice %arg5[%add3A_421, %dma_wait3A_544] : memref<524288x128xf32, #tpu.memory_space<hbm>> -> memref<128x128xf32, #tpu.memory_space<hbm>>
        %dma_wait3A_546 = arith.constant 0 : i32
        %dma_wait3A_547 = tpu.memref_slice %arg5[%add3A_421, %dma_wait3A_546] : memref<524288x128xf32, #tpu.memory_space<hbm>> -> memref<128x128xf32, #tpu.memory_space<hbm>>
        tpu.wait_dma2 semaphore(%arg15 : memref<!tpu.dma_semaphore, #tpu.memory_space<semaphore_mem>>) src(%arg11 : memref<128x128xf32, #tpu.memory_space<vmem>>) dst(%dma_wait3A_547 : memref<128x128xf32, #tpu.memory_space<hbm>>)
      } else {
      }
      %add3A_431 = arith.constant 0 : i32
      %add3A_432 = arith.addi %mul3A_356, %add3A_431 : i32
      %get3A_433 = arith.index_cast %add3A_432 : i32 to index
      %get3A_434 = arith.constant 0 : index
      %get3A_435 = tpu.vector_load %arg7[%get3A_433, %get3A_434] {strides = array<i32>} : memref<32x128xf32, #tpu.memory_space<vmem>>, vector<1x16xf32>,
      %get3A_436 = vector.shape_cast %get3A_435 : vector<1x16xf32> to vector<16xf32>
      %add3A_437 = arith.constant 0 : i32
      %add3A_438 = arith.addi %mul3A_356, %add3A_437 : i32
      %get3A_439 = arith.index_cast %add3A_438 : i32 to index
      %get3A_440 = arith.constant 16 : index
      %get3A_441 = tpu.vector_load %arg7[%get3A_439, %get3A_440] {strides = array<i32>} : memref<32x128xf32, #tpu.memory_space<vmem>>, vector<1x16xf32>,
      %get3A_442 = vector.shape_cast %get3A_441 : vector<1x16xf32> to vector<16xf32>
      %add3A_443 = arith.constant 0 : i32
      %add3A_444 = arith.addi %mul3A_356, %add3A_443 : i32
      %get3A_445 = arith.index_cast %add3A_444 : i32 to index
      %get3A_446 = arith.constant 32 : index
      %get3A_447 = tpu.vector_load %arg7[%get3A_445, %get3A_446] {strides = array<i32>} : memref<32x128xf32, #tpu.memory_space<vmem>>, vector<1x16xf32>,
      %get3A_448 = vector.shape_cast %get3A_447 : vector<1x16xf32> to vector<16xf32>
      %add3A_449 = arith.constant 0 : i32
      %add3A_450 = arith.addi %mul3A_356, %add3A_449 : i32
      %get3A_451 = arith.index_cast %add3A_450 : i32 to index
      %get3A_452 = arith.constant 48 : index
      %get3A_453 = tpu.vector_load %arg7[%get3A_451, %get3A_452] {strides = array<i32>} : memref<32x128xf32, #tpu.memory_space<vmem>>, vector<1x16xf32>,
      %get3A_454 = vector.shape_cast %get3A_453 : vector<1x16xf32> to vector<16xf32>
      %add3A_455 = arith.constant 0 : i32
      %add3A_456 = arith.addi %mul3A_356, %add3A_455 : i32
      %get3A_457 = arith.index_cast %add3A_456 : i32 to index
      %get3A_458 = arith.constant 64 : index
      %get3A_459 = tpu.vector_load %arg7[%get3A_457, %get3A_458] {strides = array<i32>} : memref<32x128xf32, #tpu.memory_space<vmem>>, vector<1x16xf32>,
      %get3A_460 = vector.shape_cast %get3A_459 : vector<1x16xf32> to vector<16xf32>
      %add3A_461 = arith.constant 0 : i32
      %add3A_462 = arith.addi %mul3A_356, %add3A_461 : i32
      %get3A_463 = arith.index_cast %add3A_462 : i32 to index
      %get3A_464 = arith.constant 80 : index
      %get3A_465 = tpu.vector_load %arg7[%get3A_463, %get3A_464] {strides = array<i32>} : memref<32x128xf32, #tpu.memory_space<vmem>>, vector<1x16xf32>,
      %get3A_466 = vector.shape_cast %get3A_465 : vector<1x16xf32> to vector<16xf32>
      %add3A_467 = arith.constant 0 : i32
      %add3A_468 = arith.addi %mul3A_356, %add3A_467 : i32
      %get3A_469 = arith.index_cast %add3A_468 : i32 to index
      %get3A_470 = arith.constant 96 : index
      %get3A_471 = tpu.vector_load %arg7[%get3A_469, %get3A_470] {strides = array<i32>} : memref<32x128xf32, #tpu.memory_space<vmem>>, vector<1x16xf32>,
      %get3A_472 = vector.shape_cast %get3A_471 : vector<1x16xf32> to vector<16xf32>
      %add3A_473 = arith.constant 0 : i32
      %add3A_474 = arith.addi %mul3A_356, %add3A_473 : i32
      %get3A_475 = arith.index_cast %add3A_474 : i32 to index
      %get3A_476 = arith.constant 112 : index
      %get3A_477 = tpu.vector_load %arg7[%get3A_475, %get3A_476] {strides = array<i32>} : memref<32x128xf32, #tpu.memory_space<vmem>>, vector<1x16xf32>,
      %get3A_478 = vector.shape_cast %get3A_477 : vector<1x16xf32> to vector<16xf32>
      %parallel_loop3A_479 = arith.constant 0 : i32
      %parallel_loop3A_480 = arith.constant 64 : i32
      %parallel_loop3A_481 = arith.constant 1 : i32
      scf.for %parallel_loop3A_544 = %parallel_loop3A_479 to %parallel_loop3A_480 step %parallel_loop3A_481  : i32 {
        %parallel_loop3A_545 = arith.constant 0 : i32
        %parallel_loop3A_546 = arith.addi %parallel_loop3A_545, %parallel_loop3A_544 : i32
        %parallel_loop3A_547 = arith.index_cast %parallel_loop3A_546 : i32 to index
        %parallel_loop3A_548 = arith.constant 0 : index
        %parallel_loop3A_549 = tpu.vector_load %arg9[%parallel_loop3A_547, %parallel_loop3A_548] {strides = array<i32>} : memref<128x128xf32, #tpu.memory_space<vmem>>, vector<1x16xf32>,
        %parallel_loop3A_550 = vector.shape_cast %parallel_loop3A_549 : vector<1x16xf32> to vector<16xf32>
        %parallel_loop3A_551 = arith.index_cast %parallel_loop3A_544 : i32 to index
        %parallel_loop3A_552 = arith.constant 0 : index
        %parallel_loop3A_553 = tpu.vector_load %arg6[%parallel_loop3A_551, %parallel_loop3A_552] {strides = array<i32>} : memref<64x128xf32, #tpu.memory_space<vmem>>, vector<1x16xf32>,
        %parallel_loop3A_554 = vector.shape_cast %parallel_loop3A_553 : vector<1x16xf32> to vector<16xf32>
        %parallel_loop3A_555 = arith.addf %parallel_loop3A_550, %parallel_loop3A_554 : vector<16xf32>
        %parallel_loop3A_556 = arith.addf %parallel_loop3A_555, %get3A_436 : vector<16xf32>
        %parallel_loop3A_557 = arith.constant 0 : i32
        %parallel_loop3A_558 = arith.addi %parallel_loop3A_557, %parallel_loop3A_544 : i32
        %parallel_loop3A_559 = arith.index_cast %parallel_loop3A_558 : i32 to index
        %parallel_loop3A_560 = arith.constant 0 : index
        %parallel_loop3A_561 = tpu.vector_load %arg11[%parallel_loop3A_559, %parallel_loop3A_560] {strides = array<i32>} : memref<128x128xf32, #tpu.memory_space<vmem>>, vector<1x16xf32>,
        %parallel_loop3A_562 = vector.shape_cast %parallel_loop3A_561 : vector<1x16xf32> to vector<16xf32>
        %parallel_loop3A_563 = vector.shape_cast %parallel_loop3A_556 : vector<16xf32> to vector<1x16xf32>
        tpu.vector_store %arg11[%parallel_loop3A_559, %parallel_loop3A_560], %parallel_loop3A_563 {strides = array<i32>} : memref<128x128xf32, #tpu.memory_space<vmem>>, vector<1x16xf32>,
        %parallel_loop3A_564 = arith.constant 0 : i32
        %parallel_loop3A_565 = arith.addi %parallel_loop3A_564, %parallel_loop3A_544 : i32
        %parallel_loop3A_566 = arith.index_cast %parallel_loop3A_565 : i32 to index
        %parallel_loop3A_567 = arith.constant 16 : index
        %parallel_loop3A_568 = tpu.vector_load %arg9[%parallel_loop3A_566, %parallel_loop3A_567] {strides = array<i32>} : memref<128x128xf32, #tpu.memory_space<vmem>>, vector<1x16xf32>,
        %parallel_loop3A_569 = vector.shape_cast %parallel_loop3A_568 : vector<1x16xf32> to vector<16xf32>
        %parallel_loop3A_570 = arith.index_cast %parallel_loop3A_544 : i32 to index
        %parallel_loop3A_571 = arith.constant 16 : index
        %parallel_loop3A_572 = tpu.vector_load %arg6[%parallel_loop3A_570, %parallel_loop3A_571] {strides = array<i32>} : memref<64x128xf32, #tpu.memory_space<vmem>>, vector<1x16xf32>,
        %parallel_loop3A_573 = vector.shape_cast %parallel_loop3A_572 : vector<1x16xf32> to vector<16xf32>
        %parallel_loop3A_574 = arith.addf %parallel_loop3A_569, %parallel_loop3A_573 : vector<16xf32>
        %parallel_loop3A_575 = arith.addf %parallel_loop3A_574, %get3A_442 : vector<16xf32>
        %parallel_loop3A_576 = arith.constant 0 : i32
        %parallel_loop3A_577 = arith.addi %parallel_loop3A_576, %parallel_loop3A_544 : i32
        %parallel_loop3A_578 = arith.index_cast %parallel_loop3A_577 : i32 to index
        %parallel_loop3A_579 = arith.constant 16 : index
        %parallel_loop3A_580 = tpu.vector_load %arg11[%parallel_loop3A_578, %parallel_loop3A_579] {strides = array<i32>} : memref<128x128xf32, #tpu.memory_space<vmem>>, vector<1x16xf32>,
        %parallel_loop3A_581 = vector.shape_cast %parallel_loop3A_580 : vector<1x16xf32> to vector<16xf32>
        %parallel_loop3A_582 = vector.shape_cast %parallel_loop3A_575 : vector<16xf32> to vector<1x16xf32>
        tpu.vector_store %arg11[%parallel_loop3A_578, %parallel_loop3A_579], %parallel_loop3A_582 {strides = array<i32>} : memref<128x128xf32, #tpu.memory_space<vmem>>, vector<1x16xf32>,
        %parallel_loop3A_583 = arith.constant 0 : i32
        %parallel_loop3A_584 = arith.addi %parallel_loop3A_583, %parallel_loop3A_544 : i32
        %parallel_loop3A_585 = arith.index_cast %parallel_loop3A_584 : i32 to index
        %parallel_loop3A_586 = arith.constant 32 : index
        %parallel_loop3A_587 = tpu.vector_load %arg9[%parallel_loop3A_585, %parallel_loop3A_586] {strides = array<i32>} : memref<128x128xf32, #tpu.memory_space<vmem>>, vector<1x16xf32>,
        %parallel_loop3A_588 = vector.shape_cast %parallel_loop3A_587 : vector<1x16xf32> to vector<16xf32>
        %parallel_loop3A_589 = arith.index_cast %parallel_loop3A_544 : i32 to index
        %parallel_loop3A_590 = arith.constant 32 : index
        %parallel_loop3A_591 = tpu.vector_load %arg6[%parallel_loop3A_589, %parallel_loop3A_590] {strides = array<i32>} : memref<64x128xf32, #tpu.memory_space<vmem>>, vector<1x16xf32>,
        %parallel_loop3A_592 = vector.shape_cast %parallel_loop3A_591 : vector<1x16xf32> to vector<16xf32>
        %parallel_loop3A_593 = arith.addf %parallel_loop3A_588, %parallel_loop3A_592 : vector<16xf32>
        %parallel_loop3A_594 = arith.addf %parallel_loop3A_593, %get3A_448 : vector<16xf32>
        %parallel_loop3A_595 = arith.constant 0 : i32
        %parallel_loop3A_596 = arith.addi %parallel_loop3A_595, %parallel_loop3A_544 : i32
        %parallel_loop3A_597 = arith.index_cast %parallel_loop3A_596 : i32 to index
        %parallel_loop3A_598 = arith.constant 32 : index
        %parallel_loop3A_599 = tpu.vector_load %arg11[%parallel_loop3A_597, %parallel_loop3A_598] {strides = array<i32>} : memref<128x128xf32, #tpu.memory_space<vmem>>, vector<1x16xf32>,
        %parallel_loop3A_600 = vector.shape_cast %parallel_loop3A_599 : vector<1x16xf32> to vector<16xf32>
        %parallel_loop3A_601 = vector.shape_cast %parallel_loop3A_594 : vector<16xf32> to vector<1x16xf32>
        tpu.vector_store %arg11[%parallel_loop3A_597, %parallel_loop3A_598], %parallel_loop3A_601 {strides = array<i32>} : memref<128x128xf32, #tpu.memory_space<vmem>>, vector<1x16xf32>,
        %parallel_loop3A_602 = arith.constant 0 : i32
        %parallel_loop3A_603 = arith.addi %parallel_loop3A_602, %parallel_loop3A_544 : i32
        %parallel_loop3A_604 = arith.index_cast %parallel_loop3A_603 : i32 to index
        %parallel_loop3A_605 = arith.constant 48 : index
        %parallel_loop3A_606 = tpu.vector_load %arg9[%parallel_loop3A_604, %parallel_loop3A_605] {strides = array<i32>} : memref<128x128xf32, #tpu.memory_space<vmem>>, vector<1x16xf32>,
        %parallel_loop3A_607 = vector.shape_cast %parallel_loop3A_606 : vector<1x16xf32> to vector<16xf32>
        %parallel_loop3A_608 = arith.index_cast %parallel_loop3A_544 : i32 to index
        %parallel_loop3A_609 = arith.constant 48 : index
        %parallel_loop3A_610 = tpu.vector_load %arg6[%parallel_loop3A_608, %parallel_loop3A_609] {strides = array<i32>} : memref<64x128xf32, #tpu.memory_space<vmem>>, vector<1x16xf32>,
        %parallel_loop3A_611 = vector.shape_cast %parallel_loop3A_610 : vector<1x16xf32> to vector<16xf32>
        %parallel_loop3A_612 = arith.addf %parallel_loop3A_607, %parallel_loop3A_611 : vector<16xf32>
        %parallel_loop3A_613 = arith.addf %parallel_loop3A_612, %get3A_454 : vector<16xf32>
        %parallel_loop3A_614 = arith.constant 0 : i32
        %parallel_loop3A_615 = arith.addi %parallel_loop3A_614, %parallel_loop3A_544 : i32
        %parallel_loop3A_616 = arith.index_cast %parallel_loop3A_615 : i32 to index
        %parallel_loop3A_617 = arith.constant 48 : index
        %parallel_loop3A_618 = tpu.vector_load %arg11[%parallel_loop3A_616, %parallel_loop3A_617] {strides = array<i32>} : memref<128x128xf32, #tpu.memory_space<vmem>>, vector<1x16xf32>,
        %parallel_loop3A_619 = vector.shape_cast %parallel_loop3A_618 : vector<1x16xf32> to vector<16xf32>
        %parallel_loop3A_620 = vector.shape_cast %parallel_loop3A_613 : vector<16xf32> to vector<1x16xf32>
        tpu.vector_store %arg11[%parallel_loop3A_616, %parallel_loop3A_617], %parallel_loop3A_620 {strides = array<i32>} : memref<128x128xf32, #tpu.memory_space<vmem>>, vector<1x16xf32>,
        %parallel_loop3A_621 = arith.constant 0 : i32
        %parallel_loop3A_622 = arith.addi %parallel_loop3A_621, %parallel_loop3A_544 : i32
        %parallel_loop3A_623 = arith.index_cast %parallel_loop3A_622 : i32 to index
        %parallel_loop3A_624 = arith.constant 64 : index
        %parallel_loop3A_625 = tpu.vector_load %arg9[%parallel_loop3A_623, %parallel_loop3A_624] {strides = array<i32>} : memref<128x128xf32, #tpu.memory_space<vmem>>, vector<1x16xf32>,
        %parallel_loop3A_626 = vector.shape_cast %parallel_loop3A_625 : vector<1x16xf32> to vector<16xf32>
        %parallel_loop3A_627 = arith.index_cast %parallel_loop3A_544 : i32 to index
        %parallel_loop3A_628 = arith.constant 64 : index
        %parallel_loop3A_629 = tpu.vector_load %arg6[%parallel_loop3A_627, %parallel_loop3A_628] {strides = array<i32>} : memref<64x128xf32, #tpu.memory_space<vmem>>, vector<1x16xf32>,
        %parallel_loop3A_630 = vector.shape_cast %parallel_loop3A_629 : vector<1x16xf32> to vector<16xf32>
        %parallel_loop3A_631 = arith.addf %parallel_loop3A_626, %parallel_loop3A_630 : vector<16xf32>
        %parallel_loop3A_632 = arith.addf %parallel_loop3A_631, %get3A_460 : vector<16xf32>
        %parallel_loop3A_633 = arith.constant 0 : i32
        %parallel_loop3A_634 = arith.addi %parallel_loop3A_633, %parallel_loop3A_544 : i32
        %parallel_loop3A_635 = arith.index_cast %parallel_loop3A_634 : i32 to index
        %parallel_loop3A_636 = arith.constant 64 : index
        %parallel_loop3A_637 = tpu.vector_load %arg11[%parallel_loop3A_635, %parallel_loop3A_636] {strides = array<i32>} : memref<128x128xf32, #tpu.memory_space<vmem>>, vector<1x16xf32>,
        %parallel_loop3A_638 = vector.shape_cast %parallel_loop3A_637 : vector<1x16xf32> to vector<16xf32>
        %parallel_loop3A_639 = vector.shape_cast %parallel_loop3A_632 : vector<16xf32> to vector<1x16xf32>
        tpu.vector_store %arg11[%parallel_loop3A_635, %parallel_loop3A_636], %parallel_loop3A_639 {strides = array<i32>} : memref<128x128xf32, #tpu.memory_space<vmem>>, vector<1x16xf32>,
        %parallel_loop3A_640 = arith.constant 0 : i32
        %parallel_loop3A_641 = arith.addi %parallel_loop3A_640, %parallel_loop3A_544 : i32
        %parallel_loop3A_642 = arith.index_cast %parallel_loop3A_641 : i32 to index
        %parallel_loop3A_643 = arith.constant 80 : index
        %parallel_loop3A_644 = tpu.vector_load %arg9[%parallel_loop3A_642, %parallel_loop3A_643] {strides = array<i32>} : memref<128x128xf32, #tpu.memory_space<vmem>>, vector<1x16xf32>,
        %parallel_loop3A_645 = vector.shape_cast %parallel_loop3A_644 : vector<1x16xf32> to vector<16xf32>
        %parallel_loop3A_646 = arith.index_cast %parallel_loop3A_544 : i32 to index
        %parallel_loop3A_647 = arith.constant 80 : index
        %parallel_loop3A_648 = tpu.vector_load %arg6[%parallel_loop3A_646, %parallel_loop3A_647] {strides = array<i32>} : memref<64x128xf32, #tpu.memory_space<vmem>>, vector<1x16xf32>,
        %parallel_loop3A_649 = vector.shape_cast %parallel_loop3A_648 : vector<1x16xf32> to vector<16xf32>
        %parallel_loop3A_650 = arith.addf %parallel_loop3A_645, %parallel_loop3A_649 : vector<16xf32>
        %parallel_loop3A_651 = arith.addf %parallel_loop3A_650, %get3A_466 : vector<16xf32>
        %parallel_loop3A_652 = arith.constant 0 : i32
        %parallel_loop3A_653 = arith.addi %parallel_loop3A_652, %parallel_loop3A_544 : i32
        %parallel_loop3A_654 = arith.index_cast %parallel_loop3A_653 : i32 to index
        %parallel_loop3A_655 = arith.constant 80 : index
        %parallel_loop3A_656 = tpu.vector_load %arg11[%parallel_loop3A_654, %parallel_loop3A_655] {strides = array<i32>} : memref<128x128xf32, #tpu.memory_space<vmem>>, vector<1x16xf32>,
        %parallel_loop3A_657 = vector.shape_cast %parallel_loop3A_656 : vector<1x16xf32> to vector<16xf32>
        %parallel_loop3A_658 = vector.shape_cast %parallel_loop3A_651 : vector<16xf32> to vector<1x16xf32>
        tpu.vector_store %arg11[%parallel_loop3A_654, %parallel_loop3A_655], %parallel_loop3A_658 {strides = array<i32>} : memref<128x128xf32, #tpu.memory_space<vmem>>, vector<1x16xf32>,
        %parallel_loop3A_659 = arith.constant 0 : i32
        %parallel_loop3A_660 = arith.addi %parallel_loop3A_659, %parallel_loop3A_544 : i32
        %parallel_loop3A_661 = arith.index_cast %parallel_loop3A_660 : i32 to index
        %parallel_loop3A_662 = arith.constant 96 : index
        %parallel_loop3A_663 = tpu.vector_load %arg9[%parallel_loop3A_661, %parallel_loop3A_662] {strides = array<i32>} : memref<128x128xf32, #tpu.memory_space<vmem>>, vector<1x16xf32>,
        %parallel_loop3A_664 = vector.shape_cast %parallel_loop3A_663 : vector<1x16xf32> to vector<16xf32>
        %parallel_loop3A_665 = arith.index_cast %parallel_loop3A_544 : i32 to index
        %parallel_loop3A_666 = arith.constant 96 : index
        %parallel_loop3A_667 = tpu.vector_load %arg6[%parallel_loop3A_665, %parallel_loop3A_666] {strides = array<i32>} : memref<64x128xf32, #tpu.memory_space<vmem>>, vector<1x16xf32>,
        %parallel_loop3A_668 = vector.shape_cast %parallel_loop3A_667 : vector<1x16xf32> to vector<16xf32>
        %parallel_loop3A_669 = arith.addf %parallel_loop3A_664, %parallel_loop3A_668 : vector<16xf32>
        %parallel_loop3A_670 = arith.addf %parallel_loop3A_669, %get3A_472 : vector<16xf32>
        %parallel_loop3A_671 = arith.constant 0 : i32
        %parallel_loop3A_672 = arith.addi %parallel_loop3A_671, %parallel_loop3A_544 : i32
        %parallel_loop3A_673 = arith.index_cast %parallel_loop3A_672 : i32 to index
        %parallel_loop3A_674 = arith.constant 96 : index
        %parallel_loop3A_675 = tpu.vector_load %arg11[%parallel_loop3A_673, %parallel_loop3A_674] {strides = array<i32>} : memref<128x128xf32, #tpu.memory_space<vmem>>, vector<1x16xf32>,
        %parallel_loop3A_676 = vector.shape_cast %parallel_loop3A_675 : vector<1x16xf32> to vector<16xf32>
        %parallel_loop3A_677 = vector.shape_cast %parallel_loop3A_670 : vector<16xf32> to vector<1x16xf32>
        tpu.vector_store %arg11[%parallel_loop3A_673, %parallel_loop3A_674], %parallel_loop3A_677 {strides = array<i32>} : memref<128x128xf32, #tpu.memory_space<vmem>>, vector<1x16xf32>,
        %parallel_loop3A_678 = arith.constant 0 : i32
        %parallel_loop3A_679 = arith.addi %parallel_loop3A_678, %parallel_loop3A_544 : i32
        %parallel_loop3A_680 = arith.index_cast %parallel_loop3A_679 : i32 to index
        %parallel_loop3A_681 = arith.constant 112 : index
        %parallel_loop3A_682 = tpu.vector_load %arg9[%parallel_loop3A_680, %parallel_loop3A_681] {strides = array<i32>} : memref<128x128xf32, #tpu.memory_space<vmem>>, vector<1x16xf32>,
        %parallel_loop3A_683 = vector.shape_cast %parallel_loop3A_682 : vector<1x16xf32> to vector<16xf32>
        %parallel_loop3A_684 = arith.index_cast %parallel_loop3A_544 : i32 to index
        %parallel_loop3A_685 = arith.constant 112 : index
        %parallel_loop3A_686 = tpu.vector_load %arg6[%parallel_loop3A_684, %parallel_loop3A_685] {strides = array<i32>} : memref<64x128xf32, #tpu.memory_space<vmem>>, vector<1x16xf32>,
        %parallel_loop3A_687 = vector.shape_cast %parallel_loop3A_686 : vector<1x16xf32> to vector<16xf32>
        %parallel_loop3A_688 = arith.addf %parallel_loop3A_683, %parallel_loop3A_687 : vector<16xf32>
        %parallel_loop3A_689 = arith.addf %parallel_loop3A_688, %get3A_478 : vector<16xf32>
        %parallel_loop3A_690 = arith.constant 0 : i32
        %parallel_loop3A_691 = arith.addi %parallel_loop3A_690, %parallel_loop3A_544 : i32
        %parallel_loop3A_692 = arith.index_cast %parallel_loop3A_691 : i32 to index
        %parallel_loop3A_693 = arith.constant 112 : index
        %parallel_loop3A_694 = tpu.vector_load %arg11[%parallel_loop3A_692, %parallel_loop3A_693] {strides = array<i32>} : memref<128x128xf32, #tpu.memory_space<vmem>>, vector<1x16xf32>,
        %parallel_loop3A_695 = vector.shape_cast %parallel_loop3A_694 : vector<1x16xf32> to vector<16xf32>
        %parallel_loop3A_696 = vector.shape_cast %parallel_loop3A_689 : vector<16xf32> to vector<1x16xf32>
        tpu.vector_store %arg11[%parallel_loop3A_692, %parallel_loop3A_693], %parallel_loop3A_696 {strides = array<i32>} : memref<128x128xf32, #tpu.memory_space<vmem>>, vector<1x16xf32>,
      } {sc.loop_unroll_factor = 4 : i64, sc.parallel_access}
      %add3A_482 = arith.constant 1 : i32
      %add3A_483 = arith.addi %mul3A_356, %add3A_482 : i32
      %get3A_484 = arith.index_cast %add3A_483 : i32 to index
      %get3A_485 = arith.constant 0 : index
      %get3A_486 = tpu.vector_load %arg7[%get3A_484, %get3A_485] {strides = array<i32>} : memref<32x128xf32, #tpu.memory_space<vmem>>, vector<1x16xf32>,
      %get3A_487 = vector.shape_cast %get3A_486 : vector<1x16xf32> to vector<16xf32>
      %add3A_488 = arith.constant 1 : i32
      %add3A_489 = arith.addi %mul3A_356, %add3A_488 : i32
      %get3A_490 = arith.index_cast %add3A_489 : i32 to index
      %get3A_491 = arith.constant 16 : index
      %get3A_492 = tpu.vector_load %arg7[%get3A_490, %get3A_491] {strides = array<i32>} : memref<32x128xf32, #tpu.memory_space<vmem>>, vector<1x16xf32>,
      %get3A_493 = vector.shape_cast %get3A_492 : vector<1x16xf32> to vector<16xf32>
      %add3A_494 = arith.constant 1 : i32
      %add3A_495 = arith.addi %mul3A_356, %add3A_494 : i32
      %get3A_496 = arith.index_cast %add3A_495 : i32 to index
      %get3A_497 = arith.constant 32 : index
      %get3A_498 = tpu.vector_load %arg7[%get3A_496, %get3A_497] {strides = array<i32>} : memref<32x128xf32, #tpu.memory_space<vmem>>, vector<1x16xf32>,
      %get3A_499 = vector.shape_cast %get3A_498 : vector<1x16xf32> to vector<16xf32>
      %add3A_500 = arith.constant 1 : i32
      %add3A_501 = arith.addi %mul3A_356, %add3A_500 : i32
      %get3A_502 = arith.index_cast %add3A_501 : i32 to index
      %get3A_503 = arith.constant 48 : index
      %get3A_504 = tpu.vector_load %arg7[%get3A_502, %get3A_503] {strides = array<i32>} : memref<32x128xf32, #tpu.memory_space<vmem>>, vector<1x16xf32>,
      %get3A_505 = vector.shape_cast %get3A_504 : vector<1x16xf32> to vector<16xf32>
      %add3A_506 = arith.constant 1 : i32
      %add3A_507 = arith.addi %mul3A_356, %add3A_506 : i32
      %get3A_508 = arith.index_cast %add3A_507 : i32 to index
      %get3A_509 = arith.constant 64 : index
      %get3A_510 = tpu.vector_load %arg7[%get3A_508, %get3A_509] {strides = array<i32>} : memref<32x128xf32, #tpu.memory_space<vmem>>, vector<1x16xf32>,
      %get3A_511 = vector.shape_cast %get3A_510 : vector<1x16xf32> to vector<16xf32>
      %add3A_512 = arith.constant 1 : i32
      %add3A_513 = arith.addi %mul3A_356, %add3A_512 : i32
      %get3A_514 = arith.index_cast %add3A_513 : i32 to index
      %get3A_515 = arith.constant 80 : index
      %get3A_516 = tpu.vector_load %arg7[%get3A_514, %get3A_515] {strides = array<i32>} : memref<32x128xf32, #tpu.memory_space<vmem>>, vector<1x16xf32>,
      %get3A_517 = vector.shape_cast %get3A_516 : vector<1x16xf32> to vector<16xf32>
      %add3A_518 = arith.constant 1 : i32
      %add3A_519 = arith.addi %mul3A_356, %add3A_518 : i32
      %get3A_520 = arith.index_cast %add3A_519 : i32 to index
      %get3A_521 = arith.constant 96 : index
      %get3A_522 = tpu.vector_load %arg7[%get3A_520, %get3A_521] {strides = array<i32>} : memref<32x128xf32, #tpu.memory_space<vmem>>, vector<1x16xf32>,
      %get3A_523 = vector.shape_cast %get3A_522 : vector<1x16xf32> to vector<16xf32>
      %add3A_524 = arith.constant 1 : i32
      %add3A_525 = arith.addi %mul3A_356, %add3A_524 : i32
      %get3A_526 = arith.index_cast %add3A_525 : i32 to index
      %get3A_527 = arith.constant 112 : index
      %get3A_528 = tpu.vector_load %arg7[%get3A_526, %get3A_527] {strides = array<i32>} : memref<32x128xf32, #tpu.memory_space<vmem>>, vector<1x16xf32>,
      %get3A_529 = vector.shape_cast %get3A_528 : vector<1x16xf32> to vector<16xf32>
      %parallel_loop3A_530 = arith.constant 0 : i32
      %parallel_loop3A_531 = arith.constant 64 : i32
      %parallel_loop3A_532 = arith.constant 1 : i32
      scf.for %parallel_loop3A_544 = %parallel_loop3A_530 to %parallel_loop3A_531 step %parallel_loop3A_532  : i32 {
        %parallel_loop3A_545 = arith.constant 64 : i32
        %parallel_loop3A_546 = arith.addi %parallel_loop3A_545, %parallel_loop3A_544 : i32
        %parallel_loop3A_547 = arith.index_cast %parallel_loop3A_546 : i32 to index
        %parallel_loop3A_548 = arith.constant 0 : index
        %parallel_loop3A_549 = tpu.vector_load %arg9[%parallel_loop3A_547, %parallel_loop3A_548] {strides = array<i32>} : memref<128x128xf32, #tpu.memory_space<vmem>>, vector<1x16xf32>,
        %parallel_loop3A_550 = vector.shape_cast %parallel_loop3A_549 : vector<1x16xf32> to vector<16xf32>
        %parallel_loop3A_551 = arith.index_cast %parallel_loop3A_544 : i32 to index
        %parallel_loop3A_552 = arith.constant 0 : index
        %parallel_loop3A_553 = tpu.vector_load %arg6[%parallel_loop3A_551, %parallel_loop3A_552] {strides = array<i32>} : memref<64x128xf32, #tpu.memory_space<vmem>>, vector<1x16xf32>,
        %parallel_loop3A_554 = vector.shape_cast %parallel_loop3A_553 : vector<1x16xf32> to vector<16xf32>
        %parallel_loop3A_555 = arith.addf %parallel_loop3A_550, %parallel_loop3A_554 : vector<16xf32>
        %parallel_loop3A_556 = arith.addf %parallel_loop3A_555, %get3A_487 : vector<16xf32>
        %parallel_loop3A_557 = arith.constant 64 : i32
        %parallel_loop3A_558 = arith.addi %parallel_loop3A_557, %parallel_loop3A_544 : i32
        %parallel_loop3A_559 = arith.index_cast %parallel_loop3A_558 : i32 to index
        %parallel_loop3A_560 = arith.constant 0 : index
        %parallel_loop3A_561 = tpu.vector_load %arg11[%parallel_loop3A_559, %parallel_loop3A_560] {strides = array<i32>} : memref<128x128xf32, #tpu.memory_space<vmem>>, vector<1x16xf32>,
        %parallel_loop3A_562 = vector.shape_cast %parallel_loop3A_561 : vector<1x16xf32> to vector<16xf32>
        %parallel_loop3A_563 = vector.shape_cast %parallel_loop3A_556 : vector<16xf32> to vector<1x16xf32>
        tpu.vector_store %arg11[%parallel_loop3A_559, %parallel_loop3A_560], %parallel_loop3A_563 {strides = array<i32>} : memref<128x128xf32, #tpu.memory_space<vmem>>, vector<1x16xf32>,
        %parallel_loop3A_564 = arith.constant 64 : i32
        %parallel_loop3A_565 = arith.addi %parallel_loop3A_564, %parallel_loop3A_544 : i32
        %parallel_loop3A_566 = arith.index_cast %parallel_loop3A_565 : i32 to index
        %parallel_loop3A_567 = arith.constant 16 : index
        %parallel_loop3A_568 = tpu.vector_load %arg9[%parallel_loop3A_566, %parallel_loop3A_567] {strides = array<i32>} : memref<128x128xf32, #tpu.memory_space<vmem>>, vector<1x16xf32>,
        %parallel_loop3A_569 = vector.shape_cast %parallel_loop3A_568 : vector<1x16xf32> to vector<16xf32>
        %parallel_loop3A_570 = arith.index_cast %parallel_loop3A_544 : i32 to index
        %parallel_loop3A_571 = arith.constant 16 : index
        %parallel_loop3A_572 = tpu.vector_load %arg6[%parallel_loop3A_570, %parallel_loop3A_571] {strides = array<i32>} : memref<64x128xf32, #tpu.memory_space<vmem>>, vector<1x16xf32>,
        %parallel_loop3A_573 = vector.shape_cast %parallel_loop3A_572 : vector<1x16xf32> to vector<16xf32>
        %parallel_loop3A_574 = arith.addf %parallel_loop3A_569, %parallel_loop3A_573 : vector<16xf32>
        %parallel_loop3A_575 = arith.addf %parallel_loop3A_574, %get3A_493 : vector<16xf32>
        %parallel_loop3A_576 = arith.constant 64 : i32
        %parallel_loop3A_577 = arith.addi %parallel_loop3A_576, %parallel_loop3A_544 : i32
        %parallel_loop3A_578 = arith.index_cast %parallel_loop3A_577 : i32 to index
        %parallel_loop3A_579 = arith.constant 16 : index
        %parallel_loop3A_580 = tpu.vector_load %arg11[%parallel_loop3A_578, %parallel_loop3A_579] {strides = array<i32>} : memref<128x128xf32, #tpu.memory_space<vmem>>, vector<1x16xf32>,
        %parallel_loop3A_581 = vector.shape_cast %parallel_loop3A_580 : vector<1x16xf32> to vector<16xf32>
        %parallel_loop3A_582 = vector.shape_cast %parallel_loop3A_575 : vector<16xf32> to vector<1x16xf32>
        tpu.vector_store %arg11[%parallel_loop3A_578, %parallel_loop3A_579], %parallel_loop3A_582 {strides = array<i32>} : memref<128x128xf32, #tpu.memory_space<vmem>>, vector<1x16xf32>,
        %parallel_loop3A_583 = arith.constant 64 : i32
        %parallel_loop3A_584 = arith.addi %parallel_loop3A_583, %parallel_loop3A_544 : i32
        %parallel_loop3A_585 = arith.index_cast %parallel_loop3A_584 : i32 to index
        %parallel_loop3A_586 = arith.constant 32 : index
        %parallel_loop3A_587 = tpu.vector_load %arg9[%parallel_loop3A_585, %parallel_loop3A_586] {strides = array<i32>} : memref<128x128xf32, #tpu.memory_space<vmem>>, vector<1x16xf32>,
        %parallel_loop3A_588 = vector.shape_cast %parallel_loop3A_587 : vector<1x16xf32> to vector<16xf32>
        %parallel_loop3A_589 = arith.index_cast %parallel_loop3A_544 : i32 to index
        %parallel_loop3A_590 = arith.constant 32 : index
        %parallel_loop3A_591 = tpu.vector_load %arg6[%parallel_loop3A_589, %parallel_loop3A_590] {strides = array<i32>} : memref<64x128xf32, #tpu.memory_space<vmem>>, vector<1x16xf32>,
        %parallel_loop3A_592 = vector.shape_cast %parallel_loop3A_591 : vector<1x16xf32> to vector<16xf32>
        %parallel_loop3A_593 = arith.addf %parallel_loop3A_588, %parallel_loop3A_592 : vector<16xf32>
        %parallel_loop3A_594 = arith.addf %parallel_loop3A_593, %get3A_499 : vector<16xf32>
        %parallel_loop3A_595 = arith.constant 64 : i32
        %parallel_loop3A_596 = arith.addi %parallel_loop3A_595, %parallel_loop3A_544 : i32
        %parallel_loop3A_597 = arith.index_cast %parallel_loop3A_596 : i32 to index
        %parallel_loop3A_598 = arith.constant 32 : index
        %parallel_loop3A_599 = tpu.vector_load %arg11[%parallel_loop3A_597, %parallel_loop3A_598] {strides = array<i32>} : memref<128x128xf32, #tpu.memory_space<vmem>>, vector<1x16xf32>,
        %parallel_loop3A_600 = vector.shape_cast %parallel_loop3A_599 : vector<1x16xf32> to vector<16xf32>
        %parallel_loop3A_601 = vector.shape_cast %parallel_loop3A_594 : vector<16xf32> to vector<1x16xf32>
        tpu.vector_store %arg11[%parallel_loop3A_597, %parallel_loop3A_598], %parallel_loop3A_601 {strides = array<i32>} : memref<128x128xf32, #tpu.memory_space<vmem>>, vector<1x16xf32>,
        %parallel_loop3A_602 = arith.constant 64 : i32
        %parallel_loop3A_603 = arith.addi %parallel_loop3A_602, %parallel_loop3A_544 : i32
        %parallel_loop3A_604 = arith.index_cast %parallel_loop3A_603 : i32 to index
        %parallel_loop3A_605 = arith.constant 48 : index
        %parallel_loop3A_606 = tpu.vector_load %arg9[%parallel_loop3A_604, %parallel_loop3A_605] {strides = array<i32>} : memref<128x128xf32, #tpu.memory_space<vmem>>, vector<1x16xf32>,
        %parallel_loop3A_607 = vector.shape_cast %parallel_loop3A_606 : vector<1x16xf32> to vector<16xf32>
        %parallel_loop3A_608 = arith.index_cast %parallel_loop3A_544 : i32 to index
        %parallel_loop3A_609 = arith.constant 48 : index
        %parallel_loop3A_610 = tpu.vector_load %arg6[%parallel_loop3A_608, %parallel_loop3A_609] {strides = array<i32>} : memref<64x128xf32, #tpu.memory_space<vmem>>, vector<1x16xf32>,
        %parallel_loop3A_611 = vector.shape_cast %parallel_loop3A_610 : vector<1x16xf32> to vector<16xf32>
        %parallel_loop3A_612 = arith.addf %parallel_loop3A_607, %parallel_loop3A_611 : vector<16xf32>
        %parallel_loop3A_613 = arith.addf %parallel_loop3A_612, %get3A_505 : vector<16xf32>
        %parallel_loop3A_614 = arith.constant 64 : i32
        %parallel_loop3A_615 = arith.addi %parallel_loop3A_614, %parallel_loop3A_544 : i32
        %parallel_loop3A_616 = arith.index_cast %parallel_loop3A_615 : i32 to index
        %parallel_loop3A_617 = arith.constant 48 : index
        %parallel_loop3A_618 = tpu.vector_load %arg11[%parallel_loop3A_616, %parallel_loop3A_617] {strides = array<i32>} : memref<128x128xf32, #tpu.memory_space<vmem>>, vector<1x16xf32>,
        %parallel_loop3A_619 = vector.shape_cast %parallel_loop3A_618 : vector<1x16xf32> to vector<16xf32>
        %parallel_loop3A_620 = vector.shape_cast %parallel_loop3A_613 : vector<16xf32> to vector<1x16xf32>
        tpu.vector_store %arg11[%parallel_loop3A_616, %parallel_loop3A_617], %parallel_loop3A_620 {strides = array<i32>} : memref<128x128xf32, #tpu.memory_space<vmem>>, vector<1x16xf32>,
        %parallel_loop3A_621 = arith.constant 64 : i32
        %parallel_loop3A_622 = arith.addi %parallel_loop3A_621, %parallel_loop3A_544 : i32
        %parallel_loop3A_623 = arith.index_cast %parallel_loop3A_622 : i32 to index
        %parallel_loop3A_624 = arith.constant 64 : index
        %parallel_loop3A_625 = tpu.vector_load %arg9[%parallel_loop3A_623, %parallel_loop3A_624] {strides = array<i32>} : memref<128x128xf32, #tpu.memory_space<vmem>>, vector<1x16xf32>,
        %parallel_loop3A_626 = vector.shape_cast %parallel_loop3A_625 : vector<1x16xf32> to vector<16xf32>
        %parallel_loop3A_627 = arith.index_cast %parallel_loop3A_544 : i32 to index
        %parallel_loop3A_628 = arith.constant 64 : index
        %parallel_loop3A_629 = tpu.vector_load %arg6[%parallel_loop3A_627, %parallel_loop3A_628] {strides = array<i32>} : memref<64x128xf32, #tpu.memory_space<vmem>>, vector<1x16xf32>,
        %parallel_loop3A_630 = vector.shape_cast %parallel_loop3A_629 : vector<1x16xf32> to vector<16xf32>
        %parallel_loop3A_631 = arith.addf %parallel_loop3A_626, %parallel_loop3A_630 : vector<16xf32>
        %parallel_loop3A_632 = arith.addf %parallel_loop3A_631, %get3A_511 : vector<16xf32>
        %parallel_loop3A_633 = arith.constant 64 : i32
        %parallel_loop3A_634 = arith.addi %parallel_loop3A_633, %parallel_loop3A_544 : i32
        %parallel_loop3A_635 = arith.index_cast %parallel_loop3A_634 : i32 to index
        %parallel_loop3A_636 = arith.constant 64 : index
        %parallel_loop3A_637 = tpu.vector_load %arg11[%parallel_loop3A_635, %parallel_loop3A_636] {strides = array<i32>} : memref<128x128xf32, #tpu.memory_space<vmem>>, vector<1x16xf32>,
        %parallel_loop3A_638 = vector.shape_cast %parallel_loop3A_637 : vector<1x16xf32> to vector<16xf32>
        %parallel_loop3A_639 = vector.shape_cast %parallel_loop3A_632 : vector<16xf32> to vector<1x16xf32>
        tpu.vector_store %arg11[%parallel_loop3A_635, %parallel_loop3A_636], %parallel_loop3A_639 {strides = array<i32>} : memref<128x128xf32, #tpu.memory_space<vmem>>, vector<1x16xf32>,
        %parallel_loop3A_640 = arith.constant 64 : i32
        %parallel_loop3A_641 = arith.addi %parallel_loop3A_640, %parallel_loop3A_544 : i32
        %parallel_loop3A_642 = arith.index_cast %parallel_loop3A_641 : i32 to index
        %parallel_loop3A_643 = arith.constant 80 : index
        %parallel_loop3A_644 = tpu.vector_load %arg9[%parallel_loop3A_642, %parallel_loop3A_643] {strides = array<i32>} : memref<128x128xf32, #tpu.memory_space<vmem>>, vector<1x16xf32>,
        %parallel_loop3A_645 = vector.shape_cast %parallel_loop3A_644 : vector<1x16xf32> to vector<16xf32>
        %parallel_loop3A_646 = arith.index_cast %parallel_loop3A_544 : i32 to index
        %parallel_loop3A_647 = arith.constant 80 : index
        %parallel_loop3A_648 = tpu.vector_load %arg6[%parallel_loop3A_646, %parallel_loop3A_647] {strides = array<i32>} : memref<64x128xf32, #tpu.memory_space<vmem>>, vector<1x16xf32>,
        %parallel_loop3A_649 = vector.shape_cast %parallel_loop3A_648 : vector<1x16xf32> to vector<16xf32>
        %parallel_loop3A_650 = arith.addf %parallel_loop3A_645, %parallel_loop3A_649 : vector<16xf32>
        %parallel_loop3A_651 = arith.addf %parallel_loop3A_650, %get3A_517 : vector<16xf32>
        %parallel_loop3A_652 = arith.constant 64 : i32
        %parallel_loop3A_653 = arith.addi %parallel_loop3A_652, %parallel_loop3A_544 : i32
        %parallel_loop3A_654 = arith.index_cast %parallel_loop3A_653 : i32 to index
        %parallel_loop3A_655 = arith.constant 80 : index
        %parallel_loop3A_656 = tpu.vector_load %arg11[%parallel_loop3A_654, %parallel_loop3A_655] {strides = array<i32>} : memref<128x128xf32, #tpu.memory_space<vmem>>, vector<1x16xf32>,
        %parallel_loop3A_657 = vector.shape_cast %parallel_loop3A_656 : vector<1x16xf32> to vector<16xf32>
        %parallel_loop3A_658 = vector.shape_cast %parallel_loop3A_651 : vector<16xf32> to vector<1x16xf32>
        tpu.vector_store %arg11[%parallel_loop3A_654, %parallel_loop3A_655], %parallel_loop3A_658 {strides = array<i32>} : memref<128x128xf32, #tpu.memory_space<vmem>>, vector<1x16xf32>,
        %parallel_loop3A_659 = arith.constant 64 : i32
        %parallel_loop3A_660 = arith.addi %parallel_loop3A_659, %parallel_loop3A_544 : i32
        %parallel_loop3A_661 = arith.index_cast %parallel_loop3A_660 : i32 to index
        %parallel_loop3A_662 = arith.constant 96 : index
        %parallel_loop3A_663 = tpu.vector_load %arg9[%parallel_loop3A_661, %parallel_loop3A_662] {strides = array<i32>} : memref<128x128xf32, #tpu.memory_space<vmem>>, vector<1x16xf32>,
        %parallel_loop3A_664 = vector.shape_cast %parallel_loop3A_663 : vector<1x16xf32> to vector<16xf32>
        %parallel_loop3A_665 = arith.index_cast %parallel_loop3A_544 : i32 to index
        %parallel_loop3A_666 = arith.constant 96 : index
        %parallel_loop3A_667 = tpu.vector_load %arg6[%parallel_loop3A_665, %parallel_loop3A_666] {strides = array<i32>} : memref<64x128xf32, #tpu.memory_space<vmem>>, vector<1x16xf32>,
        %parallel_loop3A_668 = vector.shape_cast %parallel_loop3A_667 : vector<1x16xf32> to vector<16xf32>
        %parallel_loop3A_669 = arith.addf %parallel_loop3A_664, %parallel_loop3A_668 : vector<16xf32>
        %parallel_loop3A_670 = arith.addf %parallel_loop3A_669, %get3A_523 : vector<16xf32>
        %parallel_loop3A_671 = arith.constant 64 : i32
        %parallel_loop3A_672 = arith.addi %parallel_loop3A_671, %parallel_loop3A_544 : i32
        %parallel_loop3A_673 = arith.index_cast %parallel_loop3A_672 : i32 to index
        %parallel_loop3A_674 = arith.constant 96 : index
        %parallel_loop3A_675 = tpu.vector_load %arg11[%parallel_loop3A_673, %parallel_loop3A_674] {strides = array<i32>} : memref<128x128xf32, #tpu.memory_space<vmem>>, vector<1x16xf32>,
        %parallel_loop3A_676 = vector.shape_cast %parallel_loop3A_675 : vector<1x16xf32> to vector<16xf32>
        %parallel_loop3A_677 = vector.shape_cast %parallel_loop3A_670 : vector<16xf32> to vector<1x16xf32>
        tpu.vector_store %arg11[%parallel_loop3A_673, %parallel_loop3A_674], %parallel_loop3A_677 {strides = array<i32>} : memref<128x128xf32, #tpu.memory_space<vmem>>, vector<1x16xf32>,
        %parallel_loop3A_678 = arith.constant 64 : i32
        %parallel_loop3A_679 = arith.addi %parallel_loop3A_678, %parallel_loop3A_544 : i32
        %parallel_loop3A_680 = arith.index_cast %parallel_loop3A_679 : i32 to index
        %parallel_loop3A_681 = arith.constant 112 : index
        %parallel_loop3A_682 = tpu.vector_load %arg9[%parallel_loop3A_680, %parallel_loop3A_681] {strides = array<i32>} : memref<128x128xf32, #tpu.memory_space<vmem>>, vector<1x16xf32>,
        %parallel_loop3A_683 = vector.shape_cast %parallel_loop3A_682 : vector<1x16xf32> to vector<16xf32>
        %parallel_loop3A_684 = arith.index_cast %parallel_loop3A_544 : i32 to index
        %parallel_loop3A_685 = arith.constant 112 : index
        %parallel_loop3A_686 = tpu.vector_load %arg6[%parallel_loop3A_684, %parallel_loop3A_685] {strides = array<i32>} : memref<64x128xf32, #tpu.memory_space<vmem>>, vector<1x16xf32>,
        %parallel_loop3A_687 = vector.shape_cast %parallel_loop3A_686 : vector<1x16xf32> to vector<16xf32>
        %parallel_loop3A_688 = arith.addf %parallel_loop3A_683, %parallel_loop3A_687 : vector<16xf32>
        %parallel_loop3A_689 = arith.addf %parallel_loop3A_688, %get3A_529 : vector<16xf32>
        %parallel_loop3A_690 = arith.constant 64 : i32
        %parallel_loop3A_691 = arith.addi %parallel_loop3A_690, %parallel_loop3A_544 : i32
        %parallel_loop3A_692 = arith.index_cast %parallel_loop3A_691 : i32 to index
        %parallel_loop3A_693 = arith.constant 112 : index
        %parallel_loop3A_694 = tpu.vector_load %arg11[%parallel_loop3A_692, %parallel_loop3A_693] {strides = array<i32>} : memref<128x128xf32, #tpu.memory_space<vmem>>, vector<1x16xf32>,
        %parallel_loop3A_695 = vector.shape_cast %parallel_loop3A_694 : vector<1x16xf32> to vector<16xf32>
        %parallel_loop3A_696 = vector.shape_cast %parallel_loop3A_689 : vector<16xf32> to vector<1x16xf32>
        tpu.vector_store %arg11[%parallel_loop3A_692, %parallel_loop3A_693], %parallel_loop3A_696 {strides = array<i32>} : memref<128x128xf32, #tpu.memory_space<vmem>>, vector<1x16xf32>,
      } {sc.loop_unroll_factor = 4 : i64, sc.parallel_access}
      %add3A_533 = arith.constant 2 : i32
      %add3A_534 = arith.addi %add3A_330, %add3A_533 : i32
      %lt3A_535 = arith.constant 128 : i32
      %lt3A_536 = arith.cmpi slt, %add3A_534, %lt3A_535 : i32
      %convert_element_type3A_537 = arith.extui %lt3A_536 : i1 to i32
      %cond3A_538 = arith.constant 0 : i32
      %cond3A_539 = arith.cmpi ne, %convert_element_type3A_537, %cond3A_538 : i32
      scf.if %cond3A_539 {
        %add3A_544 = arith.constant 2 : i32
        %add3A_545 = arith.addi %add3A_330, %add3A_544 : i32
        %jit3A_546 = arith.constant 8 : i32
        %div3A_547 = arith.divsi %add3A_545, %jit3A_546 : i32
        %sign3A_548 = arith.constant 0 : i32
        %sign3A_549 = arith.cmpi sgt, %add3A_545, %sign3A_548 : i32
        %sign3A_550 = arith.extui %sign3A_549 : i1 to i32
        %sign3A_551 = arith.constant 0 : i32
        %sign3A_552 = arith.cmpi slt, %add3A_545, %sign3A_551 : i32
        %sign3A_553 = arith.extui %sign3A_552 : i1 to i32
        %sign3A_554 = arith.subi %sign3A_550, %sign3A_553 : i32
        %sign3A_555 = arith.constant 0 : i32
        %sign3A_556 = arith.cmpi sgt, %jit3A_546, %sign3A_555 : i32
        %sign3A_557 = arith.extui %sign3A_556 : i1 to i32
        %sign3A_558 = arith.constant 0 : i32
        %sign3A_559 = arith.cmpi slt, %jit3A_546, %sign3A_558 : i32
        %sign3A_560 = arith.extui %sign3A_559 : i1 to i32
        %sign3A_561 = arith.subi %sign3A_557, %sign3A_560 : i32
        %ne3A_562 = arith.cmpi ne, %sign3A_554, %sign3A_561 : i32
        %rem3A_563 = arith.remsi %add3A_545, %jit3A_546 : i32
        %ne3A_564 = arith.constant 0 : i32
        %ne3A_565 = arith.cmpi ne, %rem3A_563, %ne3A_564 : i32
        %and3A_566 = arith.andi %ne3A_562, %ne3A_565 : i1
        %sub3A_567 = arith.constant 1 : i32
        %sub3A_568 = arith.subi %div3A_547, %sub3A_567 : i32
        %select_n3A_569 = arith.select %and3A_566, %sub3A_568, %div3A_547 : i32
        %mul3A_570 = arith.constant 2 : i32
        %mul3A_571 = arith.muli %mul3A_570, %select_n3A_569 : i32
        %jit3A_572 = arith.constant 8 : i32
        %eq3A_573 = arith.constant 0 : i32
        %eq3A_574 = arith.cmpi eq, %jit3A_572, %eq3A_573 : i32
        %jit3A_575 = arith.constant 1 : i32
        %select_n3A_576 = arith.select %eq3A_574, %jit3A_575, %jit3A_572 : i32
        %rem3A_577 = arith.remsi %add3A_545, %select_n3A_576 : i32
        %ne3A_578 = arith.constant 0 : i32
        %ne3A_579 = arith.cmpi ne, %rem3A_577, %ne3A_578 : i32
        %lt3A_580 = arith.constant 0 : i32
        %lt3A_581 = arith.cmpi slt, %rem3A_577, %lt3A_580 : i32
        %lt3A_582 = arith.constant 0 : i32
        %lt3A_583 = arith.cmpi slt, %select_n3A_576, %lt3A_582 : i32
        %ne3A_584 = arith.xori %lt3A_581, %lt3A_583 : i1
        %and3A_585 = arith.andi %ne3A_584, %ne3A_579 : i1
        %add3A_586 = arith.addi %rem3A_577, %select_n3A_576 : i32
        %select_n3A_587 = arith.select %and3A_585, %add3A_586, %rem3A_577 : i32
        %add3A_588 = arith.addi %mul3A_2, %mul3A_571 : i32
        %jit3A_589 = arith.constant 16 : i32
        %div3A_590 = arith.divsi %add3A_588, %jit3A_589 : i32
        %sign3A_591 = arith.constant 0 : i32
        %sign3A_592 = arith.cmpi sgt, %add3A_588, %sign3A_591 : i32
        %sign3A_593 = arith.extui %sign3A_592 : i1 to i32
        %sign3A_594 = arith.constant 0 : i32
        %sign3A_595 = arith.cmpi slt, %add3A_588, %sign3A_594 : i32
        %sign3A_596 = arith.extui %sign3A_595 : i1 to i32
        %sign3A_597 = arith.subi %sign3A_593, %sign3A_596 : i32
        %sign3A_598 = arith.constant 0 : i32
        %sign3A_599 = arith.cmpi sgt, %jit3A_589, %sign3A_598 : i32
        %sign3A_600 = arith.extui %sign3A_599 : i1 to i32
        %sign3A_601 = arith.constant 0 : i32
        %sign3A_602 = arith.cmpi slt, %jit3A_589, %sign3A_601 : i32
        %sign3A_603 = arith.extui %sign3A_602 : i1 to i32
        %sign3A_604 = arith.subi %sign3A_600, %sign3A_603 : i32
        %ne3A_605 = arith.cmpi ne, %sign3A_597, %sign3A_604 : i32
        %rem3A_606 = arith.remsi %add3A_588, %jit3A_589 : i32
        %ne3A_607 = arith.constant 0 : i32
        %ne3A_608 = arith.cmpi ne, %rem3A_606, %ne3A_607 : i32
        %and3A_609 = arith.andi %ne3A_605, %ne3A_608 : i1
        %sub3A_610 = arith.constant 1 : i32
        %sub3A_611 = arith.subi %div3A_590, %sub3A_610 : i32
        %select_n3A_612 = arith.select %and3A_609, %sub3A_611, %div3A_590 : i32
        %jit3A_613 = arith.constant 16 : i32
        %eq3A_614 = arith.constant 0 : i32
        %eq3A_615 = arith.cmpi eq, %jit3A_613, %eq3A_614 : i32
        %jit3A_616 = arith.constant 1 : i32
        %select_n3A_617 = arith.select %eq3A_615, %jit3A_616, %jit3A_613 : i32
        %rem3A_618 = arith.remsi %add3A_588, %select_n3A_617 : i32
        %ne3A_619 = arith.constant 0 : i32
        %ne3A_620 = arith.cmpi ne, %rem3A_618, %ne3A_619 : i32
        %lt3A_621 = arith.constant 0 : i32
        %lt3A_622 = arith.cmpi slt, %rem3A_618, %lt3A_621 : i32
        %lt3A_623 = arith.constant 0 : i32
        %lt3A_624 = arith.cmpi slt, %select_n3A_617, %lt3A_623 : i32
        %ne3A_625 = arith.xori %lt3A_622, %lt3A_624 : i1
        %and3A_626 = arith.andi %ne3A_625, %ne3A_620 : i1
        %add3A_627 = arith.addi %rem3A_618, %select_n3A_617 : i32
        %select_n3A_628 = arith.select %and3A_626, %add3A_627, %rem3A_618 : i32
        %mul3A_629 = arith.constant 65536 : i32
        %mul3A_630 = arith.muli %select_n3A_587, %mul3A_629 : i32
        %mul3A_631 = arith.constant 1024 : i32
        %mul3A_632 = arith.muli %select_n3A_612, %mul3A_631 : i32
        %add3A_633 = arith.addi %mul3A_630, %mul3A_632 : i32
        %mul3A_634 = arith.constant 64 : i32
        %mul3A_635 = arith.muli %select_n3A_628, %mul3A_634 : i32
        %add3A_636 = arith.addi %add3A_633, %mul3A_635 : i32
        %dma_start3A_637 = arith.constant 0 : i32
        %dma_start3A_638 = tpu.memref_slice %arg2[%add3A_636, %dma_start3A_637] : memref<524288x128xf32, #tpu.memory_space<hbm>> -> memref<128x128xf32, #tpu.memory_space<hbm>>
        %dma_start3A_639 = arith.constant 0 : i32
        %dma_start3A_640 = tpu.memref_slice %arg2[%add3A_636, %dma_start3A_639] : memref<524288x128xf32, #tpu.memory_space<hbm>> -> memref<128x128xf32, #tpu.memory_space<hbm>>
        tpu.enqueue_dma source(%dma_start3A_640 : memref<128x128xf32, #tpu.memory_space<hbm>>) target(%arg9 : memref<128x128xf32, #tpu.memory_space<vmem>>) target_semaphore(%arg13 : memref<!tpu.dma_semaphore, #tpu.memory_space<semaphore_mem>>)
      } else {
      }
      %dma_start3A_540 = arith.constant 0 : i32
      %dma_start3A_541 = tpu.memref_slice %arg5[%add3A_421, %dma_start3A_540] : memref<524288x128xf32, #tpu.memory_space<hbm>> -> memref<128x128xf32, #tpu.memory_space<hbm>>
      %dma_start3A_542 = arith.constant 0 : i32
      %dma_start3A_543 = tpu.memref_slice %arg5[%add3A_421, %dma_start3A_542] : memref<524288x128xf32, #tpu.memory_space<hbm>> -> memref<128x128xf32, #tpu.memory_space<hbm>>
      tpu.enqueue_dma source(%arg11 : memref<128x128xf32, #tpu.memory_space<vmem>>) target(%dma_start3A_543 : memref<128x128xf32, #tpu.memory_space<hbm>>) target_semaphore(%arg15 : memref<!tpu.dma_semaphore, #tpu.memory_space<semaphore_mem>>)
    }
    %scan3A_102 = arith.constant 64 : i32
    %dma_wait3A = arith.constant 0 : i32
    %dma_wait3A_103 = arith.constant 0 : i32
    %dma_wait3A_104 = tpu.memref_slice %arg5[%dma_wait3A, %dma_wait3A_103] : memref<524288x128xf32, #tpu.memory_space<hbm>> -> memref<128x128xf32, #tpu.memory_space<hbm>>
    %dma_wait3A_105 = arith.constant 0 : i32
    %dma_wait3A_106 = arith.constant 0 : i32
    %dma_wait3A_107 = tpu.memref_slice %arg5[%dma_wait3A_105, %dma_wait3A_106] : memref<524288x128xf32, #tpu.memory_space<hbm>> -> memref<128x128xf32, #tpu.memory_space<hbm>>
    tpu.wait_dma2 semaphore(%arg14 : memref<!tpu.dma_semaphore, #tpu.memory_space<semaphore_mem>>) src(%arg10 : memref<128x128xf32, #tpu.memory_space<vmem>>) dst(%dma_wait3A_107 : memref<128x128xf32, #tpu.memory_space<hbm>>)
    %dma_wait3A_108 = arith.constant 0 : i32
    %dma_wait3A_109 = arith.constant 0 : i32
    %dma_wait3A_110 = tpu.memref_slice %arg5[%dma_wait3A_108, %dma_wait3A_109] : memref<524288x128xf32, #tpu.memory_space<hbm>> -> memref<128x128xf32, #tpu.memory_space<hbm>>
    %dma_wait3A_111 = arith.constant 0 : i32
    %dma_wait3A_112 = arith.constant 0 : i32
    %dma_wait3A_113 = tpu.memref_slice %arg5[%dma_wait3A_111, %dma_wait3A_112] : memref<524288x128xf32, #tpu.memory_space<hbm>> -> memref<128x128xf32, #tpu.memory_space<hbm>>
    tpu.wait_dma2 semaphore(%arg15 : memref<!tpu.dma_semaphore, #tpu.memory_space<semaphore_mem>>) src(%arg11 : memref<128x128xf32, #tpu.memory_space<vmem>>) dst(%dma_wait3A_113 : memref<128x128xf32, #tpu.memory_space<hbm>>)
    return
  }
}

</mosaic_0001>

<sc_bundles>
// kernel: kernel.3.cloned.1.call-start
scs
__scs_entry_jumppad:
0x0: {  	(pc) =	sbr.rel $0x88, $3  }
0x1: {  	(tag) =	ssettag $0x0;
	lr =	simm.s32 $0x1  }
0x2: {  	[smem:$0x3F9E] =	sst lr;
	_ =	strace $0xD0000000  }
0x3: {  	_ = 	snop  }
0x4: {  	_ = 	snop  }
0x5: {  	_ = 	snop  }
0x6: {  	_ = 	snop  }
0x7: {  	_ = 	snop  }
__scs_overlays_trampoline_lowered:
0x8: {  	[smem:$0x3FAD] =	sst s0  }
0x9: {  	[smem:$0x3FAE] =	sst s1  }
0xa: {  	[smem:$0x3FAF] =	sst s2  }
0xb: {  	[smem:$0x3FB0] =	sst s3  }
0xc: {  	[smem:$0x3FB1] =	sst s4  }
0xd: {  	[smem:$0x3FB2] =	sst s5  }
0xe: {  	[smem:$0x3FB3] =	sst s6  }
0xf: {  	[smem:$0x3FB4] =	sst s7  }
0x10: {  	[smem:$0x3FB5] =	sst s8  }
0x11: {  	[smem:$0x3FB6] =	sst s9;
	s0 =	simm.s32 @!p0 $0x0  }
0x12: {  	s1 =	sld [smem:$0x3F9C];
	s0 =	simm.s32 @p0 $0x1  }
0x13: {  	[smem:$0x3FB7] =	sst s0;
	s0 =	simm.s32 @!p1 $0x0  }
0x14: {  	s2 =	sld [smem:$0x3F9B];
	s0 =	simm.s32 @p1 $0x1  }
0x15: {  	[smem:$0x3FB8] =	sst s0;
	s0 =	simm.s32 @!p2 $0x0  }
0x16: {  	s3 =	sld [smem:$0x3FDB];
	s0 =	simm.s32 @p2 $0x1  }
0x17: {  	s4 =	simm.s32 $0x1BF5;
	[smem:$0x3FBA] =	sst s0  }
0x18: {  	s0 =	sld [smem:$0x3F9D];
	_ =	swait.ge [sflag:s4], $0x0  }
0x19: {  	s7 =	sld [smem:$0x3F9E]  }
0x1a: {  	s8 =	sadd.s32 $0xFFFFE003, lr  }
0x1b: {  	s9 =	sadd.s32 $0xFFFFFEF7, lr;
	s5 =	simm.s32 $0xFFFFFFFF;
	p2 =	slt.u32 s8, $0xFFFFF086  }
0x1c: {  	p1 =	slt.u32 s9, $0xF7A;
	s5 =	simm.s32 @!p2 $0x0  }
0x1d: {  	s5 =	simm.s32 @p1 $0x1;
	p0 =	seq.s32 s7, s2  }
0x1e: {  	s7 =	smul.u32 @!p0 $0xF7A, s2;
	p2 =	seq.s32 @!p0 s5, $0x0  }
0x1f: {  	s9 =	smul.u32 $0xF7A, s1;
	s8 =	simm.s32 @!p0 $0x1BF5;
	p2 =	por !p2, p0  }
0x20: {  	[sflag:s8] =	ssyncset.s32 @!p0 $0xFFFFF086;
	s6 =	sadd.s32 @!p0 s3, s7;
	s7 =	simm.s32 @!p0 $0x108  }
0x21: {  	s3 =	sadd.s32 s3, s9;
	s6 =	sadd.s32 @!p0 $0x88, s6;
	s7 =	simm.s32 @p2 $0x1082  }
0x22: {  	[simem:s7], [sflag:s8] =	dma.local @!p0 [hbm:s6], $0xF7A  }
0x23: {  	s9 =	sor.u32 $0xD0000000, s2;
	s6 =	simm.s32 $0x108;
	_ =	swait.ge @!p0 [sflag:s8], $0x0  }
0x24: {  	s3 =	sadd.s32 $0x88, s3;
	s6 =	simm.s32 @!p1 $0x1082;
	[sflag:s4] =	ssyncset.s32 $0xFFFFF086  }
0x25: {  	[simem:s6], [sflag:s4] =	dma.local [hbm:s3], $0xF7A  }
0x26: {  	[smem:$0x3F9E] =	sst s1;
	(tag) =	ssettag s2;
	_ =	strace s9  }
0x27: {  	s1 =	sld [smem:$0x3FAE]  }
0x28: {  	s2 =	sld [smem:$0x3FAF]  }
0x29: {  	s4 =	sld [smem:$0x3FB1]  }
0x2a: {  	p0 =	seq.s32 s5, $0x0;
	s5 =	sld [smem:$0x3FB2]  }
0x2b: {  	s6 =	sld [smem:$0x3FB3]  }
0x2c: {  	s7 =	sld [smem:$0x3FB4]  }
0x2d: {  	s3 =	simm.s32 $0x108;
	s8 =	sld [smem:$0x3FB5]  }
0x2e: {  	s3 =	simm.s32 @!p0 $0x1082;
	s9 =	sld [smem:$0x3FB6]  }
0x2f: {  	lr =	sadd.s32 s0, s3;
	s0 =	sld [smem:$0x3FAD]  }
0x30: {  	s3 =	sld [smem:$0x3FB0]  }
0x31: {  	[smem:$0x3FB9] =	sst s10  }
0x32: {  	s10 =	sld [smem:$0x3FB7];
	_ =	sdelay $0x3  }
0x33: {  	p0 =	seq.s32 s10, $0x1;
	s10 =	sld [smem:$0x3FB9];
	_ =	sdelay $0x3  }
0x34: {  	[smem:$0x3FB9] =	sst s10  }
0x35: {  	s10 =	sld [smem:$0x3FB8];
	_ =	sdelay $0x3  }
0x36: {  	p1 =	seq.s32 s10, $0x1;
	s10 =	sld [smem:$0x3FB9];
	_ =	sdelay $0x3  }
0x37: {  	[smem:$0x3FB9] =	sst s10  }
0x38: {  	s10 =	sld [smem:$0x3FBA]  }
0x39: {  	_ = 	snop;
	(pc) =	sbr.ind lr, $3  }
0x3a: {  	_ = 	snop  }
0x3b: {  	_ = 	snop  }
0x3c: {  	p2 =	seq.s32 s10, $0x1;
	s10 =	sld [smem:$0x3FB9]  }
0x3d: {  	_ =	shalt  }
0x3e: {  	_ =	shalt  }
0x3f: {  	_ =	shalt  }
0x40: {  	_ =	shalt  }
0x41: {  	_ =	shalt  }
0x42: {  	_ =	shalt  }
0x43: {  	_ =	shalt  }
0x44: {  	_ =	shalt  }
0x45: {  	_ =	shalt  }
0x46: {  	_ =	shalt  }
0x47: {  	_ =	shalt  }
0x48: {  	_ =	shalt  }
0x49: {  	_ =	shalt  }
0x4a: {  	_ =	shalt  }
0x4b: {  	_ =	shalt  }
0x4c: {  	_ =	shalt  }
0x4d: {  	_ =	shalt  }
0x4e: {  	_ =	shalt  }
0x4f: {  	_ =	shalt  }
0x50: {  	_ =	shalt  }
0x51: {  	_ =	shalt  }
0x52: {  	_ =	shalt  }
0x53: {  	_ =	shalt  }
0x54: {  	_ =	shalt  }
0x55: {  	_ =	shalt  }
0x56: {  	_ =	shalt  }
0x57: {  	_ =	shalt  }
0x58: {  	_ =	shalt  }
0x59: {  	_ =	shalt  }
0x5a: {  	_ =	shalt  }
0x5b: {  	_ =	shalt  }
0x5c: {  	_ =	shalt  }
0x5d: {  	_ =	shalt  }
0x5e: {  	_ =	shalt  }
0x5f: {  	_ =	shalt  }
0x60: {  	_ =	shalt  }
0x61: {  	_ =	shalt  }
0x62: {  	_ =	shalt  }
0x63: {  	_ =	shalt  }
0x64: {  	_ =	shalt  }
0x65: {  	_ =	shalt  }
0x66: {  	_ =	shalt  }
0x67: {  	_ =	shalt  }
0x68: {  	_ =	shalt  }
0x69: {  	_ =	shalt  }
0x6a: {  	_ =	shalt  }
0x6b: {  	_ =	shalt  }
0x6c: {  	_ =	shalt  }
0x6d: {  	_ =	shalt  }
0x6e: {  	_ =	shalt  }
0x6f: {  	_ =	shalt  }
0x70: {  	_ =	shalt  }
0x71: {  	_ =	shalt  }
0x72: {  	_ =	shalt  }
0x73: {  	_ =	shalt  }
0x74: {  	_ =	shalt  }
0x75: {  	_ =	shalt  }
0x76: {  	_ =	shalt  }
0x77: {  	_ =	shalt  }
0x78: {  	_ =	shalt  }
0x79: {  	_ =	shalt  }
0x7a: {  	_ =	shalt  }
0x7b: {  	_ =	shalt  }
0x7c: {  	_ =	shalt  }
0x7d: {  	_ =	shalt  }
0x7e: {  	_ =	shalt  }
0x7f: {  	_ =	shalt  }
0x80: {  	_ =	shalt  }
0x81: {  	_ =	shalt  }
0x82: {  	_ =	shalt  }
0x83: {  	_ =	shalt  }
0x84: {  	_ =	shalt  }
0x85: {  	_ =	shalt  }
0x86: {  	_ =	shalt  }
0x87: {  	_ =	shalt  }
.Lfunc_end0:
.L_simem_size_0:
called_computation_lowered:
.L_overlay_start_0:
0x88: {  	s2 =	sld [smem:$0x3FD9]  }
0x89: {  	s3 =	sld [smem:$0x3FFE];
	_ =	sdelay $0x1  }
0x8a: {  	s1 =	srdreg.scid  }
0x8b: {  	s0 =	sand.u32 $0x1, s1  }
0x8c: {  	s18 =	sshll.u32 s0, $0xA;
	s2 =	sadd.s32 s3, s2  }
0x8d: {  	s2 =	sadd.s32 s2, s18  }
0x8e: {  	[smem:$0x3FC5] =	sst s2  }
0x8f: {  	_ = 	snop  }
0x90: {  	s2 =	sld [smem:$0x3FC9]  }
0x91: {  	s19 =	sld [smem:$0x3FC8]  }
0x92: {  	s4 =	sld [smem:$0x3FC7]  }
0x93: {  	s5 =	sld [smem:$0x3FD0];
	(tm) =	ssettm $0x1  }
0x94: {  	s6 =	sld [smem:$0x3FFB];
	_ =	sdelay $0x3  }
0x95: {  	_ =	strace s6  }
0x96: {  	s6 =	sld [smem:$0x3FFC];
	_ =	sdelay $0x3  }
0x97: {  	_ =	strace s6  }
0x98: {  	s6 =	sld [smem:$0x3FFD];
	_ =	sdelay $0x3  }
0x99: {  	_ =	strace s6  }
0x9a: {  	_ =	strace $0x8FFFFFFF  }
0x9b: {  	s20 =	sld [smem:$0x3FDB];
	_ =	sdelay $0x1  }
0x9c: {  	s7 =	simm.s32 $_scs_section_size  }
0x9d: {  	s8 =	simm.s32 $_size__tile_overlayer_lowered;
	s9 =	simm.s32 $_tile_overlayer_lowered  }
0x9e: {  	s23 =	simm.s32 $0x1BFF;
	s22 =	sshll.u32 s9, $0x1;
	s6 =	sadd.s32 s7, s20  }
0x9f: {  	s10 =	simm.s32 $0x0;
	s21 =	sshll.u32 s8, $0x1;
	s8 =	sadd.s32 s22, s6  }
0xa0: {  	[timem:s10], [sflag:s23] =	dma.local [hbm:s8], s21  }
0xa1: {  	_ =	swait.ge [sflag:s23], s21  }
0xa2: {  	s7 =	ssub.s32 $0x0, s21;
	[sflag:s23] =	ssyncset.done $0x0  }
0xa3: {  	[sflag:s23] =	ssyncadd.s32 s7;
	_ =	sdelay $0x1  }
0xa4: {  	s24 =	simm.s32 $0x1B8B  }
0xa5: {  	_ =	swait.ge [sflag:s24], $0x1  }
0xa6: {  	[sflag:s24] =	ssyncset.done $0x0  }
0xa7: {  	s25 =	simm.s32 $0x1B8E;
	[sflag:s24] =	ssyncadd.s32 $0xFFFFFFFF  }
0xa8: {  	s26 =	simm.s32 $execute0_lowered;
	[smem:$0x3FD2] =	sst s25  }
0xa9: {  	s7 =	sshll.u32 s26, $0x1;
	_ =	strace $0x80000046;
	[dreg:$0x1] =	wrdreg $0xFFFFFFFF  }
0xaa: {  	s28 =	simm.s32 $_size_execute0_lowered;
	s6 =	sadd.s32 s6, s7;
	[dreg:$0x0] =	wrdreg $0x0  }
0xab: {  	s7 =	sshll.u32 s28, $0x1;
	[dreg:$0x2] =	wrdreg s6  }
0xac: {  	[dreg:$0x3] =	wrdreg s7  }
0xad: {  	[dreg:$0x4] =	wrdreg $0xC0  }
0xae: {  	_ =	task [dreg:s10], $0x5FFFF  }
0xaf: {  	[dreg:$0x1] =	wrdreg $0xFFFFFFFF  }
0xb0: {  	[dreg:$0x0] =	wrdreg $0x60  }
0xb1: {  	[dreg:$0x2] =	wrdreg s2  }
0xb2: {  	[dreg:$0x3] =	wrdreg s19  }
0xb3: {  	[dreg:$0x4] =	wrdreg s4  }
0xb4: {  	[dreg:$0x5] =	wrdreg s5  }
0xb5: {  	[dreg:$0x6] =	wrdreg $0x9  }
0xb6: {  	_ =	task.clear_ibuf [dreg:s10], $0x7FFFF;
	_ =	strace $0x90000046  }
0xb7: {  	s29 =	simm.s32 $0x9;
	_ =	strace $0x80000048  }
0xb8: {  	_ =	swait.ge [sflag:s29], $0x1  }
0xb9: {  	[sflag:s29] =	ssyncadd.s32 $0xFFFFFFFF  }
0xba: {  	_ =	strace $0x90000048  }
0xbb: {  	_ =	sfence  }
0xbc: {  	s30 =	sld [smem:$0x0];
	_ =	sdelay $0x2  }
0xbd: {  	s31 =	sshll.u32 s1, $0xD;
	s1 =	sshrl.u32 s1, $0x2  }
0xbe: {  	s3 =	sand.u32 $0x4000, s31;
	s1 =	sadd.s32 s1, s30  }
0xbf: {  	s0 =	sor.u32 s3, s0;
	s1 =	sshll.u32 s1, $0x11  }
0xc0: {  	s0 =	sor.u32 s1, s0  }
0xc1: {  	s0 =	sadd.s32 $0x8F2B, s0  }
0xc2: {  	[sflag:s0] =	ssyncadd.remote.s32 $0x1  }
0xc3: {  	_ =	sfence.sel $0xFFFF  }
0xc4: {  	[dreg:$0x0] =	wrdreg $0xFFFFFFFF;
	(pc) =	sbr.abs _section_cstart, $3  }
0xc5: {  	[dreg:$0x1] =	wrdreg $0xFFFFFFFF  }
0xc6: {  	_ =	task.clear_ibuf [dreg:s10], $0x2FFFF;
	_ =	strace $0x9FFFFFFF  }
0xc7: {  	(tm) =	ssettm $0x7FFFFFFF  }
tec
execute0_lowered:
.L_overlay_start_1:
0x0: {  	(tag) =	ssettag $0x1  }
0x1: {  	s1 =	rddreg [dreg:$0x0]  }
0x2: {  	s0 =	rddreg [dreg:$0x1]  }
0x3: {  	s4 =	rddreg [dreg:$0x3]  }
0x4: {  	s2 =	srdreg.scid;
	s3 =	stileid.u32;
	s5 =	simm.s32 $0x0  }
0x5: {  	s11 =	simm.s32 $0x5;
	s14 =	simm.s32 $0x7000;
	s15 =	simm.s32 $0x1  }
0x6: {  	s16 =	simm.s32 $0xB000;
	s17 =	simm.s32 $0x2;
	s18 =	simm.s32 $0xF000  }
0x7: {  	s19 =	simm.s32 $0x3;
	s20 =	simm.s32 $0x4;
	s2 =	sand.u32 $0x1, s2  }
0x8: {  	s21 =	simm.s32 $0x0;
	s3 =	sshll.u32 s3, $0x6;
	s6 =	sshll.u32 s2, $0x5  }
0x9: {  	[smem:$0x7FF] =	sst s5;
	s2 =	ssub.s32 $0x2, s2;
	s6 =	sor.u32 s6, s3  }
0xa: {  	_ =	strace $0x80000047;
	s8 =	sshrl.u32 s2, $0x1;
	s3 =	sshll.u32 s6, $0xA  }
0xb: {  	s9 =	sshll.u32 s6, $0x4;
	s2 =	ssub.s32 s2, s8;
	s7 =	sadd.s32 s1, s3  }
0xc: {  	s8 =	sadd.s32 s0, s9;
	s10 =	smax.u32 s2, $0x1;
	s9 =	sadd.s32 $0x100000, s7  }
.LBB2_1:
0xd: {  	s0 =	rddreg [dreg:$0x2]  }
0xe: {  	[tilespmem:s5], [sflag:$0x5] =	stream.linear.gather [hbm4b:s0+s5], $0x2000, $0x38;
	[tilespmem:$0x13000] =	vst v63  }
0xf: {  	_ =	swait.ge [sflag:s11], $0x2000  }
0x10: {  	[sflag:s11] =	ssyncset.done $0x0  }
0x11: {  	s30 =	simm.s32 $0x2000;
	[sflag:s11] =	ssyncadd.s32 $0xFFFFE000  }
0x12: {  	[tilespmem:s30], [sflag:$0x5] =	stream.linear.gather [hbm4b:s8+s5], $0x1000, $0x38;
	[tilespmem:$0x13000] =	vst v63  }
0x13: {  	_ =	swait.ge [sflag:s11], $0x1000  }
0x14: {  	[sflag:s11] =	ssyncset.done $0x0  }
0x15: {  	s31 =	simm.s32 $0x3000;
	[sflag:s11] =	ssyncadd.s32 $0xFFFFF000  }
0x16: {  	[tilespmem:s31], [sflag:$0x1] =	stream.linear.gather [hbm4b:s7+s5], $0x4000, $0x38;
	[tilespmem:$0x13000] =	vst v63  }
0x17: {  	s22 =	simm.s32 $0x0  }
0x18: {  	[tilespmem:s14], [sflag:$0x2] =	stream.linear.gather [hbm4b:s9+s5], $0x4000, $0x38;
	[tilespmem:$0x13000] =	vst v63  }
.LBB2_2:
0x19: {  	_ =	swait.ge [sflag:s15], $0x4000  }
0x1a: {  	p1 =	seq.s32 s22, $0x0;
	[sflag:s15] =	ssyncset.done $0x0  }
0x1b: {  	s0 =	simm.s32 @!p1 $0x3;
	[sflag:s15] =	ssyncadd.s32 $0xFFFFC000  }
0x1c: {  	s12 =	sshrl.u32 s22, $0x2;
	_ =	swait.ge @!p1 [sflag:s0], $0x4000  }
0x1d: {  	s2 =	sshll.u32 s12, $0x8;
	[sflag:s0] =	ssyncset.done @!p1 $0x0  }
0x1e: {  	s24 =	sand.u32 $0x3FFFFF00, s2;
	[sflag:s0] =	ssyncadd.s32 @!p1 $0xFFFFC000  }
0x1f: {  	v3 =	vld [tilespmem:s24+$0x2000]  }
0x20: {  	v4 =	vld [tilespmem:s24+$0x2010]  }
0x21: {  	v5 =	vld [tilespmem:s24+$0x2020]  }
0x22: {  	s23 =	simm.s32 $0x3100;
	v6 =	vld [tilespmem:s24+$0x2030]  }
0x23: {  	s3 =	simm.s32 $0x100;
	v8 =	vld [tilespmem:s23+$0x80]  }
0x24: {  	v9 =	vld [tilespmem:s3+$0x80]  }
0x25: {  	v7 =	vld [tilespmem:s24+$0x2040]  }
0x26: {  	v2 =	vld [tilespmem:s24+$0x2050]  }
0x27: {  	v11 =	vld [tilespmem:s3+$0xFFFFFF00]  }
0x28: {  	v12 =	vld [tilespmem:s23+$0xFFFFFF00]  }
0x29: {  	v1 =	vld [tilespmem:s24+$0x2060]  }
0x2a: {  	v10 =	vld [tilespmem:s23+$0xFFFFFF80];
	v8 =	vadd.f32 v9, v8  }
0x2b: {  	v9 =	vld [tilespmem:s3+$0xFFFFFF80]  }
0x2c: {  	v13 =	vld [tilespmem:s3+$0x0];
	v8 =	vadd.f32 v8, v3  }
0x2d: {  	s30 =	simm.s32 $0xB100;
	v11 =	vadd.f32 v11, v12;
	v12 =	vld [tilespmem:s23+$0x0]  }
0x2e: {  	v0 =	vld [tilespmem:s24+$0x2070];
	[tilespmem:s30+$0x80] =	vst v8  }
0x2f: {  	v8 =	vld [tilespmem:s23+$0x90]  }
0x30: {  	v9 =	vadd.f32 v9, v10;
	v10 =	vld [tilespmem:s3+$0x90];
	_ =	sdelay $0x1  }
0x31: {  	v12 =	vadd.f32 v13, v12;
	v9 =	vadd.f32 v9, v3;
	_ =	sdelay $0x1  }
0x32: {  	v12 =	vadd.f32 v12, v3;
	[tilespmem:s30+$0xFFFFFF80] =	vst v9  }
0x33: {  	v9 =	vadd.f32 v11, v3;
	v11 =	vld [tilespmem:s23+$0xFFFFFF90];
	v8 =	vadd.f32 v10, v8  }
0x34: {  	v10 =	vld [tilespmem:s3+$0xFFFFFF90]  }
0x35: {  	[tilespmem:s30+$0x0] =	vst v12;
	v8 =	vadd.f32 v8, v4  }
0x36: {  	v12 =	vld [tilespmem:s23+$0x10]  }
0x37: {  	v13 =	vld [tilespmem:s3+$0x10];
	[tilespmem:s30+$0x90] =	vst v8  }
0x38: {  	v8 =	vld [tilespmem:s23+$0xA0]  }
0x39: {  	v10 =	vadd.f32 v10, v11;
	v11 =	vld [tilespmem:s3+$0xA0]  }
0x3a: {  	[tilespmem:s30+$0xFFFFFF00] =	vst v9  }
0x3b: {  	v9 =	vld [tilespmem:s23+$0xFFFFFF10];
	v10 =	vadd.f32 v10, v4  }
0x3c: {  	v14 =	vld [tilespmem:s3+$0xFFFFFF10]  }
0x3d: {  	v12 =	vadd.f32 v13, v12;
	[tilespmem:s30+$0xFFFFFF90] =	vst v10  }
0x3e: {  	v10 =	vld [tilespmem:s23+$0xFFFFFFA0];
	v8 =	vadd.f32 v11, v8  }
0x3f: {  	v12 =	vadd.f32 v12, v4;
	v11 =	vld [tilespmem:s3+$0xFFFFFFA0]  }
0x40: {  	v8 =	vadd.f32 v8, v5  }
0x41: {  	v9 =	vadd.f32 v14, v9;
	[tilespmem:s30+$0x10] =	vst v12  }
0x42: {  	v12 =	vld [tilespmem:s23+$0x20];
	[tilespmem:s30+$0xA0] =	vst v8  }
0x43: {  	v9 =	vadd.f32 v9, v4;
	v8 =	vld [tilespmem:s23+$0xB0]  }
0x44: {  	v10 =	vadd.f32 v11, v10;
	v11 =	vld [tilespmem:s3+$0xB0]  }
0x45: {  	v13 =	vld [tilespmem:s3+$0x20];
	[tilespmem:s30+$0xFFFFFF10] =	vst v9  }
0x46: {  	v9 =	vld [tilespmem:s23+$0xFFFFFF20];
	v10 =	vadd.f32 v10, v5  }
0x47: {  	v14 =	vld [tilespmem:s3+$0xFFFFFF20]  }
0x48: {  	[tilespmem:s30+$0xFFFFFFA0] =	vst v10  }
0x49: {  	v10 =	vld [tilespmem:s23+$0xFFFFFFB0];
	v8 =	vadd.f32 v11, v8  }
0x4a: {  	v11 =	vld [tilespmem:s3+$0xFFFFFFB0]  }
0x4b: {  	v12 =	vadd.f32 v13, v12;
	v8 =	vadd.f32 v8, v6  }
0x4c: {  	v9 =	vadd.f32 v14, v9  }
0x4d: {  	v12 =	vadd.f32 v12, v5;
	[tilespmem:s30+$0xB0] =	vst v8  }
0x4e: {  	v9 =	vadd.f32 v9, v5;
	v8 =	vld [tilespmem:s23+$0xC0]  }
0x4f: {  	[tilespmem:s30+$0x20] =	vst v12;
	v10 =	vadd.f32 v11, v10;
	v11 =	vld [tilespmem:s3+$0xC0]  }
0x50: {  	v12 =	vld [tilespmem:s23+$0x30];
	[tilespmem:s30+$0xFFFFFF20] =	vst v9  }
0x51: {  	v9 =	vld [tilespmem:s23+$0xFFFFFF30];
	v10 =	vadd.f32 v10, v6  }
0x52: {  	v14 =	vld [tilespmem:s3+$0xFFFFFF30]  }
0x53: {  	v13 =	vld [tilespmem:s3+$0x30];
	[tilespmem:s30+$0xFFFFFFB0] =	vst v10  }
0x54: {  	v10 =	vld [tilespmem:s23+$0xFFFFFFC0];
	v8 =	vadd.f32 v11, v8  }
0x55: {  	v11 =	vld [tilespmem:s3+$0xFFFFFFC0]  }
0x56: {  	v8 =	vadd.f32 v8, v7  }
0x57: {  	s2 =	simm.s32 $0x300;
	v9 =	vadd.f32 v14, v9  }
0x58: {  	v15 =	vld [tilespmem:s2+$0x80];
	[tilespmem:s30+$0xC0] =	vst v8  }
0x59: {  	v9 =	vadd.f32 v9, v6;
	v8 =	vld [tilespmem:s23+$0xD0]  }
0x5a: {  	v12 =	vadd.f32 v13, v12;
	v10 =	vadd.f32 v11, v10;
	v11 =	vld [tilespmem:s3+$0xD0]  }
0x5b: {  	v17 =	vld [tilespmem:s2+$0xFFFFFF00];
	[tilespmem:s30+$0xFFFFFF30] =	vst v9  }
0x5c: {  	v12 =	vadd.f32 v12, v6;
	v9 =	vld [tilespmem:s23+$0xFFFFFF40]  }
0x5d: {  	s0 =	simm.s32 $0x3300;
	v14 =	vld [tilespmem:s3+$0xFFFFFF40]  }
0x5e: {  	v18 =	vld [tilespmem:s0+$0xFFFFFF80];
	[tilespmem:s30+$0x30] =	vst v12  }
0x5f: {  	v12 =	vld [tilespmem:s23+$0x40];
	v8 =	vadd.f32 v11, v8  }
0x60: {  	v13 =	vld [tilespmem:s3+$0x40]  }
0x61: {  	v19 =	vld [tilespmem:s2+$0xFFFFFF80];
	v8 =	vadd.f32 v8, v2  }
0x62: {  	v9 =	vadd.f32 v14, v9;
	v14 =	vld [tilespmem:s0+$0x80]  }
0x63: {  	v39 =	vld [tilespmem:s0+$0xFFFFFF00];
	[tilespmem:s30+$0xD0] =	vst v8  }
0x64: {  	v10 =	vadd.f32 v10, v7;
	v8 =	vld [tilespmem:s23+$0xE0]  }
0x65: {  	v12 =	vadd.f32 v13, v12;
	v9 =	vadd.f32 v9, v7;
	v16 =	vld [tilespmem:s3+$0xE0]  }
0x66: {  	v20 =	vld [tilespmem:s2+$0x0];
	[tilespmem:s30+$0xFFFFFFC0] =	vst v10  }
0x67: {  	v12 =	vadd.f32 v12, v7;
	v10 =	vld [tilespmem:s23+$0xFFFFFFD0];
	[tilespmem:s30+$0xFFFFFF40] =	vst v9;
	v14 =	vadd.f32 v15, v14  }
0x68: {  	v9 =	vld [tilespmem:s23+$0xFFFFFF50]  }
0x69: {  	[tilespmem:s30+$0x40] =	vst v12;
	v12 =	vadd.f32 v17, v39;
	v15 =	vld [tilespmem:s0+$0x0];
	v14 =	vadd.f32 v14, v3  }
0x6a: {  	s31 =	simm.s32 $0xB300;
	v13 =	vld [tilespmem:s3+$0xFFFFFF50];
	v8 =	vadd.f32 v16, v8  }
0x6b: {  	v11 =	vld [tilespmem:s3+$0xFFFFFFD0];
	v12 =	vadd.f32 v12, v3;
	[tilespmem:s31+$0x80] =	vst v14  }
0x6c: {  	v14 =	vadd.f32 v19, v18;
	v40 =	vld [tilespmem:s0+$0x90];
	v8 =	vadd.f32 v8, v1  }
0x6d: {  	[tilespmem:s31+$0xFFFFFF00] =	vst v12;
	v41 =	vld [tilespmem:s2+$0x90]  }
0x6e: {  	v45 =	vld [tilespmem:s0+$0xFFFFFF10];
	[tilespmem:s30+$0xE0] =	vst v8;
	v8 =	vadd.f32 v14, v3;
	v14 =	vadd.f32 v20, v15  }
0x6f: {  	v9 =	vadd.f32 v13, v9;
	v13 =	vld [tilespmem:s2+$0xFFFFFF10]  }
0x70: {  	v15 =	vld [tilespmem:s23+$0xF0];
	[tilespmem:s31+$0xFFFFFF80] =	vst v8;
	v8 =	vadd.f32 v14, v3  }
0x71: {  	v43 =	vld [tilespmem:s0+$0xFFFFFF90]  }
0x72: {  	v44 =	vld [tilespmem:s2+$0xFFFFFF90];
	[tilespmem:s31+$0x0] =	vst v8;
	v8 =	vadd.f32 v41, v40  }
0x73: {  	v10 =	vadd.f32 v11, v10;
	v42 =	vld [tilespmem:s3+$0xF0]  }
0x74: {  	v11 =	vadd.f32 v13, v45;
	v14 =	vld [tilespmem:s23+$0x50];
	v8 =	vadd.f32 v8, v4  }
0x75: {  	v10 =	vadd.f32 v10, v2;
	v12 =	vld [tilespmem:s0+$0x10]  }
0x76: {  	v11 =	vadd.f32 v11, v4;
	v46 =	vld [tilespmem:s2+$0x10];
	[tilespmem:s31+$0x90] =	vst v8  }
0x77: {  	[tilespmem:s30+$0xFFFFFFD0] =	vst v10;
	v8 =	vadd.f32 v9, v2;
	v9 =	vadd.f32 v44, v43;
	v47 =	vld [tilespmem:s0+$0xA0]  }
0x78: {  	[tilespmem:s31+$0xFFFFFF10] =	vst v11;
	v48 =	vld [tilespmem:s2+$0xA0]  }
0x79: {  	v11 =	vld [tilespmem:s23+$0xFFFFFFE0];
	[tilespmem:s30+$0xFFFFFF50] =	vst v8;
	v8 =	vadd.f32 v9, v4  }
0x7a: {  	v50 =	vld [tilespmem:s0+$0xFFFFFF20]  }
0x7b: {  	v9 =	vld [tilespmem:s3+$0x50];
	[tilespmem:s31+$0xFFFFFF90] =	vst v8  }
0x7c: {  	v12 =	vadd.f32 v46, v12;
	v49 =	vld [tilespmem:s0+$0xFFFFFFA0]  }
0x7d: {  	v10 =	vld [tilespmem:s2+$0xFFFFFFA0];
	v17 =	vadd.f32 v48, v47  }
0x7e: {  	v13 =	vld [tilespmem:s23+$0xFFFFFF60];
	v12 =	vadd.f32 v12, v4  }
0x7f: {  	v8 =	vld [tilespmem:s3+$0xFFFFFF60];
	v17 =	vadd.f32 v17, v5  }
0x80: {  	[tilespmem:s31+$0x10] =	vst v12;
	v12 =	vld [tilespmem:s2+$0xFFFFFF20]  }
0x81: {  	v9 =	vadd.f32 v9, v14;
	v14 =	vld [tilespmem:s0+$0x20];
	[tilespmem:s31+$0xA0] =	vst v17  }
0x82: {  	v10 =	vadd.f32 v10, v49;
	v17 =	vld [tilespmem:s0+$0xB0]  }
0x83: {  	v9 =	vadd.f32 v9, v2;
	v51 =	vld [tilespmem:s2+$0xB0]  }
0x84: {  	v52 =	vld [tilespmem:s2+$0x20];
	v8 =	vadd.f32 v8, v13;
	v10 =	vadd.f32 v10, v5  }
0x85: {  	[tilespmem:s30+$0x50] =	vst v9;
	v9 =	vadd.f32 v12, v50;
	v12 =	vld [tilespmem:s3+$0xFFFFFFE0]  }
0x86: {  	v8 =	vadd.f32 v8, v1;
	[tilespmem:s31+$0xFFFFFFA0] =	vst v10;
	v10 =	vld [tilespmem:s23+$0x60]  }
0x87: {  	v9 =	vadd.f32 v9, v5;
	v13 =	vld [tilespmem:s0+$0xFFFFFFB0]  }
0x88: {  	[tilespmem:s30+$0xFFFFFF60] =	vst v8;
	v53 =	vld [tilespmem:s2+$0xFFFFFFB0];
	v17 =	vadd.f32 v51, v17  }
0x89: {  	v55 =	vld [tilespmem:s23+$0xFFFFFF70];
	[tilespmem:s31+$0xFFFFFF20] =	vst v9  }
0x8a: {  	v14 =	vadd.f32 v52, v14;
	v54 =	vld [tilespmem:s0+$0xFFFFFF30];
	v17 =	vadd.f32 v17, v6  }
0x8b: {  	v8 =	vld [tilespmem:s2+$0xFFFFFF30]  }
0x8c: {  	v14 =	vadd.f32 v14, v5;
	v9 =	vld [tilespmem:s3+$0x60];
	[tilespmem:s31+$0xB0] =	vst v17  }
0x8d: {  	v13 =	vadd.f32 v53, v13;
	v56 =	vld [tilespmem:s0+$0xC0]  }
0x8e: {  	[tilespmem:s31+$0x20] =	vst v14;
	v14 =	vld [tilespmem:s2+$0xC0]  }
0x8f: {  	v11 =	vadd.f32 v12, v11;
	v57 =	vld [tilespmem:s2+$0x30];
	v12 =	vadd.f32 v13, v6  }
0x90: {  	v8 =	vadd.f32 v8, v54;
	v13 =	vld [tilespmem:s0+$0x30]  }
0x91: {  	v11 =	vadd.f32 v11, v1;
	[tilespmem:s31+$0xFFFFFFB0] =	vst v12;
	v12 =	vld [tilespmem:s3+$0xFFFFFF70]  }
0x92: {  	v8 =	vadd.f32 v8, v6;
	v58 =	vld [tilespmem:s0+$0xFFFFFFC0]  }
0x93: {  	[tilespmem:s30+$0xFFFFFFE0] =	vst v11;
	v11 =	vld [tilespmem:s2+$0xFFFFFFC0];
	v14 =	vadd.f32 v14, v56  }
0x94: {  	[tilespmem:s31+$0xFFFFFF30] =	vst v8;
	v8 =	vld [tilespmem:s23+$0xFFFFFFF0]  }
0x95: {  	v59 =	vld [tilespmem:s0+$0xFFFFFF40];
	v13 =	vadd.f32 v57, v13;
	v14 =	vadd.f32 v14, v7  }
0x96: {  	v60 =	vld [tilespmem:s2+$0xFFFFFF40]  }
0x97: {  	s12 =	sshll.u32 s12, $0x1;
	v9 =	vadd.f32 v9, v10;
	v10 =	vadd.f32 v13, v6;
	v13 =	vld [tilespmem:s3+$0xFFFFFFF0];
	[tilespmem:s31+$0xC0] =	vst v14  }
0x98: {  	s13 =	sand.u32 $0x1C, s22;
	s12 =	sadd.s32 s6, s12;
	v11 =	vadd.f32 v11, v58;
	v14 =	vld [tilespmem:s0+$0xD0]  }
0x99: {  	p2 =	sne.s32 s13, $0x0;
	p0 =	seq.s32 s12, $0x0;
	v15 =	vadd.f32 v42, v15;
	v9 =	vadd.f32 v9, v1;
	[tilespmem:s31+$0x30] =	vst v10;
	v10 =	vld [tilespmem:s2+$0xD0]  }
0x9a: {  	p0 =	por !p2, !p0;
	v12 =	vadd.f32 v12, v55;
	v11 =	vadd.f32 v11, v7;
	v61 =	vld [tilespmem:s0+$0x40]  }
0x9b: {  	s13 =	simm.s32 $0x1;
	p0 =	por !p0, !p0;
	[tilespmem:s30+$0x60] =	vst v9;
	v9 =	vadd.f32 v15, v0;
	v15 =	vadd.f32 v60, v59;
	v62 =	vld [tilespmem:s2+$0x40]  }
0x9c: {  	s26 =	sshll.u32 s22, $0x18;
	s12 =	sshrl.u32 s12, $0x4;
	s13 =	simm.s32 @!p0 $0x0;
	v12 =	vadd.f32 v12, v0;
	[tilespmem:s31+$0xFFFFFFC0] =	vst v11;
	v13 =	vadd.f32 v13, v8;
	v8 =	vld [tilespmem:s23+$0x70]  }
0x9d: {  	s26 =	sand.u32 $0x3000000, s26;
	s12 =	ssub.s32 s12, s13;
	[tilespmem:s30+$0xF0] =	vst v9;
	v9 =	vadd.f32 v15, v7;
	v11 =	vld [tilespmem:s0+$0xFFFFFFD0]  }
0x9e: {  	s25 =	sshll.u32 s12, $0x11;
	s12 =	simm.s32 $0x4;
	[tilespmem:s30+$0xFFFFFF70] =	vst v12;
	s23 =	sshll.u32 s22, $0xC;
	v12 =	vld [tilespmem:s2+$0xFFFFFFD0];
	v15 =	vadd.f32 v10, v14;
	v63 =	vadd.f32 v13, v0  }
0x9f: {  	s13 =	sadd.s32 s26, s25;
	s28 =	sand.u32 $0x1C000, s23;
	s23 =	sshll.u32 s22, $0x1;
	[tilespmem:s31+$0xFFFFFF40] =	vst v9;
	v10 =	vld [tilespmem:s3+$0x70]  }
0xa0: {  	s29 =	sor.u32 s28, s13;
	v9 =	vld [tilespmem:s0+$0xFFFFFF50];
	s13 =	simm.s32 $0x3500;
	s3 =	simm.s32 $0x300;
	v14 =	vadd.f32 v62, v61;
	v13 =	vadd.f32 v15, v2;
	[tilespmem:s30+$0xFFFFFFF0] =	vst v63  }
.LBB2_3:
0xa1: {  	v15 =	vld [tilespmem:s13+$0x80];
	s2 =	sadd.s32 $0x200, s2  }
0xa2: {  	v16 =	vld [tilespmem:s2+$0x80];
	v14 =	vadd.f32 v14, v7;
	[tilespmem:s31+$0xD0] =	vst v13  }
0xa3: {  	v11 =	vadd.f32 v12, v11;
	v12 =	vld [tilespmem:s0+$0xE0]  }
0xa4: {  	[tilespmem:s31+$0x40] =	vst v14;
	v13 =	vld [tilespmem:s3+$0xE0];
	v8 =	vadd.f32 v10, v8  }
0xa5: {  	v10 =	vld [tilespmem:s2+$0xFFFFFF00];
	v11 =	vadd.f32 v11, v2  }
0xa6: {  	v14 =	vld [tilespmem:s13+$0xFFFFFF80];
	v8 =	vadd.f32 v8, v0  }
0xa7: {  	v17 =	vld [tilespmem:s2+$0xFFFFFF80];
	v15 =	vadd.f32 v16, v15;
	[tilespmem:s31+$0xFFFFFFD0] =	vst v11  }
0xa8: {  	v11 =	vld [tilespmem:s13+$0x0];
	[tilespmem:s30+$0x70] =	vst v8;
	s30 =	smov.u32 s31  }
0xa9: {  	s12 =	sadd.s32 $0x4, s12;
	v8 =	vld [tilespmem:s2+$0x0];
	v15 =	vadd.f32 v15, v3;
	v12 =	vadd.f32 v13, v12  }
0xaa: {  	p0 =	slt.u32 s12, $0x3C;
	s31 =	sadd.s32 $0x200, s31;
	v13 =	vld [tilespmem:s13+$0xFFFFFF00]  }
0xab: {  	[tilespmem:s31+$0x80] =	vst v15;
	v15 =	vld [tilespmem:s3+$0xFFFFFF50];
	v12 =	vadd.f32 v12, v1  }
0xac: {  	v14 =	vadd.f32 v17, v14;
	v16 =	vld [tilespmem:s13+$0x90]  }
0xad: {  	v17 =	vld [tilespmem:s2+$0x90];
	[tilespmem:s30+$0xE0] =	vst v12  }
0xae: {  	v12 =	vadd.f32 v14, v3;
	v8 =	vadd.f32 v8, v11;
	v11 =	vld [tilespmem:s0+$0xF0]  }
0xaf: {  	v10 =	vadd.f32 v10, v13;
	v13 =	vld [tilespmem:s3+$0xF0]  }
0xb0: {  	[tilespmem:s31+$0xFFFFFF80] =	vst v12;
	v8 =	vadd.f32 v8, v3;
	v9 =	vadd.f32 v15, v9;
	v12 =	vld [tilespmem:s0+$0x50]  }
0xb1: {  	v10 =	vadd.f32 v10, v3;
	v14 =	vld [tilespmem:s13+$0xFFFFFF90]  }
0xb2: {  	v15 =	vld [tilespmem:s2+$0xFFFFFF90];
	[tilespmem:s31+$0x0] =	vst v8;
	v8 =	vadd.f32 v17, v16;
	v9 =	vadd.f32 v9, v2  }
0xb3: {  	[tilespmem:s31+$0xFFFFFF00] =	vst v10;
	v10 =	vld [tilespmem:s13+$0x10]  }
0xb4: {  	v16 =	vld [tilespmem:s13+$0xFFFFFF10];
	v8 =	vadd.f32 v8, v4;
	[tilespmem:s30+$0xFFFFFF50] =	vst v9;
	v9 =	vadd.f32 v13, v11  }
0xb5: {  	v11 =	vld [tilespmem:s2+$0xFFFFFF10]  }
0xb6: {  	v13 =	vld [tilespmem:s2+$0x10];
	[tilespmem:s31+$0x90] =	vst v8;
	v8 =	vadd.f32 v9, v0  }
0xb7: {  	v9 =	vadd.f32 v15, v14;
	v14 =	vld [tilespmem:s13+$0xA0]  }
0xb8: {  	v15 =	vld [tilespmem:s2+$0xA0];
	[tilespmem:s30+$0xF0] =	vst v8  }
0xb9: {  	v8 =	vadd.f32 v9, v4;
	v9 =	vld [tilespmem:s3+$0x50]  }
0xba: {  	v11 =	vadd.f32 v11, v16;
	v16 =	vld [tilespmem:s0+$0xFFFFFF60]  }
0xbb: {  	[tilespmem:s31+$0xFFFFFF90] =	vst v8;
	v8 =	vadd.f32 v13, v10;
	v10 =	vld [tilespmem:s3+$0xFFFFFF60]  }
0xbc: {  	v11 =	vadd.f32 v11, v4;
	v13 =	vld [tilespmem:s13+$0xFFFFFFA0]  }
0xbd: {  	v17 =	vld [tilespmem:s2+$0xFFFFFFA0];
	v8 =	vadd.f32 v8, v4;
	v14 =	vadd.f32 v15, v14  }
0xbe: {  	[tilespmem:s31+$0xFFFFFF10] =	vst v11;
	v11 =	vld [tilespmem:s0+$0xFFFFFFE0];
	v9 =	vadd.f32 v9, v12  }
0xbf: {  	v12 =	vld [tilespmem:s13+$0xFFFFFF20];
	[tilespmem:s31+$0x10] =	vst v8;
	v8 =	vadd.f32 v14, v5  }
0xc0: {  	v14 =	vld [tilespmem:s2+$0xFFFFFF20];
	v10 =	vadd.f32 v10, v16;
	v9 =	vadd.f32 v9, v2  }
0xc1: {  	v15 =	vld [tilespmem:s13+$0x20];
	[tilespmem:s31+$0xA0] =	vst v8  }
0xc2: {  	v8 =	vadd.f32 v17, v13;
	v13 =	vld [tilespmem:s13+$0xB0];
	v10 =	vadd.f32 v10, v1;
	[tilespmem:s30+$0x50] =	vst v9  }
0xc3: {  	v9 =	vld [tilespmem:s2+$0xB0]  }
0xc4: {  	v8 =	vadd.f32 v8, v5;
	v16 =	vld [tilespmem:s2+$0x20];
	[tilespmem:s30+$0xFFFFFF60] =	vst v10  }
0xc5: {  	v10 =	vadd.f32 v14, v12;
	v12 =	vld [tilespmem:s3+$0xFFFFFFE0]  }
0xc6: {  	[tilespmem:s31+$0xFFFFFFA0] =	vst v8;
	v8 =	vld [tilespmem:s0+$0x60]  }
0xc7: {  	v10 =	vadd.f32 v10, v5;
	v14 =	vld [tilespmem:s13+$0xFFFFFFB0]  }
0xc8: {  	v17 =	vld [tilespmem:s2+$0xFFFFFFB0];
	v9 =	vadd.f32 v9, v13  }
0xc9: {  	[tilespmem:s31+$0xFFFFFF20] =	vst v10;
	v10 =	vadd.f32 v16, v15;
	v13 =	vld [tilespmem:s3+$0x60]  }
0xca: {  	v15 =	vld [tilespmem:s13+$0xFFFFFF30];
	v9 =	vadd.f32 v9, v6;
	v11 =	vadd.f32 v12, v11  }
0xcb: {  	v12 =	vld [tilespmem:s2+$0xFFFFFF30];
	v10 =	vadd.f32 v10, v5  }
0xcc: {  	[tilespmem:s31+$0xB0] =	vst v9;
	v9 =	vld [tilespmem:s0+$0xFFFFFF70];
	v11 =	vadd.f32 v11, v1  }
0xcd: {  	v14 =	vadd.f32 v17, v14;
	[tilespmem:s31+$0x20] =	vst v10;
	v10 =	vld [tilespmem:s13+$0xC0]  }
0xce: {  	v16 =	vld [tilespmem:s2+$0xC0];
	[tilespmem:s30+$0xFFFFFFE0] =	vst v11;
	v8 =	vadd.f32 v13, v8  }
0xcf: {  	v11 =	vadd.f32 v14, v6;
	v13 =	vld [tilespmem:s13+$0x30]  }
0xd0: {  	v12 =	vadd.f32 v12, v15;
	v14 =	vld [tilespmem:s2+$0x30];
	v8 =	vadd.f32 v8, v1  }
0xd1: {  	[tilespmem:s31+$0xFFFFFFB0] =	vst v11;
	v11 =	vld [tilespmem:s3+$0xFFFFFF70]  }
0xd2: {  	v12 =	vadd.f32 v12, v6;
	v15 =	vld [tilespmem:s13+$0xFFFFFFC0];
	[tilespmem:s30+$0x60] =	vst v8  }
0xd3: {  	v8 =	vld [tilespmem:s2+$0xFFFFFFC0];
	v10 =	vadd.f32 v16, v10  }
0xd4: {  	[tilespmem:s31+$0xFFFFFF30] =	vst v12;
	v12 =	vld [tilespmem:s0+$0xFFFFFFF0]  }
0xd5: {  	v16 =	vld [tilespmem:s13+$0xFFFFFF40];
	v13 =	vadd.f32 v14, v13;
	v10 =	vadd.f32 v10, v7  }
0xd6: {  	v14 =	vld [tilespmem:s2+$0xFFFFFF40];
	v9 =	vadd.f32 v11, v9  }
0xd7: {  	v11 =	vadd.f32 v13, v6;
	[tilespmem:s31+$0xC0] =	vst v10;
	v10 =	vld [tilespmem:s3+$0xFFFFFFF0]  }
0xd8: {  	v8 =	vadd.f32 v8, v15;
	v13 =	vld [tilespmem:s13+$0xD0];
	v9 =	vadd.f32 v9, v0  }
0xd9: {  	[tilespmem:s31+$0x30] =	vst v11;
	v15 =	vld [tilespmem:s2+$0xD0]  }
0xda: {  	v8 =	vadd.f32 v8, v7;
	v17 =	vld [tilespmem:s13+$0x40];
	[tilespmem:s30+$0xFFFFFF70] =	vst v9  }
0xdb: {  	v9 =	vadd.f32 v14, v16;
	v14 =	vld [tilespmem:s2+$0x40]  }
.Ltmp0:
0xdc: {  	[tilespmem:s31+$0xFFFFFFC0] =	vst v8;
	v10 =	vadd.f32 v10, v12;
	v8 =	vld [tilespmem:s0+$0x70];
	s0 =	smov.u32 s13;
	(pc) =	sbr.rel @p0 .LBB2_3-.Ltmp0, $4  }
0xdd: {  	v9 =	vadd.f32 v9, v7;
	v11 =	vld [tilespmem:s13+$0xFFFFFFD0]  }
0xde: {  	v12 =	vld [tilespmem:s2+$0xFFFFFFD0];
	v13 =	vadd.f32 v15, v13;
	v15 =	vadd.f32 v10, v0  }
0xdf: {  	[tilespmem:s31+$0xFFFFFF40] =	vst v9;
	v10 =	vld [tilespmem:s3+$0x70];
	s3 =	smov.u32 s2  }
0xe0: {  	s13 =	sadd.s32 $0x200, s13;
	v9 =	vld [tilespmem:s0+$0xFFFFFF50];
	v14 =	vadd.f32 v14, v17;
	v13 =	vadd.f32 v13, v2;
	[tilespmem:s30+$0xFFFFFFF0] =	vst v15  }
0xe1: {  	_ = 	snop  }
0xe2: {  	v4 =	vld [tilespmem:s3+$0xFFFFFF50];
	v3 =	vadd.f32 v14, v7;
	_ =	sdelay $0x1  }
0xe3: {  	[tilespmem:s31+$0x40] =	vst v3  }
0xe4: {  	v3 =	vld [tilespmem:s0+$0x50]  }
0xe5: {  	v5 =	vld [tilespmem:s3+$0x50]  }
0xe6: {  	v4 =	vadd.f32 v4, v9;
	_ =	sdelay $0x1  }
0xe7: {  	[tilespmem:s31+$0xD0] =	vst v13;
	v6 =	vadd.f32 v12, v11;
	v4 =	vadd.f32 v4, v2  }
0xe8: {  	v7 =	vld [tilespmem:s0+$0xE0]  }
0xe9: {  	v6 =	vadd.f32 v6, v2;
	v9 =	vld [tilespmem:s3+$0xE0];
	[tilespmem:s31+$0xFFFFFF50] =	vst v4;
	v3 =	vadd.f32 v5, v3  }
0xea: {  	v4 =	vld [tilespmem:s0+$0xFFFFFF60]  }
0xeb: {  	[tilespmem:s31+$0xFFFFFFD0] =	vst v6;
	v5 =	vld [tilespmem:s3+$0xFFFFFF60];
	v2 =	vadd.f32 v3, v2  }
0xec: {  	v3 =	vld [tilespmem:s0+$0xFFFFFFE0]  }
0xed: {  	[tilespmem:s31+$0x50] =	vst v2;
	v2 =	vld [tilespmem:s3+$0xFFFFFFE0]  }
0xee: {  	v6 =	vadd.f32 v9, v7;
	v7 =	vld [tilespmem:s0+$0x60]  }
0xef: {  	v9 =	vld [tilespmem:s3+$0x60]  }
0xf0: {  	v6 =	vadd.f32 v6, v1;
	v4 =	vadd.f32 v5, v4;
	_ =	sdelay $0x1  }
0xf1: {  	[tilespmem:s31+$0xE0] =	vst v6;
	v4 =	vadd.f32 v4, v1;
	v2 =	vadd.f32 v2, v3  }
0xf2: {  	v5 =	vld [tilespmem:s3+$0xF0]  }
0xf3: {  	v3 =	vld [tilespmem:s0+$0xF0];
	[tilespmem:s31+$0xFFFFFF60] =	vst v4;
	v4 =	vadd.f32 v9, v7;
	v2 =	vadd.f32 v2, v1  }
0xf4: {  	v6 =	vld [tilespmem:s0+$0xFFFFFF70]  }
0xf5: {  	v1 =	vadd.f32 v4, v1;
	[tilespmem:s31+$0xFFFFFFE0] =	vst v2;
	v2 =	vld [tilespmem:s3+$0xFFFFFF70]  }
0xf6: {  	v4 =	vld [tilespmem:s0+$0xFFFFFFF0]  }
0xf7: {  	[tilespmem:s31+$0x60] =	vst v1;
	v1 =	vld [tilespmem:s3+$0xFFFFFFF0]  }
0xf8: {  	v7 =	vld [tilespmem:s0+$0x70]  }
0xf9: {  	v9 =	vld [tilespmem:s3+$0x70]  }
0xfa: {  	v8 =	vadd.f32 v10, v8  }
0xfb: {  	v3 =	vadd.f32 v5, v3  }
0xfc: {  	v5 =	vadd.f32 v8, v0;
	v2 =	vadd.f32 v2, v6  }
0xfd: {  	v3 =	vadd.f32 v3, v0;
	v1 =	vadd.f32 v1, v4  }
0xfe: {  	[tilespmem:s30+$0x70] =	vst v5;
	v2 =	vadd.f32 v2, v0;
	v4 =	vadd.f32 v9, v7  }
0xff: {  	[tilespmem:s31+$0xF0] =	vst v3;
	v1 =	vadd.f32 v1, v0  }
0x100: {  	[tilespmem:s31+$0xFFFFFF70] =	vst v2;
	v0 =	vadd.f32 v4, v0  }
0x101: {  	[tilespmem:s31+$0xFFFFFFF0] =	vst v1  }
0x102: {  	[tilespmem:s31+$0x70] =	vst v0  }
0x103: {  	v3 =	vld [tilespmem:s24+$0x2080]  }
0x104: {  	v4 =	vld [tilespmem:s24+$0x2090]  }
0x105: {  	v5 =	vld [tilespmem:s24+$0x20A0]  }
0x106: {  	s12 =	simm.s32 $0x51F0;
	v6 =	vld [tilespmem:s24+$0x20B0]  }
0x107: {  	s13 =	simm.s32 $0x100;
	v8 =	vld [tilespmem:s12+$0xFFFFFF90]  }
0x108: {  	v9 =	vld [tilespmem:s13+$0x80]  }
0x109: {  	v7 =	vld [tilespmem:s24+$0x20C0]  }
0x10a: {  	v2 =	vld [tilespmem:s24+$0x20D0]  }
0x10b: {  	v11 =	vld [tilespmem:s13+$0xFFFFFF00]  }
0x10c: {  	v12 =	vld [tilespmem:s12+$0xFFFFFE10]  }
0x10d: {  	v1 =	vld [tilespmem:s24+$0x20E0]  }
0x10e: {  	v10 =	vld [tilespmem:s12+$0xFFFFFE90];
	v8 =	vadd.f32 v9, v8  }
0x10f: {  	v9 =	vld [tilespmem:s13+$0xFFFFFF80]  }
0x110: {  	v13 =	vld [tilespmem:s13+$0x0];
	v8 =	vadd.f32 v8, v3  }
0x111: {  	s30 =	simm.s32 $0xD1F0;
	v11 =	vadd.f32 v11, v12;
	v12 =	vld [tilespmem:s12+$0xFFFFFF10]  }
0x112: {  	v0 =	vld [tilespmem:s24+$0x20F0];
	[tilespmem:s30+$0xFFFFFF90] =	vst v8  }
0x113: {  	v8 =	vld [tilespmem:s12+$0xFFFFFFA0]  }
0x114: {  	v9 =	vadd.f32 v9, v10;
	v10 =	vld [tilespmem:s13+$0x90];
	_ =	sdelay $0x1  }
0x115: {  	v12 =	vadd.f32 v13, v12;
	v9 =	vadd.f32 v9, v3;
	_ =	sdelay $0x1  }
0x116: {  	v12 =	vadd.f32 v12, v3;
	[tilespmem:s30+$0xFFFFFE90] =	vst v9  }
0x117: {  	v9 =	vadd.f32 v11, v3;
	v11 =	vld [tilespmem:s12+$0xFFFFFEA0];
	v8 =	vadd.f32 v10, v8  }
0x118: {  	v10 =	vld [tilespmem:s13+$0xFFFFFF90]  }
0x119: {  	[tilespmem:s30+$0xFFFFFF10] =	vst v12;
	v8 =	vadd.f32 v8, v4  }
0x11a: {  	v12 =	vld [tilespmem:s12+$0xFFFFFF20]  }
0x11b: {  	v13 =	vld [tilespmem:s13+$0x10];
	[tilespmem:s30+$0xFFFFFFA0] =	vst v8  }
0x11c: {  	v8 =	vld [tilespmem:s12+$0xFFFFFFB0]  }
0x11d: {  	v10 =	vadd.f32 v10, v11;
	v11 =	vld [tilespmem:s13+$0xA0]  }
0x11e: {  	[tilespmem:s30+$0xFFFFFE10] =	vst v9  }
0x11f: {  	v9 =	vld [tilespmem:s12+$0xFFFFFE20];
	v10 =	vadd.f32 v10, v4  }
0x120: {  	v14 =	vld [tilespmem:s13+$0xFFFFFF10]  }
0x121: {  	v12 =	vadd.f32 v13, v12;
	[tilespmem:s30+$0xFFFFFEA0] =	vst v10  }
0x122: {  	v10 =	vld [tilespmem:s12+$0xFFFFFEB0];
	v8 =	vadd.f32 v11, v8  }
0x123: {  	v12 =	vadd.f32 v12, v4;
	v11 =	vld [tilespmem:s13+$0xFFFFFFA0]  }
0x124: {  	v8 =	vadd.f32 v8, v5  }
0x125: {  	v9 =	vadd.f32 v14, v9;
	[tilespmem:s30+$0xFFFFFF20] =	vst v12  }
0x126: {  	v12 =	vld [tilespmem:s12+$0xFFFFFF30];
	[tilespmem:s30+$0xFFFFFFB0] =	vst v8  }
0x127: {  	v9 =	vadd.f32 v9, v4;
	v8 =	vld [tilespmem:s12+$0xFFFFFFC0]  }
0x128: {  	v10 =	vadd.f32 v11, v10;
	v11 =	vld [tilespmem:s13+$0xB0]  }
0x129: {  	v13 =	vld [tilespmem:s13+$0x20];
	[tilespmem:s30+$0xFFFFFE20] =	vst v9  }
0x12a: {  	v9 =	vld [tilespmem:s12+$0xFFFFFE30];
	v10 =	vadd.f32 v10, v5  }
0x12b: {  	v14 =	vld [tilespmem:s13+$0xFFFFFF20]  }
0x12c: {  	[tilespmem:s30+$0xFFFFFEB0] =	vst v10  }
0x12d: {  	v10 =	vld [tilespmem:s12+$0xFFFFFEC0];
	v8 =	vadd.f32 v11, v8  }
0x12e: {  	v11 =	vld [tilespmem:s13+$0xFFFFFFB0]  }
0x12f: {  	v12 =	vadd.f32 v13, v12;
	v8 =	vadd.f32 v8, v6  }
0x130: {  	v9 =	vadd.f32 v14, v9  }
0x131: {  	v12 =	vadd.f32 v12, v5;
	[tilespmem:s30+$0xFFFFFFC0] =	vst v8  }
0x132: {  	v9 =	vadd.f32 v9, v5;
	v8 =	vld [tilespmem:s12+$0xFFFFFFD0]  }
0x133: {  	[tilespmem:s30+$0xFFFFFF30] =	vst v12;
	v10 =	vadd.f32 v11, v10;
	v11 =	vld [tilespmem:s13+$0xC0]  }
0x134: {  	v12 =	vld [tilespmem:s12+$0xFFFFFF40];
	[tilespmem:s30+$0xFFFFFE30] =	vst v9  }
0x135: {  	v9 =	vld [tilespmem:s12+$0xFFFFFE40];
	v10 =	vadd.f32 v10, v6  }
0x136: {  	v14 =	vld [tilespmem:s13+$0xFFFFFF30]  }
0x137: {  	v13 =	vld [tilespmem:s13+$0x30];
	[tilespmem:s30+$0xFFFFFEC0] =	vst v10  }
0x138: {  	v10 =	vld [tilespmem:s12+$0xFFFFFED0];
	v8 =	vadd.f32 v11, v8  }
0x139: {  	v11 =	vld [tilespmem:s13+$0xFFFFFFC0]  }
0x13a: {  	v8 =	vadd.f32 v8, v7  }
0x13b: {  	s2 =	simm.s32 $0x300;
	v9 =	vadd.f32 v14, v9  }
0x13c: {  	v15 =	vld [tilespmem:s2+$0x80];
	[tilespmem:s30+$0xFFFFFFD0] =	vst v8  }
0x13d: {  	v9 =	vadd.f32 v9, v6;
	v8 =	vld [tilespmem:s12+$0xFFFFFFE0]  }
0x13e: {  	v12 =	vadd.f32 v13, v12;
	v10 =	vadd.f32 v11, v10;
	v11 =	vld [tilespmem:s13+$0xD0]  }
0x13f: {  	v17 =	vld [tilespmem:s2+$0xFFFFFF00];
	[tilespmem:s30+$0xFFFFFE40] =	vst v9  }
0x140: {  	v12 =	vadd.f32 v12, v6;
	v9 =	vld [tilespmem:s12+$0xFFFFFE50]  }
0x141: {  	s0 =	simm.s32 $0x53F0;
	v14 =	vld [tilespmem:s13+$0xFFFFFF40]  }
0x142: {  	v18 =	vld [tilespmem:s0+$0xFFFFFE90];
	[tilespmem:s30+$0xFFFFFF40] =	vst v12  }
0x143: {  	v12 =	vld [tilespmem:s12+$0xFFFFFF50];
	v8 =	vadd.f32 v11, v8  }
0x144: {  	v13 =	vld [tilespmem:s13+$0x40]  }
0x145: {  	v19 =	vld [tilespmem:s2+$0xFFFFFF80];
	v8 =	vadd.f32 v8, v2  }
0x146: {  	v9 =	vadd.f32 v14, v9;
	v14 =	vld [tilespmem:s0+$0xFFFFFF90]  }
0x147: {  	v39 =	vld [tilespmem:s0+$0xFFFFFE10];
	[tilespmem:s30+$0xFFFFFFE0] =	vst v8  }
0x148: {  	v10 =	vadd.f32 v10, v7;
	v8 =	vld [tilespmem:s12+$0xFFFFFFF0]  }
0x149: {  	v12 =	vadd.f32 v13, v12;
	v9 =	vadd.f32 v9, v7;
	v16 =	vld [tilespmem:s13+$0xE0]  }
0x14a: {  	v20 =	vld [tilespmem:s2+$0x0];
	[tilespmem:s30+$0xFFFFFED0] =	vst v10  }
0x14b: {  	v12 =	vadd.f32 v12, v7;
	v10 =	vld [tilespmem:s12+$0xFFFFFEE0];
	[tilespmem:s30+$0xFFFFFE50] =	vst v9;
	v14 =	vadd.f32 v15, v14  }
0x14c: {  	v9 =	vld [tilespmem:s12+$0xFFFFFE60]  }
0x14d: {  	[tilespmem:s30+$0xFFFFFF50] =	vst v12;
	v12 =	vadd.f32 v17, v39;
	v15 =	vld [tilespmem:s0+$0xFFFFFF10];
	v14 =	vadd.f32 v14, v3  }
0x14e: {  	s31 =	simm.s32 $0xD3F0;
	v13 =	vld [tilespmem:s13+$0xFFFFFF50];
	v8 =	vadd.f32 v16, v8  }
0x14f: {  	v11 =	vld [tilespmem:s13+$0xFFFFFFD0];
	v12 =	vadd.f32 v12, v3;
	[tilespmem:s31+$0xFFFFFF90] =	vst v14  }
0x150: {  	v14 =	vadd.f32 v19, v18;
	v40 =	vld [tilespmem:s0+$0xFFFFFFA0];
	v8 =	vadd.f32 v8, v1  }
0x151: {  	[tilespmem:s31+$0xFFFFFE10] =	vst v12;
	v41 =	vld [tilespmem:s2+$0x90]  }
0x152: {  	v45 =	vld [tilespmem:s0+$0xFFFFFE20];
	[tilespmem:s30+$0xFFFFFFF0] =	vst v8;
	v8 =	vadd.f32 v14, v3;
	v14 =	vadd.f32 v20, v15  }
0x153: {  	v9 =	vadd.f32 v13, v9;
	v13 =	vld [tilespmem:s2+$0xFFFFFF10]  }
0x154: {  	v15 =	vld [tilespmem:s12+$0x0];
	[tilespmem:s31+$0xFFFFFE90] =	vst v8;
	v8 =	vadd.f32 v14, v3  }
0x155: {  	v43 =	vld [tilespmem:s0+$0xFFFFFEA0]  }
0x156: {  	v44 =	vld [tilespmem:s2+$0xFFFFFF90];
	[tilespmem:s31+$0xFFFFFF10] =	vst v8;
	v8 =	vadd.f32 v41, v40  }
0x157: {  	v10 =	vadd.f32 v11, v10;
	v42 =	vld [tilespmem:s13+$0xF0]  }
0x158: {  	v11 =	vadd.f32 v13, v45;
	v14 =	vld [tilespmem:s12+$0xFFFFFF60];
	v8 =	vadd.f32 v8, v4  }
0x159: {  	v10 =	vadd.f32 v10, v2;
	v12 =	vld [tilespmem:s0+$0xFFFFFF20]  }
0x15a: {  	v11 =	vadd.f32 v11, v4;
	v46 =	vld [tilespmem:s2+$0x10];
	[tilespmem:s31+$0xFFFFFFA0] =	vst v8  }
0x15b: {  	[tilespmem:s30+$0xFFFFFEE0] =	vst v10;
	v8 =	vadd.f32 v9, v2;
	v9 =	vadd.f32 v44, v43;
	v47 =	vld [tilespmem:s0+$0xFFFFFFB0]  }
0x15c: {  	[tilespmem:s31+$0xFFFFFE20] =	vst v11;
	v48 =	vld [tilespmem:s2+$0xA0]  }
0x15d: {  	v11 =	vld [tilespmem:s12+$0xFFFFFEF0];
	[tilespmem:s30+$0xFFFFFE60] =	vst v8;
	v8 =	vadd.f32 v9, v4  }
0x15e: {  	v50 =	vld [tilespmem:s0+$0xFFFFFE30]  }
0x15f: {  	v9 =	vld [tilespmem:s13+$0x50];
	[tilespmem:s31+$0xFFFFFEA0] =	vst v8  }
0x160: {  	v12 =	vadd.f32 v46, v12;
	v49 =	vld [tilespmem:s0+$0xFFFFFEB0]  }
0x161: {  	v10 =	vld [tilespmem:s2+$0xFFFFFFA0];
	v17 =	vadd.f32 v48, v47  }
0x162: {  	v13 =	vld [tilespmem:s12+$0xFFFFFE70];
	v12 =	vadd.f32 v12, v4  }
0x163: {  	v8 =	vld [tilespmem:s13+$0xFFFFFF60];
	v17 =	vadd.f32 v17, v5  }
0x164: {  	[tilespmem:s31+$0xFFFFFF20] =	vst v12;
	v12 =	vld [tilespmem:s2+$0xFFFFFF20]  }
0x165: {  	v9 =	vadd.f32 v9, v14;
	v14 =	vld [tilespmem:s0+$0xFFFFFF30];
	[tilespmem:s31+$0xFFFFFFB0] =	vst v17  }
0x166: {  	v10 =	vadd.f32 v10, v49;
	v17 =	vld [tilespmem:s0+$0xFFFFFFC0]  }
0x167: {  	v9 =	vadd.f32 v9, v2;
	v51 =	vld [tilespmem:s2+$0xB0]  }
0x168: {  	v52 =	vld [tilespmem:s2+$0x20];
	v8 =	vadd.f32 v8, v13;
	v10 =	vadd.f32 v10, v5  }
0x169: {  	[tilespmem:s30+$0xFFFFFF60] =	vst v9;
	v9 =	vadd.f32 v12, v50;
	v12 =	vld [tilespmem:s13+$0xFFFFFFE0]  }
0x16a: {  	v8 =	vadd.f32 v8, v1;
	[tilespmem:s31+$0xFFFFFEB0] =	vst v10;
	v10 =	vld [tilespmem:s12+$0xFFFFFF70]  }
0x16b: {  	v9 =	vadd.f32 v9, v5;
	v13 =	vld [tilespmem:s0+$0xFFFFFEC0]  }
0x16c: {  	[tilespmem:s30+$0xFFFFFE70] =	vst v8;
	v53 =	vld [tilespmem:s2+$0xFFFFFFB0];
	v17 =	vadd.f32 v51, v17  }
0x16d: {  	v55 =	vld [tilespmem:s12+$0xFFFFFE80];
	[tilespmem:s31+$0xFFFFFE30] =	vst v9  }
0x16e: {  	v14 =	vadd.f32 v52, v14;
	v54 =	vld [tilespmem:s0+$0xFFFFFE40];
	v17 =	vadd.f32 v17, v6  }
0x16f: {  	v8 =	vld [tilespmem:s2+$0xFFFFFF30]  }
0x170: {  	v14 =	vadd.f32 v14, v5;
	v9 =	vld [tilespmem:s13+$0x60];
	[tilespmem:s31+$0xFFFFFFC0] =	vst v17  }
0x171: {  	v13 =	vadd.f32 v53, v13;
	v56 =	vld [tilespmem:s0+$0xFFFFFFD0]  }
0x172: {  	[tilespmem:s31+$0xFFFFFF30] =	vst v14;
	v14 =	vld [tilespmem:s2+$0xC0]  }
0x173: {  	v11 =	vadd.f32 v12, v11;
	v57 =	vld [tilespmem:s2+$0x30];
	v12 =	vadd.f32 v13, v6  }
0x174: {  	v8 =	vadd.f32 v8, v54;
	v13 =	vld [tilespmem:s0+$0xFFFFFF40]  }
0x175: {  	v11 =	vadd.f32 v11, v1;
	[tilespmem:s31+$0xFFFFFEC0] =	vst v12;
	v12 =	vld [tilespmem:s13+$0xFFFFFF70]  }
0x176: {  	v8 =	vadd.f32 v8, v6;
	v58 =	vld [tilespmem:s0+$0xFFFFFED0]  }
0x177: {  	[tilespmem:s30+$0xFFFFFEF0] =	vst v11;
	v11 =	vld [tilespmem:s2+$0xFFFFFFC0];
	v14 =	vadd.f32 v14, v56  }
0x178: {  	[tilespmem:s31+$0xFFFFFE40] =	vst v8;
	v8 =	vld [tilespmem:s12+$0xFFFFFF00]  }
0x179: {  	v59 =	vld [tilespmem:s0+$0xFFFFFE50];
	v13 =	vadd.f32 v57, v13;
	v14 =	vadd.f32 v14, v7  }
0x17a: {  	v60 =	vld [tilespmem:s2+$0xFFFFFF40]  }
0x17b: {  	v9 =	vadd.f32 v9, v10;
	v10 =	vadd.f32 v13, v6;
	v13 =	vld [tilespmem:s13+$0xFFFFFFF0];
	[tilespmem:s31+$0xFFFFFFD0] =	vst v14  }
0x17c: {  	v11 =	vadd.f32 v11, v58;
	v14 =	vld [tilespmem:s0+$0xFFFFFFE0]  }
0x17d: {  	v15 =	vadd.f32 v42, v15;
	v9 =	vadd.f32 v9, v1;
	[tilespmem:s31+$0xFFFFFF40] =	vst v10;
	v10 =	vld [tilespmem:s2+$0xD0]  }
0x17e: {  	v12 =	vadd.f32 v12, v55;
	v11 =	vadd.f32 v11, v7;
	v61 =	vld [tilespmem:s0+$0xFFFFFF50]  }
0x17f: {  	[tilespmem:s30+$0xFFFFFF70] =	vst v9;
	v9 =	vadd.f32 v15, v0;
	v15 =	vadd.f32 v60, v59;
	v62 =	vld [tilespmem:s2+$0x40]  }
0x180: {  	v12 =	vadd.f32 v12, v0;
	[tilespmem:s31+$0xFFFFFED0] =	vst v11;
	v13 =	vadd.f32 v13, v8;
	v8 =	vld [tilespmem:s12+$0xFFFFFF80]  }
0x181: {  	[tilespmem:s30+$0x0] =	vst v9;
	v9 =	vadd.f32 v15, v7;
	v11 =	vld [tilespmem:s0+$0xFFFFFEE0]  }
0x182: {  	[tilespmem:s30+$0xFFFFFE80] =	vst v12;
	v12 =	vld [tilespmem:s2+$0xFFFFFFD0];
	v15 =	vadd.f32 v10, v14;
	v63 =	vadd.f32 v13, v0  }
0x183: {  	[tilespmem:s31+$0xFFFFFE50] =	vst v9;
	v9 =	vld [tilespmem:s13+$0x70]  }
0x184: {  	s3 =	simm.s32 $0x300;
	s12 =	simm.s32 $0x4;
	s13 =	simm.s32 $0x55F0;
	v10 =	vld [tilespmem:s0+$0xFFFFFE60];
	v14 =	vadd.f32 v62, v61;
	v13 =	vadd.f32 v15, v2;
	[tilespmem:s30+$0xFFFFFF00] =	vst v63  }
.LBB2_5:
0x185: {  	v15 =	vld [tilespmem:s13+$0xFFFFFF90];
	s2 =	sadd.s32 $0x200, s2  }
0x186: {  	v16 =	vld [tilespmem:s2+$0x80];
	v14 =	vadd.f32 v14, v7;
	[tilespmem:s31+$0xFFFFFFE0] =	vst v13  }
0x187: {  	v11 =	vadd.f32 v12, v11;
	v12 =	vld [tilespmem:s0+$0xFFFFFFF0]  }
0x188: {  	[tilespmem:s31+$0xFFFFFF50] =	vst v14;
	v13 =	vld [tilespmem:s3+$0xE0];
	v8 =	vadd.f32 v9, v8  }
0x189: {  	v9 =	vld [tilespmem:s2+$0xFFFFFF00];
	v11 =	vadd.f32 v11, v2  }
0x18a: {  	v14 =	vld [tilespmem:s13+$0xFFFFFE90];
	v8 =	vadd.f32 v8, v0  }
0x18b: {  	v17 =	vld [tilespmem:s2+$0xFFFFFF80];
	v15 =	vadd.f32 v16, v15;
	[tilespmem:s31+$0xFFFFFEE0] =	vst v11  }
0x18c: {  	v11 =	vld [tilespmem:s13+$0xFFFFFF10];
	[tilespmem:s30+$0xFFFFFF80] =	vst v8;
	s30 =	smov.u32 s31  }
0x18d: {  	s12 =	sadd.s32 $0x4, s12;
	v8 =	vld [tilespmem:s2+$0x0];
	v15 =	vadd.f32 v15, v3;
	v12 =	vadd.f32 v13, v12  }
0x18e: {  	p0 =	slt.u32 s12, $0x3C;
	s31 =	sadd.s32 $0x200, s31;
	v13 =	vld [tilespmem:s13+$0xFFFFFE10]  }
0x18f: {  	[tilespmem:s31+$0xFFFFFF90] =	vst v15;
	v15 =	vld [tilespmem:s3+$0xFFFFFF50];
	v12 =	vadd.f32 v12, v1  }
0x190: {  	v14 =	vadd.f32 v17, v14;
	v16 =	vld [tilespmem:s13+$0xFFFFFFA0]  }
0x191: {  	v17 =	vld [tilespmem:s2+$0x90];
	[tilespmem:s30+$0xFFFFFFF0] =	vst v12  }
0x192: {  	v12 =	vadd.f32 v14, v3;
	v8 =	vadd.f32 v8, v11;
	v11 =	vld [tilespmem:s0+$0x0]  }
0x193: {  	v9 =	vadd.f32 v9, v13;
	v13 =	vld [tilespmem:s3+$0xF0]  }
0x194: {  	[tilespmem:s31+$0xFFFFFE90] =	vst v12;
	v8 =	vadd.f32 v8, v3;
	v10 =	vadd.f32 v15, v10;
	v12 =	vld [tilespmem:s0+$0xFFFFFF60]  }
0x195: {  	v9 =	vadd.f32 v9, v3;
	v14 =	vld [tilespmem:s13+$0xFFFFFEA0]  }
0x196: {  	v15 =	vld [tilespmem:s2+$0xFFFFFF90];
	[tilespmem:s31+$0xFFFFFF10] =	vst v8;
	v8 =	vadd.f32 v17, v16;
	v10 =	vadd.f32 v10, v2  }
0x197: {  	[tilespmem:s31+$0xFFFFFE10] =	vst v9;
	v9 =	vld [tilespmem:s13+$0xFFFFFF20]  }
0x198: {  	v16 =	vld [tilespmem:s13+$0xFFFFFE20];
	v8 =	vadd.f32 v8, v4;
	[tilespmem:s30+$0xFFFFFE60] =	vst v10;
	v10 =	vadd.f32 v13, v11  }
0x199: {  	v11 =	vld [tilespmem:s2+$0xFFFFFF10]  }
0x19a: {  	v13 =	vld [tilespmem:s2+$0x10];
	[tilespmem:s31+$0xFFFFFFA0] =	vst v8;
	v8 =	vadd.f32 v10, v0  }
0x19b: {  	v10 =	vadd.f32 v15, v14;
	v14 =	vld [tilespmem:s13+$0xFFFFFFB0]  }
0x19c: {  	v15 =	vld [tilespmem:s2+$0xA0];
	[tilespmem:s30+$0x0] =	vst v8  }
0x19d: {  	v8 =	vadd.f32 v10, v4;
	v10 =	vld [tilespmem:s3+$0x50]  }
0x19e: {  	v11 =	vadd.f32 v11, v16;
	v16 =	vld [tilespmem:s0+$0xFFFFFE70]  }
0x19f: {  	[tilespmem:s31+$0xFFFFFEA0] =	vst v8;
	v8 =	vadd.f32 v13, v9;
	v9 =	vld [tilespmem:s3+$0xFFFFFF60]  }
0x1a0: {  	v11 =	vadd.f32 v11, v4;
	v13 =	vld [tilespmem:s13+$0xFFFFFEB0]  }
0x1a1: {  	v17 =	vld [tilespmem:s2+$0xFFFFFFA0];
	v8 =	vadd.f32 v8, v4;
	v14 =	vadd.f32 v15, v14  }
0x1a2: {  	[tilespmem:s31+$0xFFFFFE20] =	vst v11;
	v11 =	vld [tilespmem:s0+$0xFFFFFEF0];
	v10 =	vadd.f32 v10, v12  }
0x1a3: {  	v12 =	vld [tilespmem:s13+$0xFFFFFE30];
	[tilespmem:s31+$0xFFFFFF20] =	vst v8;
	v8 =	vadd.f32 v14, v5  }
0x1a4: {  	v14 =	vld [tilespmem:s2+$0xFFFFFF20];
	v9 =	vadd.f32 v9, v16;
	v10 =	vadd.f32 v10, v2  }
0x1a5: {  	v15 =	vld [tilespmem:s13+$0xFFFFFF30];
	[tilespmem:s31+$0xFFFFFFB0] =	vst v8  }
0x1a6: {  	v8 =	vadd.f32 v17, v13;
	v13 =	vld [tilespmem:s13+$0xFFFFFFC0];
	v9 =	vadd.f32 v9, v1;
	[tilespmem:s30+$0xFFFFFF60] =	vst v10  }
0x1a7: {  	v10 =	vld [tilespmem:s2+$0xB0]  }
0x1a8: {  	v8 =	vadd.f32 v8, v5;
	v16 =	vld [tilespmem:s2+$0x20];
	[tilespmem:s30+$0xFFFFFE70] =	vst v9  }
0x1a9: {  	v9 =	vadd.f32 v14, v12;
	v12 =	vld [tilespmem:s3+$0xFFFFFFE0]  }
0x1aa: {  	[tilespmem:s31+$0xFFFFFEB0] =	vst v8;
	v8 =	vld [tilespmem:s0+$0xFFFFFF70]  }
0x1ab: {  	v9 =	vadd.f32 v9, v5;
	v14 =	vld [tilespmem:s13+$0xFFFFFEC0]  }
0x1ac: {  	v17 =	vld [tilespmem:s2+$0xFFFFFFB0];
	v10 =	vadd.f32 v10, v13  }
0x1ad: {  	[tilespmem:s31+$0xFFFFFE30] =	vst v9;
	v9 =	vadd.f32 v16, v15;
	v13 =	vld [tilespmem:s3+$0x60]  }
0x1ae: {  	v15 =	vld [tilespmem:s13+$0xFFFFFE40];
	v10 =	vadd.f32 v10, v6;
	v11 =	vadd.f32 v12, v11  }
0x1af: {  	v12 =	vld [tilespmem:s2+$0xFFFFFF30];
	v9 =	vadd.f32 v9, v5  }
0x1b0: {  	[tilespmem:s31+$0xFFFFFFC0] =	vst v10;
	v10 =	vld [tilespmem:s0+$0xFFFFFE80];
	v11 =	vadd.f32 v11, v1  }
0x1b1: {  	v14 =	vadd.f32 v17, v14;
	[tilespmem:s31+$0xFFFFFF30] =	vst v9;
	v9 =	vld [tilespmem:s13+$0xFFFFFFD0]  }
0x1b2: {  	v16 =	vld [tilespmem:s2+$0xC0];
	[tilespmem:s30+$0xFFFFFEF0] =	vst v11;
	v8 =	vadd.f32 v13, v8  }
0x1b3: {  	v11 =	vadd.f32 v14, v6;
	v13 =	vld [tilespmem:s13+$0xFFFFFF40]  }
0x1b4: {  	v12 =	vadd.f32 v12, v15;
	v14 =	vld [tilespmem:s2+$0x30];
	v8 =	vadd.f32 v8, v1  }
0x1b5: {  	[tilespmem:s31+$0xFFFFFEC0] =	vst v11;
	v11 =	vld [tilespmem:s3+$0xFFFFFF70]  }
0x1b6: {  	v12 =	vadd.f32 v12, v6;
	v15 =	vld [tilespmem:s13+$0xFFFFFED0];
	[tilespmem:s30+$0xFFFFFF70] =	vst v8  }
0x1b7: {  	v8 =	vld [tilespmem:s2+$0xFFFFFFC0];
	v9 =	vadd.f32 v16, v9  }
0x1b8: {  	[tilespmem:s31+$0xFFFFFE40] =	vst v12;
	v12 =	vld [tilespmem:s0+$0xFFFFFF00]  }
0x1b9: {  	v16 =	vld [tilespmem:s13+$0xFFFFFE50];
	v13 =	vadd.f32 v14, v13;
	v9 =	vadd.f32 v9, v7  }
0x1ba: {  	v14 =	vld [tilespmem:s2+$0xFFFFFF40];
	v10 =	vadd.f32 v11, v10  }
0x1bb: {  	v11 =	vadd.f32 v13, v6;
	[tilespmem:s31+$0xFFFFFFD0] =	vst v9;
	v9 =	vld [tilespmem:s3+$0xFFFFFFF0]  }
0x1bc: {  	v8 =	vadd.f32 v8, v15;
	v13 =	vld [tilespmem:s13+$0xFFFFFFE0];
	v10 =	vadd.f32 v10, v0  }
0x1bd: {  	[tilespmem:s31+$0xFFFFFF40] =	vst v11;
	v15 =	vld [tilespmem:s2+$0xD0]  }
0x1be: {  	v8 =	vadd.f32 v8, v7;
	v17 =	vld [tilespmem:s13+$0xFFFFFF50];
	[tilespmem:s30+$0xFFFFFE80] =	vst v10  }
0x1bf: {  	v10 =	vadd.f32 v14, v16;
	v14 =	vld [tilespmem:s2+$0x40]  }
.Ltmp1:
0x1c0: {  	[tilespmem:s31+$0xFFFFFED0] =	vst v8;
	v9 =	vadd.f32 v9, v12;
	v8 =	vld [tilespmem:s0+$0xFFFFFF80];
	s0 =	smov.u32 s13;
	(pc) =	sbr.rel @p0 .LBB2_5-.Ltmp1, $4  }
0x1c1: {  	v10 =	vadd.f32 v10, v7;
	v11 =	vld [tilespmem:s13+$0xFFFFFEE0]  }
0x1c2: {  	v12 =	vld [tilespmem:s2+$0xFFFFFFD0];
	v13 =	vadd.f32 v15, v13;
	v15 =	vadd.f32 v9, v0  }
0x1c3: {  	[tilespmem:s31+$0xFFFFFE50] =	vst v10;
	v9 =	vld [tilespmem:s3+$0x70];
	s3 =	smov.u32 s2  }
0x1c4: {  	s13 =	sadd.s32 $0x200, s13;
	v10 =	vld [tilespmem:s0+$0xFFFFFE60];
	v14 =	vadd.f32 v14, v17;
	v13 =	vadd.f32 v13, v2;
	[tilespmem:s30+$0xFFFFFF00] =	vst v15  }
0x1c5: {  	_ = 	snop  }
0x1c6: {  	v4 =	vld [tilespmem:s3+$0xFFFFFF50];
	v3 =	vadd.f32 v14, v7;
	_ =	sdelay $0x1  }
0x1c7: {  	[tilespmem:s31+$0xFFFFFF50] =	vst v3  }
0x1c8: {  	v3 =	vld [tilespmem:s0+$0xFFFFFF60]  }
0x1c9: {  	v5 =	vld [tilespmem:s3+$0x50]  }
0x1ca: {  	v4 =	vadd.f32 v4, v10;
	_ =	sdelay $0x1  }
0x1cb: {  	[tilespmem:s31+$0xFFFFFFE0] =	vst v13;
	v6 =	vadd.f32 v12, v11;
	v4 =	vadd.f32 v4, v2  }
0x1cc: {  	v7 =	vld [tilespmem:s0+$0xFFFFFFF0]  }
0x1cd: {  	v6 =	vadd.f32 v6, v2;
	v10 =	vld [tilespmem:s3+$0xE0];
	[tilespmem:s31+$0xFFFFFE60] =	vst v4;
	v3 =	vadd.f32 v5, v3  }
0x1ce: {  	v4 =	vld [tilespmem:s0+$0xFFFFFE70]  }
0x1cf: {  	[tilespmem:s31+$0xFFFFFEE0] =	vst v6;
	v5 =	vld [tilespmem:s3+$0xFFFFFF60];
	v2 =	vadd.f32 v3, v2  }
0x1d0: {  	v3 =	vld [tilespmem:s0+$0xFFFFFEF0]  }
0x1d1: {  	[tilespmem:s31+$0xFFFFFF60] =	vst v2;
	v2 =	vld [tilespmem:s3+$0xFFFFFFE0]  }
0x1d2: {  	v6 =	vld [tilespmem:s0+$0xFFFFFF70]  }
0x1d3: {  	v11 =	vld [tilespmem:s3+$0x60]  }
0x1d4: {  	v7 =	vadd.f32 v10, v7;
	_ =	sdelay $0x1  }
0x1d5: {  	v7 =	vadd.f32 v7, v1;
	v4 =	vadd.f32 v5, v4  }
0x1d6: {  	v2 =	vadd.f32 v2, v3  }
0x1d7: {  	[tilespmem:s31+$0xFFFFFFF0] =	vst v7;
	v3 =	vadd.f32 v4, v1;
	v4 =	vadd.f32 v11, v6  }
0x1d8: {  	v5 =	vld [tilespmem:s0+$0x0];
	v2 =	vadd.f32 v2, v1  }
0x1d9: {  	p0 =	seq.s32 s22, $0x3F;
	v6 =	vld [tilespmem:s3+$0xF0];
	[tilespmem:s31+$0xFFFFFE70] =	vst v3;
	v1 =	vadd.f32 v4, v1  }
0x1da: {  	s2 =	sadd.s32 @!p0 $0x2, s23;
	v3 =	vld [tilespmem:s0+$0xFFFFFE80];
	[tilespmem:s31+$0xFFFFFEF0] =	vst v2  }
0x1db: {  	s12 =	sshrl.u32 @!p0 s2, $0x2;
	[tilespmem:s31+$0xFFFFFF70] =	vst v1;
	v1 =	vld [tilespmem:s0+$0xFFFFFF00]  }
0x1dc: {  	v2 =	vld [tilespmem:s0+$0xFFFFFF80];
	s0 =	sand.u32 @!p0 $0x3E, s12  }
0x1dd: {  	v4 =	vld [tilespmem:s3+$0xFFFFFF70];
	s12 =	sand.u32 @!p0 $0xE, s12;
	s0 =	sadd.s32 @!p0 s6, s0  }
0x1de: {  	v7 =	vld [tilespmem:s3+$0xFFFFFFF0];
	p3 =	sne.s32 @!p0 s12, $0x0;
	p2 =	seq.s32 @!p0 s0, $0x0  }
0x1df: {  	v10 =	vld [tilespmem:s3+$0x70];
	p2 =	por @!p0 !p3, !p2  }
0x1e0: {  	v8 =	vadd.f32 v9, v8;
	p2 =	por @!p0 !p2, !p2  }
0x1e1: {  	v5 =	vadd.f32 v6, v5;
	s3 =	simm.s32 @!p0 $0x1;
	p2 =	por !p2, p0  }
0x1e2: {  	v6 =	vadd.f32 v8, v0;
	v3 =	vadd.f32 v4, v3;
	s0 =	sshrl.u32 @!p0 s0, $0x4;
	s3 =	simm.s32 @p2 $0x0  }
0x1e3: {  	s2 =	sshll.u32 @!p0 s2, $0x17;
	v4 =	vadd.f32 v5, v0;
	v1 =	vadd.f32 v7, v1;
	s0 =	ssub.s32 @!p0 s0, s3  }
0x1e4: {  	s2 =	sand.u32 @!p0 $0x3000000, s2;
	[tilespmem:s30+$0xFFFFFF80] =	vst v6;
	v3 =	vadd.f32 v3, v0;
	v2 =	vadd.f32 v10, v2;
	s0 =	sshll.u32 @!p0 s0, $0x11  }
0x1e5: {  	[tilespmem:s31+$0x0] =	vst v4;
	v1 =	vadd.f32 v1, v0;
	s0 =	sadd.s32 @!p0 s2, s0;
	s2 =	sshll.u32 @!p0 s12, $0xD  }
0x1e6: {  	[tilespmem:s31+$0xFFFFFE80] =	vst v3;
	v0 =	vadd.f32 v2, v0;
	s0 =	sor.u32 @!p0 s2, s0  }
0x1e7: {  	[tilespmem:s31+$0xFFFFFF00] =	vst v1;
	s0 =	sshrl.u32 @!p0 s0, $0x3  }
0x1e8: {  	s3 =	simm.s32 @!p0 $0x3000;
	[tilespmem:s31+$0xFFFFFF80] =	vst v0;
	s2 =	simm.s32 @!p0 $0x0;
	s0 =	sadd.s32 @!p0 s1, s0  }
0x1e9: {  	[tilespmem:s3], [sflag:$0x1] =	stream.linear.gather @!p0 [hbm4b:s0+s2], $0x4000, $0x38;
	[tilespmem:$0x13000] =	vst v63  }
0x1ea: {  	s2 =	sshrl.u32 s29, $0x3  }
0x1eb: {  	s0 =	sadd.s32 s4, s2  }
0x1ec: {  	[hbm4b:s0+s5] =	stream.linear.scatter [tilespmem:s16], [sflag:$0x3], $0x4000, $0x38;
	[tilespmem:$0x13000] =	vst v63  }
0x1ed: {  	_ =	swait.ge [sflag:s17], $0x4000  }
0x1ee: {  	[sflag:s17] =	ssyncset.done $0x0  }
0x1ef: {  	s0 =	simm.s32 @!p1 $0x4;
	[sflag:s17] =	ssyncadd.s32 $0xFFFFC000  }
0x1f0: {  	_ =	swait.ge @!p1 [sflag:s0], $0x4000  }
0x1f1: {  	[sflag:s0] =	ssyncset.done @!p1 $0x0  }
0x1f2: {  	[sflag:s0] =	ssyncadd.s32 @!p1 $0xFFFFC000  }
0x1f3: {  	v3 =	vld [tilespmem:s24+$0x2000]  }
0x1f4: {  	v4 =	vld [tilespmem:s24+$0x2010]  }
0x1f5: {  	v5 =	vld [tilespmem:s24+$0x2020]  }
0x1f6: {  	s3 =	simm.s32 $0x7100;
	v6 =	vld [tilespmem:s24+$0x2030]  }
0x1f7: {  	s13 =	simm.s32 $0x100;
	v8 =	vld [tilespmem:s3+$0x80]  }
0x1f8: {  	v9 =	vld [tilespmem:s13+$0x80]  }
0x1f9: {  	v7 =	vld [tilespmem:s24+$0x2040]  }
0x1fa: {  	v2 =	vld [tilespmem:s24+$0x2050]  }
0x1fb: {  	v11 =	vld [tilespmem:s13+$0xFFFFFF00]  }
0x1fc: {  	v12 =	vld [tilespmem:s3+$0xFFFFFF00]  }
0x1fd: {  	v1 =	vld [tilespmem:s24+$0x2060]  }
0x1fe: {  	v10 =	vld [tilespmem:s3+$0xFFFFFF80];
	v8 =	vadd.f32 v9, v8  }
0x1ff: {  	v9 =	vld [tilespmem:s13+$0xFFFFFF80]  }
0x200: {  	v13 =	vld [tilespmem:s13+$0x0];
	v8 =	vadd.f32 v8, v3  }
0x201: {  	s29 =	simm.s32 $0xF100;
	v11 =	vadd.f32 v11, v12;
	v12 =	vld [tilespmem:s3+$0x0]  }
0x202: {  	v0 =	vld [tilespmem:s24+$0x2070];
	[tilespmem:s29+$0x80] =	vst v8  }
0x203: {  	v8 =	vld [tilespmem:s3+$0x90]  }
0x204: {  	v9 =	vadd.f32 v9, v10;
	v10 =	vld [tilespmem:s13+$0x90];
	_ =	sdelay $0x1  }
0x205: {  	v12 =	vadd.f32 v13, v12;
	v9 =	vadd.f32 v9, v3;
	_ =	sdelay $0x1  }
0x206: {  	v12 =	vadd.f32 v12, v3;
	[tilespmem:s29+$0xFFFFFF80] =	vst v9  }
0x207: {  	v9 =	vadd.f32 v11, v3;
	v11 =	vld [tilespmem:s3+$0xFFFFFF90];
	v8 =	vadd.f32 v10, v8  }
0x208: {  	v10 =	vld [tilespmem:s13+$0xFFFFFF90]  }
0x209: {  	[tilespmem:s29+$0x0] =	vst v12;
	v8 =	vadd.f32 v8, v4  }
0x20a: {  	v12 =	vld [tilespmem:s3+$0x10]  }
0x20b: {  	v13 =	vld [tilespmem:s13+$0x10];
	[tilespmem:s29+$0x90] =	vst v8  }
0x20c: {  	v8 =	vld [tilespmem:s3+$0xA0]  }
0x20d: {  	v10 =	vadd.f32 v10, v11;
	v11 =	vld [tilespmem:s13+$0xA0]  }
0x20e: {  	[tilespmem:s29+$0xFFFFFF00] =	vst v9  }
0x20f: {  	v9 =	vld [tilespmem:s3+$0xFFFFFF10];
	v10 =	vadd.f32 v10, v4  }
0x210: {  	v14 =	vld [tilespmem:s13+$0xFFFFFF10]  }
0x211: {  	v12 =	vadd.f32 v13, v12;
	[tilespmem:s29+$0xFFFFFF90] =	vst v10  }
0x212: {  	v10 =	vld [tilespmem:s3+$0xFFFFFFA0];
	v8 =	vadd.f32 v11, v8  }
0x213: {  	v12 =	vadd.f32 v12, v4;
	v11 =	vld [tilespmem:s13+$0xFFFFFFA0]  }
0x214: {  	v8 =	vadd.f32 v8, v5  }
0x215: {  	v9 =	vadd.f32 v14, v9;
	[tilespmem:s29+$0x10] =	vst v12  }
0x216: {  	v12 =	vld [tilespmem:s3+$0x20];
	[tilespmem:s29+$0xA0] =	vst v8  }
0x217: {  	v9 =	vadd.f32 v9, v4;
	v8 =	vld [tilespmem:s3+$0xB0]  }
0x218: {  	v10 =	vadd.f32 v11, v10;
	v11 =	vld [tilespmem:s13+$0xB0]  }
0x219: {  	v13 =	vld [tilespmem:s13+$0x20];
	[tilespmem:s29+$0xFFFFFF10] =	vst v9  }
0x21a: {  	v9 =	vld [tilespmem:s3+$0xFFFFFF20];
	v10 =	vadd.f32 v10, v5  }
0x21b: {  	v14 =	vld [tilespmem:s13+$0xFFFFFF20]  }
0x21c: {  	[tilespmem:s29+$0xFFFFFFA0] =	vst v10  }
0x21d: {  	v10 =	vld [tilespmem:s3+$0xFFFFFFB0];
	v8 =	vadd.f32 v11, v8  }
0x21e: {  	v11 =	vld [tilespmem:s13+$0xFFFFFFB0]  }
0x21f: {  	v12 =	vadd.f32 v13, v12;
	v8 =	vadd.f32 v8, v6  }
0x220: {  	v9 =	vadd.f32 v14, v9  }
0x221: {  	v12 =	vadd.f32 v12, v5;
	[tilespmem:s29+$0xB0] =	vst v8  }
0x222: {  	v9 =	vadd.f32 v9, v5;
	v8 =	vld [tilespmem:s3+$0xC0]  }
0x223: {  	[tilespmem:s29+$0x20] =	vst v12;
	v10 =	vadd.f32 v11, v10;
	v11 =	vld [tilespmem:s13+$0xC0]  }
0x224: {  	v12 =	vld [tilespmem:s3+$0x30];
	[tilespmem:s29+$0xFFFFFF20] =	vst v9  }
0x225: {  	v9 =	vld [tilespmem:s3+$0xFFFFFF30];
	v10 =	vadd.f32 v10, v6  }
0x226: {  	v14 =	vld [tilespmem:s13+$0xFFFFFF30]  }
0x227: {  	v13 =	vld [tilespmem:s13+$0x30];
	[tilespmem:s29+$0xFFFFFFB0] =	vst v10  }
0x228: {  	v10 =	vld [tilespmem:s3+$0xFFFFFFC0];
	v8 =	vadd.f32 v11, v8  }
0x229: {  	v11 =	vld [tilespmem:s13+$0xFFFFFFC0]  }
0x22a: {  	v8 =	vadd.f32 v8, v7  }
0x22b: {  	s2 =	simm.s32 $0x300;
	v9 =	vadd.f32 v14, v9  }
0x22c: {  	v15 =	vld [tilespmem:s2+$0x80];
	[tilespmem:s29+$0xC0] =	vst v8  }
0x22d: {  	v9 =	vadd.f32 v9, v6;
	v8 =	vld [tilespmem:s3+$0xD0]  }
0x22e: {  	v12 =	vadd.f32 v13, v12;
	v10 =	vadd.f32 v11, v10;
	v11 =	vld [tilespmem:s13+$0xD0]  }
0x22f: {  	v17 =	vld [tilespmem:s2+$0xFFFFFF00];
	[tilespmem:s29+$0xFFFFFF30] =	vst v9  }
0x230: {  	v12 =	vadd.f32 v12, v6;
	v9 =	vld [tilespmem:s3+$0xFFFFFF40]  }
0x231: {  	s30 =	simm.s32 $0x7300;
	v14 =	vld [tilespmem:s13+$0xFFFFFF40]  }
0x232: {  	v18 =	vld [tilespmem:s30+$0xFFFFFF80];
	[tilespmem:s29+$0x30] =	vst v12  }
0x233: {  	v12 =	vld [tilespmem:s3+$0x40];
	v8 =	vadd.f32 v11, v8  }
0x234: {  	v13 =	vld [tilespmem:s13+$0x40]  }
0x235: {  	v19 =	vld [tilespmem:s2+$0xFFFFFF80];
	v8 =	vadd.f32 v8, v2  }
0x236: {  	v9 =	vadd.f32 v14, v9;
	v14 =	vld [tilespmem:s30+$0x80]  }
0x237: {  	v39 =	vld [tilespmem:s30+$0xFFFFFF00];
	[tilespmem:s29+$0xD0] =	vst v8  }
0x238: {  	v10 =	vadd.f32 v10, v7;
	v8 =	vld [tilespmem:s3+$0xE0]  }
0x239: {  	v12 =	vadd.f32 v13, v12;
	v9 =	vadd.f32 v9, v7;
	v16 =	vld [tilespmem:s13+$0xE0]  }
0x23a: {  	v20 =	vld [tilespmem:s2+$0x0];
	[tilespmem:s29+$0xFFFFFFC0] =	vst v10  }
0x23b: {  	v12 =	vadd.f32 v12, v7;
	v10 =	vld [tilespmem:s3+$0xFFFFFFD0];
	[tilespmem:s29+$0xFFFFFF40] =	vst v9;
	v14 =	vadd.f32 v15, v14  }
0x23c: {  	v9 =	vld [tilespmem:s3+$0xFFFFFF50]  }
0x23d: {  	[tilespmem:s29+$0x40] =	vst v12;
	v12 =	vadd.f32 v17, v39;
	v15 =	vld [tilespmem:s30+$0x0];
	v14 =	vadd.f32 v14, v3  }
0x23e: {  	s0 =	simm.s32 $0xF300;
	v13 =	vld [tilespmem:s13+$0xFFFFFF50];
	v8 =	vadd.f32 v16, v8  }
0x23f: {  	v11 =	vld [tilespmem:s13+$0xFFFFFFD0];
	v12 =	vadd.f32 v12, v3;
	[tilespmem:s0+$0x80] =	vst v14  }
0x240: {  	v14 =	vadd.f32 v19, v18;
	v40 =	vld [tilespmem:s30+$0x90];
	v8 =	vadd.f32 v8, v1  }
0x241: {  	[tilespmem:s0+$0xFFFFFF00] =	vst v12;
	v41 =	vld [tilespmem:s2+$0x90]  }
0x242: {  	v45 =	vld [tilespmem:s30+$0xFFFFFF10];
	[tilespmem:s29+$0xE0] =	vst v8;
	v8 =	vadd.f32 v14, v3;
	v14 =	vadd.f32 v20, v15  }
0x243: {  	v9 =	vadd.f32 v13, v9;
	v13 =	vld [tilespmem:s2+$0xFFFFFF10]  }
0x244: {  	v15 =	vld [tilespmem:s3+$0xF0];
	[tilespmem:s0+$0xFFFFFF80] =	vst v8;
	v8 =	vadd.f32 v14, v3  }
0x245: {  	v43 =	vld [tilespmem:s30+$0xFFFFFF90]  }
0x246: {  	v44 =	vld [tilespmem:s2+$0xFFFFFF90];
	[tilespmem:s0+$0x0] =	vst v8;
	v8 =	vadd.f32 v41, v40  }
0x247: {  	v10 =	vadd.f32 v11, v10;
	v42 =	vld [tilespmem:s13+$0xF0]  }
0x248: {  	v11 =	vadd.f32 v13, v45;
	v14 =	vld [tilespmem:s3+$0x50];
	v8 =	vadd.f32 v8, v4  }
0x249: {  	v10 =	vadd.f32 v10, v2;
	v12 =	vld [tilespmem:s30+$0x10]  }
0x24a: {  	v11 =	vadd.f32 v11, v4;
	v46 =	vld [tilespmem:s2+$0x10];
	[tilespmem:s0+$0x90] =	vst v8  }
0x24b: {  	[tilespmem:s29+$0xFFFFFFD0] =	vst v10;
	v8 =	vadd.f32 v9, v2;
	v9 =	vadd.f32 v44, v43;
	v47 =	vld [tilespmem:s30+$0xA0]  }
0x24c: {  	[tilespmem:s0+$0xFFFFFF10] =	vst v11;
	v48 =	vld [tilespmem:s2+$0xA0]  }
0x24d: {  	v11 =	vld [tilespmem:s3+$0xFFFFFFE0];
	[tilespmem:s29+$0xFFFFFF50] =	vst v8;
	v8 =	vadd.f32 v9, v4  }
0x24e: {  	v50 =	vld [tilespmem:s30+$0xFFFFFF20]  }
0x24f: {  	v9 =	vld [tilespmem:s13+$0x50];
	[tilespmem:s0+$0xFFFFFF90] =	vst v8  }
0x250: {  	v12 =	vadd.f32 v46, v12;
	v49 =	vld [tilespmem:s30+$0xFFFFFFA0]  }
0x251: {  	v10 =	vld [tilespmem:s2+$0xFFFFFFA0];
	v17 =	vadd.f32 v48, v47  }
0x252: {  	v13 =	vld [tilespmem:s3+$0xFFFFFF60];
	v12 =	vadd.f32 v12, v4  }
0x253: {  	v8 =	vld [tilespmem:s13+$0xFFFFFF60];
	v17 =	vadd.f32 v17, v5  }
0x254: {  	[tilespmem:s0+$0x10] =	vst v12;
	v12 =	vld [tilespmem:s2+$0xFFFFFF20]  }
0x255: {  	v9 =	vadd.f32 v9, v14;
	v14 =	vld [tilespmem:s30+$0x20];
	[tilespmem:s0+$0xA0] =	vst v17  }
0x256: {  	v10 =	vadd.f32 v10, v49;
	v17 =	vld [tilespmem:s30+$0xB0]  }
0x257: {  	v9 =	vadd.f32 v9, v2;
	v51 =	vld [tilespmem:s2+$0xB0]  }
0x258: {  	v52 =	vld [tilespmem:s2+$0x20];
	v8 =	vadd.f32 v8, v13;
	v10 =	vadd.f32 v10, v5  }
0x259: {  	[tilespmem:s29+$0x50] =	vst v9;
	v9 =	vadd.f32 v12, v50;
	v12 =	vld [tilespmem:s13+$0xFFFFFFE0]  }
0x25a: {  	v8 =	vadd.f32 v8, v1;
	[tilespmem:s0+$0xFFFFFFA0] =	vst v10;
	v10 =	vld [tilespmem:s3+$0x60]  }
0x25b: {  	v9 =	vadd.f32 v9, v5;
	v13 =	vld [tilespmem:s30+$0xFFFFFFB0]  }
0x25c: {  	[tilespmem:s29+$0xFFFFFF60] =	vst v8;
	v53 =	vld [tilespmem:s2+$0xFFFFFFB0];
	v17 =	vadd.f32 v51, v17  }
0x25d: {  	v55 =	vld [tilespmem:s3+$0xFFFFFF70];
	[tilespmem:s0+$0xFFFFFF20] =	vst v9  }
0x25e: {  	v14 =	vadd.f32 v52, v14;
	v54 =	vld [tilespmem:s30+$0xFFFFFF30];
	v17 =	vadd.f32 v17, v6  }
0x25f: {  	v8 =	vld [tilespmem:s2+$0xFFFFFF30]  }
0x260: {  	v14 =	vadd.f32 v14, v5;
	v9 =	vld [tilespmem:s13+$0x60];
	v11 =	vadd.f32 v12, v11;
	[tilespmem:s0+$0xB0] =	vst v17  }
0x261: {  	v13 =	vadd.f32 v53, v13;
	v56 =	vld [tilespmem:s30+$0xC0]  }
0x262: {  	[tilespmem:s0+$0x20] =	vst v14;
	v11 =	vadd.f32 v11, v1;
	v14 =	vld [tilespmem:s2+$0xC0]  }
0x263: {  	v57 =	vld [tilespmem:s2+$0x30];
	v12 =	vadd.f32 v13, v6  }
0x264: {  	[tilespmem:s29+$0xFFFFFFE0] =	vst v11;
	v8 =	vadd.f32 v8, v54;
	v13 =	vld [tilespmem:s30+$0x30]  }
0x265: {  	v59 =	vld [tilespmem:s3+$0xFFFFFFF0];
	[tilespmem:s0+$0xFFFFFFB0] =	vst v12  }
0x266: {  	v8 =	vadd.f32 v8, v6;
	v58 =	vld [tilespmem:s30+$0xFFFFFFC0]  }
0x267: {  	v11 =	vld [tilespmem:s2+$0xFFFFFFC0];
	v14 =	vadd.f32 v14, v56  }
0x268: {  	v12 =	vld [tilespmem:s13+$0xFFFFFF70];
	[tilespmem:s0+$0xFFFFFF30] =	vst v8  }
0x269: {  	v8 =	vld [tilespmem:s30+$0xFFFFFF40];
	v13 =	vadd.f32 v57, v13;
	v14 =	vadd.f32 v14, v7  }
0x26a: {  	v60 =	vld [tilespmem:s2+$0xFFFFFF40]  }
0x26b: {  	v9 =	vadd.f32 v9, v10;
	v10 =	vadd.f32 v13, v6;
	v13 =	vld [tilespmem:s13+$0xFFFFFFF0];
	[tilespmem:s0+$0xC0] =	vst v14  }
0x26c: {  	v11 =	vadd.f32 v11, v58;
	v14 =	vld [tilespmem:s30+$0xD0]  }
0x26d: {  	v15 =	vadd.f32 v42, v15;
	v9 =	vadd.f32 v9, v1;
	[tilespmem:s0+$0x30] =	vst v10;
	v10 =	vld [tilespmem:s2+$0xD0]  }
0x26e: {  	v12 =	vadd.f32 v12, v55;
	v11 =	vadd.f32 v11, v7;
	v61 =	vld [tilespmem:s30+$0x40]  }
0x26f: {  	v15 =	vadd.f32 v15, v0;
	[tilespmem:s29+$0x60] =	vst v9;
	v9 =	vadd.f32 v60, v8;
	v62 =	vld [tilespmem:s2+$0x40]  }
0x270: {  	v8 =	vld [tilespmem:s3+$0x70];
	v12 =	vadd.f32 v12, v0;
	[tilespmem:s0+$0xFFFFFFC0] =	vst v11;
	v13 =	vadd.f32 v13, v59  }
0x271: {  	s31 =	sor.u32 s28, s26;
	[tilespmem:s29+$0xF0] =	vst v15;
	v9 =	vadd.f32 v9, v7;
	v11 =	vld [tilespmem:s30+$0xFFFFFFD0]  }
0x272: {  	s12 =	sadd.s32 s31, s25;
	[tilespmem:s29+$0xFFFFFF70] =	vst v12;
	v12 =	vld [tilespmem:s2+$0xFFFFFFD0];
	v15 =	vadd.f32 v10, v14;
	v63 =	vadd.f32 v13, v0  }
0x273: {  	s25 =	sadd.s32 $0x800000, s12;
	[tilespmem:s0+$0xFFFFFF40] =	vst v9;
	v10 =	vld [tilespmem:s13+$0x70]  }
0x274: {  	s12 =	simm.s32 $0x4;
	s3 =	simm.s32 $0x300;
	v9 =	vld [tilespmem:s30+$0xFFFFFF50];
	s13 =	simm.s32 $0x7500;
	v14 =	vadd.f32 v62, v61;
	v13 =	vadd.f32 v15, v2;
	[tilespmem:s29+$0xFFFFFFF0] =	vst v63  }
.LBB2_7:
0x275: {  	v15 =	vld [tilespmem:s13+$0x80];
	s2 =	sadd.s32 $0x200, s2  }
0x276: {  	v16 =	vld [tilespmem:s2+$0x80];
	v14 =	vadd.f32 v14, v7;
	[tilespmem:s0+$0xD0] =	vst v13  }
0x277: {  	v11 =	vadd.f32 v12, v11;
	v12 =	vld [tilespmem:s30+$0xE0]  }
0x278: {  	[tilespmem:s0+$0x40] =	vst v14;
	v13 =	vld [tilespmem:s3+$0xE0];
	v8 =	vadd.f32 v10, v8  }
0x279: {  	v10 =	vld [tilespmem:s2+$0xFFFFFF00];
	v11 =	vadd.f32 v11, v2  }
0x27a: {  	v14 =	vld [tilespmem:s13+$0xFFFFFF80];
	v8 =	vadd.f32 v8, v0  }
0x27b: {  	v17 =	vld [tilespmem:s2+$0xFFFFFF80];
	v15 =	vadd.f32 v16, v15;
	[tilespmem:s0+$0xFFFFFFD0] =	vst v11  }
0x27c: {  	v11 =	vld [tilespmem:s13+$0x0];
	[tilespmem:s29+$0x70] =	vst v8;
	s29 =	smov.u32 s0  }
0x27d: {  	s12 =	sadd.s32 $0x4, s12;
	v8 =	vld [tilespmem:s2+$0x0];
	v15 =	vadd.f32 v15, v3;
	v12 =	vadd.f32 v13, v12  }
0x27e: {  	p1 =	slt.u32 s12, $0x3C;
	s0 =	sadd.s32 $0x200, s0;
	v13 =	vld [tilespmem:s13+$0xFFFFFF00]  }
0x27f: {  	[tilespmem:s0+$0x80] =	vst v15;
	v15 =	vld [tilespmem:s3+$0xFFFFFF50];
	v12 =	vadd.f32 v12, v1  }
0x280: {  	v14 =	vadd.f32 v17, v14;
	v16 =	vld [tilespmem:s13+$0x90]  }
0x281: {  	v17 =	vld [tilespmem:s2+$0x90];
	[tilespmem:s29+$0xE0] =	vst v12  }
0x282: {  	v12 =	vadd.f32 v14, v3;
	v8 =	vadd.f32 v8, v11;
	v11 =	vld [tilespmem:s30+$0xF0]  }
0x283: {  	v10 =	vadd.f32 v10, v13;
	v13 =	vld [tilespmem:s3+$0xF0]  }
0x284: {  	[tilespmem:s0+$0xFFFFFF80] =	vst v12;
	v8 =	vadd.f32 v8, v3;
	v9 =	vadd.f32 v15, v9;
	v12 =	vld [tilespmem:s30+$0x50]  }
0x285: {  	v10 =	vadd.f32 v10, v3;
	v14 =	vld [tilespmem:s13+$0xFFFFFF90]  }
0x286: {  	v15 =	vld [tilespmem:s2+$0xFFFFFF90];
	[tilespmem:s0+$0x0] =	vst v8;
	v8 =	vadd.f32 v17, v16;
	v9 =	vadd.f32 v9, v2  }
0x287: {  	[tilespmem:s0+$0xFFFFFF00] =	vst v10;
	v10 =	vld [tilespmem:s13+$0x10]  }
0x288: {  	v16 =	vld [tilespmem:s13+$0xFFFFFF10];
	v8 =	vadd.f32 v8, v4;
	[tilespmem:s29+$0xFFFFFF50] =	vst v9;
	v9 =	vadd.f32 v13, v11  }
0x289: {  	v11 =	vld [tilespmem:s2+$0xFFFFFF10]  }
0x28a: {  	v13 =	vld [tilespmem:s2+$0x10];
	[tilespmem:s0+$0x90] =	vst v8;
	v8 =	vadd.f32 v9, v0  }
0x28b: {  	v9 =	vadd.f32 v15, v14;
	v14 =	vld [tilespmem:s13+$0xA0]  }
0x28c: {  	v15 =	vld [tilespmem:s2+$0xA0];
	[tilespmem:s29+$0xF0] =	vst v8  }
0x28d: {  	v8 =	vadd.f32 v9, v4;
	v9 =	vld [tilespmem:s3+$0x50]  }
0x28e: {  	v11 =	vadd.f32 v11, v16;
	v16 =	vld [tilespmem:s30+$0xFFFFFF60]  }
0x28f: {  	[tilespmem:s0+$0xFFFFFF90] =	vst v8;
	v8 =	vadd.f32 v13, v10;
	v10 =	vld [tilespmem:s3+$0xFFFFFF60]  }
0x290: {  	v11 =	vadd.f32 v11, v4;
	v13 =	vld [tilespmem:s13+$0xFFFFFFA0]  }
0x291: {  	v17 =	vld [tilespmem:s2+$0xFFFFFFA0];
	v8 =	vadd.f32 v8, v4;
	v14 =	vadd.f32 v15, v14  }
0x292: {  	[tilespmem:s0+$0xFFFFFF10] =	vst v11;
	v11 =	vld [tilespmem:s30+$0xFFFFFFE0];
	v9 =	vadd.f32 v9, v12  }
0x293: {  	v12 =	vld [tilespmem:s13+$0xFFFFFF20];
	[tilespmem:s0+$0x10] =	vst v8;
	v8 =	vadd.f32 v14, v5  }
0x294: {  	v14 =	vld [tilespmem:s2+$0xFFFFFF20];
	v10 =	vadd.f32 v10, v16;
	v9 =	vadd.f32 v9, v2  }
0x295: {  	v15 =	vld [tilespmem:s13+$0x20];
	[tilespmem:s0+$0xA0] =	vst v8  }
0x296: {  	v8 =	vadd.f32 v17, v13;
	v13 =	vld [tilespmem:s13+$0xB0];
	v10 =	vadd.f32 v10, v1;
	[tilespmem:s29+$0x50] =	vst v9  }
0x297: {  	v9 =	vld [tilespmem:s2+$0xB0]  }
0x298: {  	v8 =	vadd.f32 v8, v5;
	v16 =	vld [tilespmem:s2+$0x20];
	[tilespmem:s29+$0xFFFFFF60] =	vst v10  }
0x299: {  	v10 =	vadd.f32 v14, v12;
	v12 =	vld [tilespmem:s3+$0xFFFFFFE0]  }
0x29a: {  	[tilespmem:s0+$0xFFFFFFA0] =	vst v8;
	v8 =	vld [tilespmem:s30+$0x60]  }
0x29b: {  	v10 =	vadd.f32 v10, v5;
	v14 =	vld [tilespmem:s13+$0xFFFFFFB0]  }
0x29c: {  	v17 =	vld [tilespmem:s2+$0xFFFFFFB0];
	v9 =	vadd.f32 v9, v13  }
0x29d: {  	[tilespmem:s0+$0xFFFFFF20] =	vst v10;
	v10 =	vadd.f32 v16, v15;
	v13 =	vld [tilespmem:s3+$0x60]  }
0x29e: {  	v15 =	vld [tilespmem:s13+$0xFFFFFF30];
	v9 =	vadd.f32 v9, v6;
	v11 =	vadd.f32 v12, v11  }
0x29f: {  	v12 =	vld [tilespmem:s2+$0xFFFFFF30];
	v10 =	vadd.f32 v10, v5  }
0x2a0: {  	[tilespmem:s0+$0xB0] =	vst v9;
	v9 =	vld [tilespmem:s30+$0xFFFFFF70];
	v11 =	vadd.f32 v11, v1  }
0x2a1: {  	v14 =	vadd.f32 v17, v14;
	[tilespmem:s0+$0x20] =	vst v10;
	v10 =	vld [tilespmem:s13+$0xC0]  }
0x2a2: {  	v16 =	vld [tilespmem:s2+$0xC0];
	[tilespmem:s29+$0xFFFFFFE0] =	vst v11;
	v8 =	vadd.f32 v13, v8  }
0x2a3: {  	v11 =	vadd.f32 v14, v6;
	v13 =	vld [tilespmem:s13+$0x30]  }
0x2a4: {  	v12 =	vadd.f32 v12, v15;
	v14 =	vld [tilespmem:s2+$0x30];
	v8 =	vadd.f32 v8, v1  }
0x2a5: {  	[tilespmem:s0+$0xFFFFFFB0] =	vst v11;
	v11 =	vld [tilespmem:s3+$0xFFFFFF70]  }
0x2a6: {  	v12 =	vadd.f32 v12, v6;
	v15 =	vld [tilespmem:s13+$0xFFFFFFC0];
	[tilespmem:s29+$0x60] =	vst v8  }
0x2a7: {  	v8 =	vld [tilespmem:s2+$0xFFFFFFC0];
	v10 =	vadd.f32 v16, v10  }
0x2a8: {  	[tilespmem:s0+$0xFFFFFF30] =	vst v12;
	v12 =	vld [tilespmem:s30+$0xFFFFFFF0]  }
0x2a9: {  	v16 =	vld [tilespmem:s13+$0xFFFFFF40];
	v13 =	vadd.f32 v14, v13;
	v10 =	vadd.f32 v10, v7  }
0x2aa: {  	v14 =	vld [tilespmem:s2+$0xFFFFFF40];
	v9 =	vadd.f32 v11, v9  }
0x2ab: {  	v11 =	vadd.f32 v13, v6;
	[tilespmem:s0+$0xC0] =	vst v10;
	v10 =	vld [tilespmem:s3+$0xFFFFFFF0]  }
0x2ac: {  	v8 =	vadd.f32 v8, v15;
	v13 =	vld [tilespmem:s13+$0xD0];
	v9 =	vadd.f32 v9, v0  }
0x2ad: {  	[tilespmem:s0+$0x30] =	vst v11;
	v15 =	vld [tilespmem:s2+$0xD0]  }
0x2ae: {  	v8 =	vadd.f32 v8, v7;
	v17 =	vld [tilespmem:s13+$0x40];
	[tilespmem:s29+$0xFFFFFF70] =	vst v9  }
0x2af: {  	v9 =	vadd.f32 v14, v16;
	v14 =	vld [tilespmem:s2+$0x40]  }
.Ltmp2:
0x2b0: {  	[tilespmem:s0+$0xFFFFFFC0] =	vst v8;
	v10 =	vadd.f32 v10, v12;
	v8 =	vld [tilespmem:s30+$0x70];
	s30 =	smov.u32 s13;
	(pc) =	sbr.rel @p1 .LBB2_7-.Ltmp2, $4  }
0x2b1: {  	v9 =	vadd.f32 v9, v7;
	v11 =	vld [tilespmem:s13+$0xFFFFFFD0]  }
0x2b2: {  	v12 =	vld [tilespmem:s2+$0xFFFFFFD0];
	v13 =	vadd.f32 v15, v13;
	v15 =	vadd.f32 v10, v0  }
0x2b3: {  	[tilespmem:s0+$0xFFFFFF40] =	vst v9;
	v10 =	vld [tilespmem:s3+$0x70];
	s3 =	smov.u32 s2  }
0x2b4: {  	s13 =	sadd.s32 $0x200, s13;
	v9 =	vld [tilespmem:s30+$0xFFFFFF50];
	v14 =	vadd.f32 v14, v17;
	v13 =	vadd.f32 v13, v2;
	[tilespmem:s29+$0xFFFFFFF0] =	vst v15  }
0x2b5: {  	_ = 	snop  }
0x2b6: {  	v4 =	vld [tilespmem:s3+$0xFFFFFF50];
	v3 =	vadd.f32 v14, v7;
	_ =	sdelay $0x1  }
0x2b7: {  	[tilespmem:s0+$0x40] =	vst v3  }
0x2b8: {  	v3 =	vld [tilespmem:s30+$0x50]  }
0x2b9: {  	v5 =	vld [tilespmem:s3+$0x50]  }
0x2ba: {  	v4 =	vadd.f32 v4, v9;
	_ =	sdelay $0x1  }
0x2bb: {  	[tilespmem:s0+$0xD0] =	vst v13;
	v6 =	vadd.f32 v12, v11;
	v4 =	vadd.f32 v4, v2  }
0x2bc: {  	v7 =	vld [tilespmem:s30+$0xE0]  }
0x2bd: {  	v6 =	vadd.f32 v6, v2;
	v9 =	vld [tilespmem:s3+$0xE0];
	[tilespmem:s0+$0xFFFFFF50] =	vst v4;
	v3 =	vadd.f32 v5, v3  }
0x2be: {  	v4 =	vld [tilespmem:s30+$0xFFFFFF60]  }
0x2bf: {  	[tilespmem:s0+$0xFFFFFFD0] =	vst v6;
	v5 =	vld [tilespmem:s3+$0xFFFFFF60];
	v2 =	vadd.f32 v3, v2  }
0x2c0: {  	v3 =	vld [tilespmem:s30+$0xFFFFFFE0]  }
0x2c1: {  	[tilespmem:s0+$0x50] =	vst v2;
	v2 =	vld [tilespmem:s3+$0xFFFFFFE0]  }
0x2c2: {  	v6 =	vadd.f32 v9, v7;
	v7 =	vld [tilespmem:s30+$0x60]  }
0x2c3: {  	v9 =	vld [tilespmem:s3+$0x60]  }
0x2c4: {  	v6 =	vadd.f32 v6, v1;
	v4 =	vadd.f32 v5, v4;
	_ =	sdelay $0x1  }
0x2c5: {  	[tilespmem:s0+$0xE0] =	vst v6;
	v4 =	vadd.f32 v4, v1;
	v2 =	vadd.f32 v2, v3  }
0x2c6: {  	v5 =	vld [tilespmem:s3+$0xF0]  }
0x2c7: {  	v3 =	vld [tilespmem:s30+$0xF0];
	[tilespmem:s0+$0xFFFFFF60] =	vst v4;
	v4 =	vadd.f32 v9, v7;
	v2 =	vadd.f32 v2, v1  }
0x2c8: {  	v6 =	vld [tilespmem:s30+$0xFFFFFF70]  }
0x2c9: {  	v1 =	vadd.f32 v4, v1;
	[tilespmem:s0+$0xFFFFFFE0] =	vst v2;
	v2 =	vld [tilespmem:s3+$0xFFFFFF70]  }
0x2ca: {  	v4 =	vld [tilespmem:s30+$0xFFFFFFF0]  }
0x2cb: {  	[tilespmem:s0+$0x60] =	vst v1;
	v1 =	vld [tilespmem:s3+$0xFFFFFFF0]  }
0x2cc: {  	v7 =	vld [tilespmem:s30+$0x70]  }
0x2cd: {  	v9 =	vld [tilespmem:s3+$0x70]  }
0x2ce: {  	v8 =	vadd.f32 v10, v8  }
0x2cf: {  	v3 =	vadd.f32 v5, v3  }
0x2d0: {  	v5 =	vadd.f32 v8, v0;
	v2 =	vadd.f32 v2, v6  }
0x2d1: {  	v3 =	vadd.f32 v3, v0;
	v1 =	vadd.f32 v1, v4  }
0x2d2: {  	[tilespmem:s29+$0x70] =	vst v5;
	v2 =	vadd.f32 v2, v0;
	v4 =	vadd.f32 v9, v7  }
0x2d3: {  	[tilespmem:s0+$0xF0] =	vst v3;
	v1 =	vadd.f32 v1, v0  }
0x2d4: {  	[tilespmem:s0+$0xFFFFFF70] =	vst v2;
	v0 =	vadd.f32 v4, v0  }
0x2d5: {  	[tilespmem:s0+$0xFFFFFFF0] =	vst v1  }
0x2d6: {  	[tilespmem:s0+$0x70] =	vst v0  }
0x2d7: {  	v3 =	vld [tilespmem:s24+$0x2080]  }
0x2d8: {  	v4 =	vld [tilespmem:s24+$0x2090]  }
0x2d9: {  	v5 =	vld [tilespmem:s24+$0x20A0]  }
0x2da: {  	s12 =	simm.s32 $0x91F0;
	v6 =	vld [tilespmem:s24+$0x20B0]  }
0x2db: {  	s31 =	simm.s32 $0x100;
	v8 =	vld [tilespmem:s12+$0xFFFFFF90]  }
0x2dc: {  	v9 =	vld [tilespmem:s31+$0x80]  }
0x2dd: {  	v7 =	vld [tilespmem:s24+$0x20C0]  }
0x2de: {  	v2 =	vld [tilespmem:s24+$0x20D0]  }
0x2df: {  	v1 =	vld [tilespmem:s24+$0x20E0]  }
0x2e0: {  	v11 =	vld [tilespmem:s31+$0xFFFFFF00]  }
0x2e1: {  	v12 =	vld [tilespmem:s12+$0xFFFFFE10]  }
0x2e2: {  	v0 =	vld [tilespmem:s24+$0x20F0]  }
0x2e3: {  	v10 =	vld [tilespmem:s12+$0xFFFFFE90];
	v8 =	vadd.f32 v9, v8  }
0x2e4: {  	v9 =	vld [tilespmem:s31+$0xFFFFFF80]  }
0x2e5: {  	v13 =	vld [tilespmem:s31+$0x0];
	v8 =	vadd.f32 v8, v3  }
0x2e6: {  	s24 =	simm.s32 $0x111F0;
	v11 =	vadd.f32 v11, v12;
	v12 =	vld [tilespmem:s12+$0xFFFFFF10]  }
0x2e7: {  	[tilespmem:s24+$0xFFFFFF90] =	vst v8  }
0x2e8: {  	v8 =	vld [tilespmem:s12+$0xFFFFFFA0]  }
0x2e9: {  	v9 =	vadd.f32 v9, v10;
	v10 =	vld [tilespmem:s31+$0x90];
	_ =	sdelay $0x1  }
0x2ea: {  	v12 =	vadd.f32 v13, v12;
	v9 =	vadd.f32 v9, v3;
	_ =	sdelay $0x1  }
0x2eb: {  	v12 =	vadd.f32 v12, v3;
	[tilespmem:s24+$0xFFFFFE90] =	vst v9  }
0x2ec: {  	v9 =	vadd.f32 v11, v3;
	v11 =	vld [tilespmem:s12+$0xFFFFFEA0];
	v8 =	vadd.f32 v10, v8  }
0x2ed: {  	v10 =	vld [tilespmem:s31+$0xFFFFFF90]  }
0x2ee: {  	[tilespmem:s24+$0xFFFFFF10] =	vst v12;
	v8 =	vadd.f32 v8, v4  }
0x2ef: {  	v12 =	vld [tilespmem:s12+$0xFFFFFF20]  }
0x2f0: {  	v13 =	vld [tilespmem:s31+$0x10];
	[tilespmem:s24+$0xFFFFFFA0] =	vst v8  }
0x2f1: {  	v8 =	vld [tilespmem:s12+$0xFFFFFFB0]  }
0x2f2: {  	v10 =	vadd.f32 v10, v11;
	v11 =	vld [tilespmem:s31+$0xA0]  }
0x2f3: {  	[tilespmem:s24+$0xFFFFFE10] =	vst v9  }
0x2f4: {  	v9 =	vld [tilespmem:s12+$0xFFFFFE20];
	v10 =	vadd.f32 v10, v4  }
0x2f5: {  	v14 =	vld [tilespmem:s31+$0xFFFFFF10]  }
0x2f6: {  	v12 =	vadd.f32 v13, v12;
	[tilespmem:s24+$0xFFFFFEA0] =	vst v10  }
0x2f7: {  	v10 =	vld [tilespmem:s12+$0xFFFFFEB0];
	v8 =	vadd.f32 v11, v8  }
0x2f8: {  	v12 =	vadd.f32 v12, v4;
	v11 =	vld [tilespmem:s31+$0xFFFFFFA0]  }
0x2f9: {  	v8 =	vadd.f32 v8, v5  }
0x2fa: {  	v9 =	vadd.f32 v14, v9;
	[tilespmem:s24+$0xFFFFFF20] =	vst v12  }
0x2fb: {  	v12 =	vld [tilespmem:s12+$0xFFFFFF30];
	[tilespmem:s24+$0xFFFFFFB0] =	vst v8  }
0x2fc: {  	v9 =	vadd.f32 v9, v4;
	v8 =	vld [tilespmem:s12+$0xFFFFFFC0]  }
0x2fd: {  	v10 =	vadd.f32 v11, v10;
	v11 =	vld [tilespmem:s31+$0xB0]  }
0x2fe: {  	v13 =	vld [tilespmem:s31+$0x20];
	[tilespmem:s24+$0xFFFFFE20] =	vst v9  }
0x2ff: {  	v9 =	vld [tilespmem:s12+$0xFFFFFE30];
	v10 =	vadd.f32 v10, v5  }
0x300: {  	v14 =	vld [tilespmem:s31+$0xFFFFFF20]  }
0x301: {  	[tilespmem:s24+$0xFFFFFEB0] =	vst v10  }
0x302: {  	v10 =	vld [tilespmem:s12+$0xFFFFFEC0];
	v8 =	vadd.f32 v11, v8  }
0x303: {  	v11 =	vld [tilespmem:s31+$0xFFFFFFB0]  }
0x304: {  	v12 =	vadd.f32 v13, v12;
	v8 =	vadd.f32 v8, v6  }
0x305: {  	v9 =	vadd.f32 v14, v9  }
0x306: {  	v12 =	vadd.f32 v12, v5;
	[tilespmem:s24+$0xFFFFFFC0] =	vst v8  }
0x307: {  	v9 =	vadd.f32 v9, v5;
	v8 =	vld [tilespmem:s12+$0xFFFFFFD0]  }
0x308: {  	[tilespmem:s24+$0xFFFFFF30] =	vst v12;
	v10 =	vadd.f32 v11, v10;
	v11 =	vld [tilespmem:s31+$0xC0]  }
0x309: {  	v12 =	vld [tilespmem:s12+$0xFFFFFF40];
	[tilespmem:s24+$0xFFFFFE30] =	vst v9  }
0x30a: {  	v9 =	vld [tilespmem:s12+$0xFFFFFE40];
	v10 =	vadd.f32 v10, v6  }
0x30b: {  	v14 =	vld [tilespmem:s31+$0xFFFFFF30]  }
0x30c: {  	v13 =	vld [tilespmem:s31+$0x30];
	[tilespmem:s24+$0xFFFFFEC0] =	vst v10  }
0x30d: {  	v10 =	vld [tilespmem:s12+$0xFFFFFED0];
	v8 =	vadd.f32 v11, v8  }
0x30e: {  	v11 =	vld [tilespmem:s31+$0xFFFFFFC0]  }
0x30f: {  	v8 =	vadd.f32 v8, v7  }
0x310: {  	s2 =	simm.s32 $0x300;
	v9 =	vadd.f32 v14, v9  }
0x311: {  	v15 =	vld [tilespmem:s2+$0x80];
	[tilespmem:s24+$0xFFFFFFD0] =	vst v8  }
0x312: {  	v9 =	vadd.f32 v9, v6;
	v8 =	vld [tilespmem:s12+$0xFFFFFFE0]  }
0x313: {  	v12 =	vadd.f32 v13, v12;
	v10 =	vadd.f32 v11, v10;
	v11 =	vld [tilespmem:s31+$0xD0]  }
0x314: {  	v17 =	vld [tilespmem:s2+$0xFFFFFF00];
	[tilespmem:s24+$0xFFFFFE40] =	vst v9  }
0x315: {  	v12 =	vadd.f32 v12, v6;
	v9 =	vld [tilespmem:s12+$0xFFFFFE50]  }
0x316: {  	s0 =	simm.s32 $0x93F0;
	v14 =	vld [tilespmem:s31+$0xFFFFFF40]  }
0x317: {  	v18 =	vld [tilespmem:s0+$0xFFFFFE90];
	[tilespmem:s24+$0xFFFFFF40] =	vst v12  }
0x318: {  	v12 =	vld [tilespmem:s12+$0xFFFFFF50];
	v8 =	vadd.f32 v11, v8  }
0x319: {  	v13 =	vld [tilespmem:s31+$0x40]  }
0x31a: {  	v19 =	vld [tilespmem:s2+$0xFFFFFF80];
	v8 =	vadd.f32 v8, v2  }
0x31b: {  	v9 =	vadd.f32 v14, v9;
	v14 =	vld [tilespmem:s0+$0xFFFFFF90]  }
0x31c: {  	v39 =	vld [tilespmem:s0+$0xFFFFFE10];
	[tilespmem:s24+$0xFFFFFFE0] =	vst v8  }
0x31d: {  	v10 =	vadd.f32 v10, v7;
	v8 =	vld [tilespmem:s12+$0xFFFFFFF0]  }
0x31e: {  	v12 =	vadd.f32 v13, v12;
	v9 =	vadd.f32 v9, v7;
	v16 =	vld [tilespmem:s31+$0xE0]  }
0x31f: {  	v20 =	vld [tilespmem:s2+$0x0];
	[tilespmem:s24+$0xFFFFFED0] =	vst v10  }
0x320: {  	v12 =	vadd.f32 v12, v7;
	v10 =	vld [tilespmem:s12+$0xFFFFFEE0];
	[tilespmem:s24+$0xFFFFFE50] =	vst v9;
	v14 =	vadd.f32 v15, v14  }
0x321: {  	v9 =	vld [tilespmem:s12+$0xFFFFFE60]  }
0x322: {  	[tilespmem:s24+$0xFFFFFF50] =	vst v12;
	v12 =	vadd.f32 v17, v39;
	v15 =	vld [tilespmem:s0+$0xFFFFFF10];
	v14 =	vadd.f32 v14, v3  }
0x323: {  	s26 =	simm.s32 $0x113F0;
	v13 =	vld [tilespmem:s31+$0xFFFFFF50];
	v8 =	vadd.f32 v16, v8  }
0x324: {  	v11 =	vld [tilespmem:s31+$0xFFFFFFD0];
	v12 =	vadd.f32 v12, v3;
	[tilespmem:s26+$0xFFFFFF90] =	vst v14  }
0x325: {  	v14 =	vadd.f32 v19, v18;
	v40 =	vld [tilespmem:s0+$0xFFFFFFA0];
	v8 =	vadd.f32 v8, v1  }
0x326: {  	[tilespmem:s26+$0xFFFFFE10] =	vst v12;
	v41 =	vld [tilespmem:s2+$0x90]  }
0x327: {  	v45 =	vld [tilespmem:s0+$0xFFFFFE20];
	[tilespmem:s24+$0xFFFFFFF0] =	vst v8;
	v8 =	vadd.f32 v14, v3;
	v14 =	vadd.f32 v20, v15  }
0x328: {  	v9 =	vadd.f32 v13, v9;
	v13 =	vld [tilespmem:s2+$0xFFFFFF10]  }
0x329: {  	v15 =	vld [tilespmem:s12+$0x0];
	[tilespmem:s26+$0xFFFFFE90] =	vst v8;
	v8 =	vadd.f32 v14, v3  }
0x32a: {  	v43 =	vld [tilespmem:s0+$0xFFFFFEA0]  }
0x32b: {  	v44 =	vld [tilespmem:s2+$0xFFFFFF90];
	[tilespmem:s26+$0xFFFFFF10] =	vst v8;
	v8 =	vadd.f32 v41, v40  }
0x32c: {  	v10 =	vadd.f32 v11, v10;
	v42 =	vld [tilespmem:s31+$0xF0]  }
0x32d: {  	v11 =	vadd.f32 v13, v45;
	v14 =	vld [tilespmem:s12+$0xFFFFFF60];
	v8 =	vadd.f32 v8, v4  }
0x32e: {  	v10 =	vadd.f32 v10, v2;
	v12 =	vld [tilespmem:s0+$0xFFFFFF20]  }
0x32f: {  	v11 =	vadd.f32 v11, v4;
	v46 =	vld [tilespmem:s2+$0x10];
	[tilespmem:s26+$0xFFFFFFA0] =	vst v8  }
0x330: {  	[tilespmem:s24+$0xFFFFFEE0] =	vst v10;
	v8 =	vadd.f32 v9, v2;
	v9 =	vadd.f32 v44, v43;
	v47 =	vld [tilespmem:s0+$0xFFFFFFB0]  }
0x331: {  	[tilespmem:s26+$0xFFFFFE20] =	vst v11;
	v48 =	vld [tilespmem:s2+$0xA0]  }
0x332: {  	v11 =	vld [tilespmem:s12+$0xFFFFFEF0];
	[tilespmem:s24+$0xFFFFFE60] =	vst v8;
	v8 =	vadd.f32 v9, v4  }
0x333: {  	v50 =	vld [tilespmem:s0+$0xFFFFFE30]  }
0x334: {  	v9 =	vld [tilespmem:s31+$0x50];
	[tilespmem:s26+$0xFFFFFEA0] =	vst v8  }
0x335: {  	v12 =	vadd.f32 v46, v12;
	v49 =	vld [tilespmem:s0+$0xFFFFFEB0]  }
0x336: {  	v10 =	vld [tilespmem:s2+$0xFFFFFFA0];
	v17 =	vadd.f32 v48, v47  }
0x337: {  	v13 =	vld [tilespmem:s12+$0xFFFFFE70];
	v12 =	vadd.f32 v12, v4  }
0x338: {  	v8 =	vld [tilespmem:s31+$0xFFFFFF60];
	v17 =	vadd.f32 v17, v5  }
0x339: {  	[tilespmem:s26+$0xFFFFFF20] =	vst v12;
	v12 =	vld [tilespmem:s2+$0xFFFFFF20]  }
0x33a: {  	v9 =	vadd.f32 v9, v14;
	v14 =	vld [tilespmem:s0+$0xFFFFFF30];
	[tilespmem:s26+$0xFFFFFFB0] =	vst v17  }
0x33b: {  	v10 =	vadd.f32 v10, v49;
	v17 =	vld [tilespmem:s0+$0xFFFFFFC0]  }
0x33c: {  	v9 =	vadd.f32 v9, v2;
	v51 =	vld [tilespmem:s2+$0xB0]  }
0x33d: {  	v52 =	vld [tilespmem:s2+$0x20];
	v8 =	vadd.f32 v8, v13;
	v10 =	vadd.f32 v10, v5  }
0x33e: {  	[tilespmem:s24+$0xFFFFFF60] =	vst v9;
	v9 =	vadd.f32 v12, v50;
	v12 =	vld [tilespmem:s31+$0xFFFFFFE0]  }
0x33f: {  	v8 =	vadd.f32 v8, v1;
	[tilespmem:s26+$0xFFFFFEB0] =	vst v10;
	v10 =	vld [tilespmem:s12+$0xFFFFFF70]  }
0x340: {  	v9 =	vadd.f32 v9, v5;
	v13 =	vld [tilespmem:s0+$0xFFFFFEC0]  }
0x341: {  	[tilespmem:s24+$0xFFFFFE70] =	vst v8;
	v53 =	vld [tilespmem:s2+$0xFFFFFFB0];
	v17 =	vadd.f32 v51, v17  }
0x342: {  	v55 =	vld [tilespmem:s12+$0xFFFFFE80];
	[tilespmem:s26+$0xFFFFFE30] =	vst v9  }
0x343: {  	v14 =	vadd.f32 v52, v14;
	v54 =	vld [tilespmem:s0+$0xFFFFFE40];
	v17 =	vadd.f32 v17, v6  }
0x344: {  	v8 =	vld [tilespmem:s2+$0xFFFFFF30]  }
0x345: {  	v14 =	vadd.f32 v14, v5;
	v9 =	vld [tilespmem:s31+$0x60];
	[tilespmem:s26+$0xFFFFFFC0] =	vst v17  }
0x346: {  	v13 =	vadd.f32 v53, v13;
	v56 =	vld [tilespmem:s0+$0xFFFFFFD0]  }
0x347: {  	[tilespmem:s26+$0xFFFFFF30] =	vst v14;
	v14 =	vld [tilespmem:s2+$0xC0]  }
0x348: {  	v11 =	vadd.f32 v12, v11;
	v57 =	vld [tilespmem:s2+$0x30];
	v12 =	vadd.f32 v13, v6  }
0x349: {  	v8 =	vadd.f32 v8, v54;
	v13 =	vld [tilespmem:s0+$0xFFFFFF40]  }
0x34a: {  	v11 =	vadd.f32 v11, v1;
	[tilespmem:s26+$0xFFFFFEC0] =	vst v12;
	v12 =	vld [tilespmem:s31+$0xFFFFFF70]  }
0x34b: {  	v8 =	vadd.f32 v8, v6;
	v58 =	vld [tilespmem:s0+$0xFFFFFED0]  }
0x34c: {  	[tilespmem:s24+$0xFFFFFEF0] =	vst v11;
	v11 =	vld [tilespmem:s2+$0xFFFFFFC0];
	v14 =	vadd.f32 v14, v56  }
0x34d: {  	[tilespmem:s26+$0xFFFFFE40] =	vst v8;
	v8 =	vld [tilespmem:s12+$0xFFFFFF00]  }
0x34e: {  	v59 =	vld [tilespmem:s0+$0xFFFFFE50];
	v13 =	vadd.f32 v57, v13;
	v14 =	vadd.f32 v14, v7  }
0x34f: {  	v60 =	vld [tilespmem:s2+$0xFFFFFF40]  }
0x350: {  	v9 =	vadd.f32 v9, v10;
	v10 =	vadd.f32 v13, v6;
	v13 =	vld [tilespmem:s31+$0xFFFFFFF0];
	[tilespmem:s26+$0xFFFFFFD0] =	vst v14  }
0x351: {  	v11 =	vadd.f32 v11, v58;
	v14 =	vld [tilespmem:s0+$0xFFFFFFE0]  }
0x352: {  	v15 =	vadd.f32 v42, v15;
	v9 =	vadd.f32 v9, v1;
	[tilespmem:s26+$0xFFFFFF40] =	vst v10;
	v10 =	vld [tilespmem:s2+$0xD0]  }
0x353: {  	v12 =	vadd.f32 v12, v55;
	v11 =	vadd.f32 v11, v7;
	v61 =	vld [tilespmem:s0+$0xFFFFFF50]  }
0x354: {  	[tilespmem:s24+$0xFFFFFF70] =	vst v9;
	v9 =	vadd.f32 v15, v0;
	v15 =	vadd.f32 v60, v59;
	v62 =	vld [tilespmem:s2+$0x40]  }
0x355: {  	v12 =	vadd.f32 v12, v0;
	[tilespmem:s26+$0xFFFFFED0] =	vst v11;
	v13 =	vadd.f32 v13, v8;
	v8 =	vld [tilespmem:s12+$0xFFFFFF80]  }
0x356: {  	[tilespmem:s24+$0x0] =	vst v9;
	v9 =	vadd.f32 v15, v7;
	v11 =	vld [tilespmem:s0+$0xFFFFFEE0]  }
0x357: {  	[tilespmem:s24+$0xFFFFFE80] =	vst v12;
	v12 =	vld [tilespmem:s2+$0xFFFFFFD0];
	v15 =	vadd.f32 v10, v14;
	v63 =	vadd.f32 v13, v0  }
0x358: {  	[tilespmem:s26+$0xFFFFFE50] =	vst v9;
	v9 =	vld [tilespmem:s31+$0x70]  }
0x359: {  	s13 =	simm.s32 $0x95F0;
	s3 =	simm.s32 $0x300;
	s12 =	simm.s32 $0x4;
	v10 =	vld [tilespmem:s0+$0xFFFFFE60];
	v14 =	vadd.f32 v62, v61;
	v13 =	vadd.f32 v15, v2;
	[tilespmem:s24+$0xFFFFFF00] =	vst v63  }
.LBB2_9:
0x35a: {  	v15 =	vld [tilespmem:s13+$0xFFFFFF90];
	s2 =	sadd.s32 $0x200, s2  }
0x35b: {  	v16 =	vld [tilespmem:s2+$0x80];
	v14 =	vadd.f32 v14, v7;
	[tilespmem:s26+$0xFFFFFFE0] =	vst v13  }
0x35c: {  	v11 =	vadd.f32 v12, v11;
	v12 =	vld [tilespmem:s0+$0xFFFFFFF0]  }
0x35d: {  	[tilespmem:s26+$0xFFFFFF50] =	vst v14;
	v13 =	vld [tilespmem:s3+$0xE0];
	v8 =	vadd.f32 v9, v8  }
0x35e: {  	v9 =	vld [tilespmem:s2+$0xFFFFFF00];
	v11 =	vadd.f32 v11, v2  }
0x35f: {  	v14 =	vld [tilespmem:s13+$0xFFFFFE90];
	v8 =	vadd.f32 v8, v0  }
0x360: {  	v17 =	vld [tilespmem:s2+$0xFFFFFF80];
	v15 =	vadd.f32 v16, v15;
	[tilespmem:s26+$0xFFFFFEE0] =	vst v11  }
0x361: {  	v11 =	vld [tilespmem:s13+$0xFFFFFF10];
	[tilespmem:s24+$0xFFFFFF80] =	vst v8;
	s24 =	smov.u32 s26  }
0x362: {  	s12 =	sadd.s32 $0x4, s12;
	v8 =	vld [tilespmem:s2+$0x0];
	v15 =	vadd.f32 v15, v3;
	v12 =	vadd.f32 v13, v12  }
0x363: {  	p1 =	slt.u32 s12, $0x3C;
	s26 =	sadd.s32 $0x200, s26;
	v13 =	vld [tilespmem:s13+$0xFFFFFE10]  }
0x364: {  	[tilespmem:s26+$0xFFFFFF90] =	vst v15;
	v15 =	vld [tilespmem:s3+$0xFFFFFF50];
	v12 =	vadd.f32 v12, v1  }
0x365: {  	v14 =	vadd.f32 v17, v14;
	v16 =	vld [tilespmem:s13+$0xFFFFFFA0]  }
0x366: {  	v17 =	vld [tilespmem:s2+$0x90];
	[tilespmem:s24+$0xFFFFFFF0] =	vst v12  }
0x367: {  	v12 =	vadd.f32 v14, v3;
	v8 =	vadd.f32 v8, v11;
	v11 =	vld [tilespmem:s0+$0x0]  }
0x368: {  	v9 =	vadd.f32 v9, v13;
	v13 =	vld [tilespmem:s3+$0xF0]  }
0x369: {  	[tilespmem:s26+$0xFFFFFE90] =	vst v12;
	v8 =	vadd.f32 v8, v3;
	v10 =	vadd.f32 v15, v10;
	v12 =	vld [tilespmem:s0+$0xFFFFFF60]  }
0x36a: {  	v9 =	vadd.f32 v9, v3;
	v14 =	vld [tilespmem:s13+$0xFFFFFEA0]  }
0x36b: {  	v15 =	vld [tilespmem:s2+$0xFFFFFF90];
	[tilespmem:s26+$0xFFFFFF10] =	vst v8;
	v8 =	vadd.f32 v17, v16;
	v10 =	vadd.f32 v10, v2  }
0x36c: {  	[tilespmem:s26+$0xFFFFFE10] =	vst v9;
	v9 =	vld [tilespmem:s13+$0xFFFFFF20]  }
0x36d: {  	v16 =	vld [tilespmem:s13+$0xFFFFFE20];
	v8 =	vadd.f32 v8, v4;
	[tilespmem:s24+$0xFFFFFE60] =	vst v10;
	v10 =	vadd.f32 v13, v11  }
0x36e: {  	v11 =	vld [tilespmem:s2+$0xFFFFFF10]  }
0x36f: {  	v13 =	vld [tilespmem:s2+$0x10];
	[tilespmem:s26+$0xFFFFFFA0] =	vst v8;
	v8 =	vadd.f32 v10, v0  }
0x370: {  	v10 =	vadd.f32 v15, v14;
	v14 =	vld [tilespmem:s13+$0xFFFFFFB0]  }
0x371: {  	v15 =	vld [tilespmem:s2+$0xA0];
	[tilespmem:s24+$0x0] =	vst v8  }
0x372: {  	v8 =	vadd.f32 v10, v4;
	v10 =	vld [tilespmem:s3+$0x50]  }
0x373: {  	v11 =	vadd.f32 v11, v16;
	v16 =	vld [tilespmem:s0+$0xFFFFFE70]  }
0x374: {  	[tilespmem:s26+$0xFFFFFEA0] =	vst v8;
	v8 =	vadd.f32 v13, v9;
	v9 =	vld [tilespmem:s3+$0xFFFFFF60]  }
0x375: {  	v11 =	vadd.f32 v11, v4;
	v13 =	vld [tilespmem:s13+$0xFFFFFEB0]  }
0x376: {  	v17 =	vld [tilespmem:s2+$0xFFFFFFA0];
	v8 =	vadd.f32 v8, v4;
	v14 =	vadd.f32 v15, v14  }
0x377: {  	[tilespmem:s26+$0xFFFFFE20] =	vst v11;
	v11 =	vld [tilespmem:s0+$0xFFFFFEF0];
	v10 =	vadd.f32 v10, v12  }
0x378: {  	v12 =	vld [tilespmem:s13+$0xFFFFFE30];
	[tilespmem:s26+$0xFFFFFF20] =	vst v8;
	v8 =	vadd.f32 v14, v5  }
0x379: {  	v14 =	vld [tilespmem:s2+$0xFFFFFF20];
	v9 =	vadd.f32 v9, v16;
	v10 =	vadd.f32 v10, v2  }
0x37a: {  	v15 =	vld [tilespmem:s13+$0xFFFFFF30];
	[tilespmem:s26+$0xFFFFFFB0] =	vst v8  }
0x37b: {  	v8 =	vadd.f32 v17, v13;
	v13 =	vld [tilespmem:s13+$0xFFFFFFC0];
	v9 =	vadd.f32 v9, v1;
	[tilespmem:s24+$0xFFFFFF60] =	vst v10  }
0x37c: {  	v10 =	vld [tilespmem:s2+$0xB0]  }
0x37d: {  	v8 =	vadd.f32 v8, v5;
	v16 =	vld [tilespmem:s2+$0x20];
	[tilespmem:s24+$0xFFFFFE70] =	vst v9  }
0x37e: {  	v9 =	vadd.f32 v14, v12;
	v12 =	vld [tilespmem:s3+$0xFFFFFFE0]  }
0x37f: {  	[tilespmem:s26+$0xFFFFFEB0] =	vst v8;
	v8 =	vld [tilespmem:s0+$0xFFFFFF70]  }
0x380: {  	v9 =	vadd.f32 v9, v5;
	v14 =	vld [tilespmem:s13+$0xFFFFFEC0]  }
0x381: {  	v17 =	vld [tilespmem:s2+$0xFFFFFFB0];
	v10 =	vadd.f32 v10, v13  }
0x382: {  	[tilespmem:s26+$0xFFFFFE30] =	vst v9;
	v9 =	vadd.f32 v16, v15;
	v13 =	vld [tilespmem:s3+$0x60]  }
0x383: {  	v15 =	vld [tilespmem:s13+$0xFFFFFE40];
	v10 =	vadd.f32 v10, v6;
	v11 =	vadd.f32 v12, v11  }
0x384: {  	v12 =	vld [tilespmem:s2+$0xFFFFFF30];
	v9 =	vadd.f32 v9, v5  }
0x385: {  	[tilespmem:s26+$0xFFFFFFC0] =	vst v10;
	v10 =	vld [tilespmem:s0+$0xFFFFFE80];
	v11 =	vadd.f32 v11, v1  }
0x386: {  	v14 =	vadd.f32 v17, v14;
	[tilespmem:s26+$0xFFFFFF30] =	vst v9;
	v9 =	vld [tilespmem:s13+$0xFFFFFFD0]  }
0x387: {  	v16 =	vld [tilespmem:s2+$0xC0];
	[tilespmem:s24+$0xFFFFFEF0] =	vst v11;
	v8 =	vadd.f32 v13, v8  }
0x388: {  	v11 =	vadd.f32 v14, v6;
	v13 =	vld [tilespmem:s13+$0xFFFFFF40]  }
0x389: {  	v12 =	vadd.f32 v12, v15;
	v14 =	vld [tilespmem:s2+$0x30];
	v8 =	vadd.f32 v8, v1  }
0x38a: {  	[tilespmem:s26+$0xFFFFFEC0] =	vst v11;
	v11 =	vld [tilespmem:s3+$0xFFFFFF70]  }
0x38b: {  	v12 =	vadd.f32 v12, v6;
	v15 =	vld [tilespmem:s13+$0xFFFFFED0];
	[tilespmem:s24+$0xFFFFFF70] =	vst v8  }
0x38c: {  	v8 =	vld [tilespmem:s2+$0xFFFFFFC0];
	v9 =	vadd.f32 v16, v9  }
0x38d: {  	[tilespmem:s26+$0xFFFFFE40] =	vst v12;
	v12 =	vld [tilespmem:s0+$0xFFFFFF00]  }
0x38e: {  	v16 =	vld [tilespmem:s13+$0xFFFFFE50];
	v13 =	vadd.f32 v14, v13;
	v9 =	vadd.f32 v9, v7  }
0x38f: {  	v14 =	vld [tilespmem:s2+$0xFFFFFF40];
	v10 =	vadd.f32 v11, v10  }
0x390: {  	v11 =	vadd.f32 v13, v6;
	[tilespmem:s26+$0xFFFFFFD0] =	vst v9;
	v9 =	vld [tilespmem:s3+$0xFFFFFFF0]  }
0x391: {  	v8 =	vadd.f32 v8, v15;
	v13 =	vld [tilespmem:s13+$0xFFFFFFE0];
	v10 =	vadd.f32 v10, v0  }
0x392: {  	[tilespmem:s26+$0xFFFFFF40] =	vst v11;
	v15 =	vld [tilespmem:s2+$0xD0]  }
0x393: {  	v8 =	vadd.f32 v8, v7;
	v17 =	vld [tilespmem:s13+$0xFFFFFF50];
	[tilespmem:s24+$0xFFFFFE80] =	vst v10  }
0x394: {  	v10 =	vadd.f32 v14, v16;
	v14 =	vld [tilespmem:s2+$0x40]  }
.Ltmp3:
0x395: {  	[tilespmem:s26+$0xFFFFFED0] =	vst v8;
	v9 =	vadd.f32 v9, v12;
	v8 =	vld [tilespmem:s0+$0xFFFFFF80];
	s0 =	smov.u32 s13;
	(pc) =	sbr.rel @p1 .LBB2_9-.Ltmp3, $4  }
0x396: {  	v10 =	vadd.f32 v10, v7;
	v11 =	vld [tilespmem:s13+$0xFFFFFEE0]  }
0x397: {  	v12 =	vld [tilespmem:s2+$0xFFFFFFD0];
	v13 =	vadd.f32 v15, v13;
	v15 =	vadd.f32 v9, v0  }
0x398: {  	[tilespmem:s26+$0xFFFFFE50] =	vst v10;
	v9 =	vld [tilespmem:s3+$0x70];
	s3 =	smov.u32 s2  }
0x399: {  	s13 =	sadd.s32 $0x200, s13;
	v10 =	vld [tilespmem:s0+$0xFFFFFE60];
	v14 =	vadd.f32 v14, v17;
	v13 =	vadd.f32 v13, v2;
	[tilespmem:s24+$0xFFFFFF00] =	vst v15  }
0x39a: {  	_ = 	snop  }
0x39b: {  	v3 =	vadd.f32 v14, v7;
	_ =	sdelay $0x1  }
0x39c: {  	v4 =	vld [tilespmem:s3+$0xFFFFFF50];
	[tilespmem:s26+$0xFFFFFF50] =	vst v3  }
0x39d: {  	v3 =	vld [tilespmem:s0+$0xFFFFFF60]  }
0x39e: {  	v5 =	vld [tilespmem:s3+$0x50]  }
0x39f: {  	v6 =	vadd.f32 v12, v11;
	_ =	sdelay $0x1  }
0x3a0: {  	[tilespmem:s26+$0xFFFFFFE0] =	vst v13;
	v6 =	vadd.f32 v6, v2;
	v4 =	vadd.f32 v4, v10  }
0x3a1: {  	v43 =	vld [tilespmem:s0+$0xFFFFFFF0]  }
0x3a2: {  	v44 =	vld [tilespmem:s3+$0xE0];
	[tilespmem:s26+$0xFFFFFEE0] =	vst v6;
	v4 =	vadd.f32 v4, v2;
	v3 =	vadd.f32 v5, v3  }
0x3a3: {  	v47 =	vld [tilespmem:s0+$0xFFFFFEF0]  }
0x3a4: {  	v48 =	vld [tilespmem:s3+$0xFFFFFFE0];
	[tilespmem:s26+$0xFFFFFE60] =	vst v4;
	v46 =	vadd.f32 v3, v2  }
0x3a5: {  	v4 =	vld [tilespmem:s0+$0xFFFFFE70]  }
0x3a6: {  	v45 =	vld [tilespmem:s3+$0xFFFFFF60];
	[tilespmem:s26+$0xFFFFFF60] =	vst v46  }
0x3a7: {  	v49 =	vld [tilespmem:s0+$0xFFFFFF70]  }
0x3a8: {  	v50 =	vld [tilespmem:s3+$0x60]  }
0x3a9: {  	v7 =	vadd.f32 v44, v43;
	_ =	sdelay $0x1  }
0x3aa: {  	v7 =	vadd.f32 v7, v1;
	v2 =	vadd.f32 v48, v47  }
0x3ab: {  	v4 =	vadd.f32 v45, v4  }
0x3ac: {  	[tilespmem:s26+$0xFFFFFFF0] =	vst v7;
	v2 =	vadd.f32 v2, v1;
	v52 =	vadd.f32 v50, v49  }
0x3ad: {  	v53 =	vld [tilespmem:s0+$0x0];
	v51 =	vadd.f32 v4, v1  }
0x3ae: {  	v54 =	vld [tilespmem:s3+$0xF0];
	[tilespmem:s26+$0xFFFFFEF0] =	vst v2;
	v55 =	vadd.f32 v52, v1  }
0x3af: {  	s2 =	sadd.s32 @!p0 $0x3, s23;
	v56 =	vld [tilespmem:s0+$0xFFFFFF00];
	[tilespmem:s26+$0xFFFFFE70] =	vst v51  }
0x3b0: {  	s12 =	sshrl.u32 @!p0 s2, $0x2;
	v3 =	vld [tilespmem:s0+$0xFFFFFE80];
	[tilespmem:s26+$0xFFFFFF70] =	vst v55  }
0x3b1: {  	v57 =	vld [tilespmem:s0+$0xFFFFFF80];
	s0 =	sand.u32 @!p0 $0x3E, s12  }
0x3b2: {  	v59 =	vld [tilespmem:s3+$0xFFFFFFF0];
	s12 =	sand.u32 @!p0 $0xE, s12;
	s0 =	sadd.s32 @!p0 s6, s0  }
0x3b3: {  	v58 =	vld [tilespmem:s3+$0xFFFFFF70];
	p2 =	sne.s32 @!p0 s12, $0x0;
	p1 =	seq.s32 @!p0 s0, $0x0  }
0x3b4: {  	v60 =	vld [tilespmem:s3+$0x70];
	p1 =	por @!p0 !p2, !p1  }
0x3b5: {  	v8 =	vadd.f32 v9, v8;
	p1 =	por @!p0 !p1, !p1  }
0x3b6: {  	v5 =	vadd.f32 v54, v53;
	s3 =	simm.s32 @!p0 $0x1;
	p1 =	por !p1, p0  }
0x3b7: {  	v61 =	vadd.f32 v8, v0;
	v1 =	vadd.f32 v59, v56;
	s0 =	sshrl.u32 @!p0 s0, $0x4;
	s3 =	simm.s32 @p1 $0x0  }
0x3b8: {  	s2 =	sshll.u32 @!p0 s2, $0x17;
	v62 =	vadd.f32 v5, v0;
	v3 =	vadd.f32 v58, v3;
	s0 =	ssub.s32 @!p0 s0, s3  }
0x3b9: {  	s2 =	sand.u32 @!p0 $0x3800000, s2;
	[tilespmem:s24+$0xFFFFFF80] =	vst v61;
	v1 =	vadd.f32 v1, v0;
	v2 =	vadd.f32 v60, v57;
	s0 =	sshll.u32 @!p0 s0, $0x11  }
0x3ba: {  	[tilespmem:s26+$0x0] =	vst v62;
	v3 =	vadd.f32 v3, v0;
	s0 =	sadd.s32 @!p0 s2, s0;
	s2 =	sshll.u32 @!p0 s12, $0xD  }
0x3bb: {  	[tilespmem:s26+$0xFFFFFF00] =	vst v1;
	v63 =	vadd.f32 v2, v0;
	s0 =	sor.u32 @!p0 s2, s0  }
0x3bc: {  	s22 =	sadd.s32 $0x1, s22;
	[tilespmem:s26+$0xFFFFFE80] =	vst v3;
	s0 =	sshrl.u32 @!p0 s0, $0x3  }
0x3bd: {  	s3 =	simm.s32 @!p0 $0x7000;
	[tilespmem:s26+$0xFFFFFF80] =	vst v63;
	s2 =	simm.s32 @!p0 $0x0;
	s0 =	sadd.s32 @!p0 s1, s0  }
0x3be: {  	[tilespmem:s3], [sflag:$0x2] =	stream.linear.gather @!p0 [hbm4b:s0+s2], $0x4000, $0x38;
	[tilespmem:$0x13000] =	vst v63  }
0x3bf: {  	p0 =	sne.s32 s22, $0x40  }
.Ltmp4:
0x3c0: {  	_ = 	snop;
	(pc) =	sbr.rel @p0 .LBB2_2-.Ltmp4, $4  }
0x3c1: {  	_ = 	snop  }
0x3c2: {  	s31 =	sshrl.u32 s25, $0x3  }
0x3c3: {  	s0 =	sadd.s32 s4, s31  }
0x3c4: {  	[hbm4b:s0+s5] =	stream.linear.scatter [tilespmem:s18], [sflag:$0x4], $0x4000, $0x38;
	[tilespmem:$0x13000] =	vst v63  }
0x3c5: {  	s21 =	sadd.s32 $0x1, s21  }
0x3c6: {  	_ =	swait.ge [sflag:s19], $0x4000;
	p0 =	sne.s32 s21, s10  }
.Ltmp5:
0x3c7: {  	[sflag:s19] =	ssyncset.done $0x0;
	(pc) =	sbr.rel @p0 .LBB2_1-.Ltmp5, $4  }
0x3c8: {  	[sflag:s19] =	ssyncadd.s32 $0xFFFFC000  }
0x3c9: {  	_ =	swait.ge [sflag:s20], $0x4000  }
0x3ca: {  	[sflag:s20] =	ssyncset.done $0x0  }
0x3cb: {  	[sflag:s20] =	ssyncadd.s32 $0xFFFFC000  }
0x3cc: {  	_ =	sfence.sel $0x180000  }
0x3cd: {  	[bflag:$0x0] =	sbarrier.arrive $0xFFFF  }
0x3ce: {  	_ =	strace $0x90000047  }
0x3cf: {  	s0 =	stileid.u32;
	[bflag:$0x2] =	sbarrier.arrive $0xFFFF  }
0x3d0: {  	p0 =	sne.s32 s0, $0x0;
	s0 =	rddreg [dreg:$0x4]  }
0x3d1: {  	s0 =	sadd.s32 @!p0 $0x100000, s0  }
0x3d2: {  	[sflag:s0] =	ssyncadd.tile.s32 @!p0 $0x1;
	_ =	shalt  }
.Lfunc_end2:
_tile_overlayer_lowered:
.L_overlay_start_2:
0x3d3: {  	(tag) =	ssettag $0x2  }
0x3d4: {  	s0 =	rddreg [dreg:$0x0];
	s2 =	stileid.u32  }
0x3d5: {  	s1 =	rddreg [dreg:$0x1];
	p0 =	sne.s32 s2, $0x0  }
0x3d6: {  	s3 =	rddreg [dreg:$0x2];
	[bflag:$0x3] =	sbarrier.arrive $0xFFFF;
	s2 =	simm.s32 @!p0 $0x1C05  }
0x3d7: {  	[timem:s3], [sflag:s2] =	dma.local @!p0 [hbm:s0], s1  }
0x3d8: {  	s0 =	simm.s32 @!p0 $0x5  }
0x3d9: {  	_ =	swait.ge @!p0 [sflag:s0], s1  }
0x3da: {  	s1 =	ssub.s32 @!p0 $0x0, s1;
	[sflag:s0] =	ssyncset.done @!p0 $0x0  }
0x3db: {  	[sflag:s0] =	ssyncadd.s32 @!p0 s1  }
0x3dc: {  	[bflag:$0x3] =	sbarrier.arrive $0xFFFF  }
0x3dd: {  	_ =	shalt  }

</sc_bundles>
